<compile_context>
chip_gen: v7x
topology: tpu7x:2x2x1
jax: 0.10.2.dev20260603
libtpu: 0.0.44.dev20260713+nightly
codegen_flags: <defaults>
</compile_context>

<pallas_src>
import functools

import jax
import jax.numpy as jnp
from jax import lax
from jax.experimental import pallas as pl
from jax.experimental.pallas import tpu as pltpu
from jax.experimental.pallas import tpu_sc as plsc

S = 10000
N = 320000
D = 128
NC = 1
NW = 16 * NC
ROWS_PER_W = N // NW
B = 40
NBLK = ROWS_PER_W // B
NSLOT = 5
HALF = NSLOT // 2
NOUT = NBLK // NSLOT
SP = 10240
S_PER_TILE = SP // 16
ZCH = S_PER_TILE // B


def _sc_body(node, batch, zrow, onerow, acc_o, *refs):
    idxs = refs[0:NSLOT]
    bufs = refs[NSLOT:2 * NSLOT]
    obuf = refs[2 * NSLOT]
    acc_sh = refs[2 * NSLOT + 1]
    gsem = refs[2 * NSLOT + 2:2 * NSLOT + 2 + NSLOT]
    ssem = refs[2 * NSLOT + 2 + NSLOT:2 * NSLOT + 2 + 2 * NSLOT]

    c = lax.axis_index("c")
    s = lax.axis_index("s")
    row0 = (s * NC + c) * ROWS_PER_W

    def idx_at(k):
        return batch.at[pl.ds(row0 + k * B, B)]

    def rows_at(k):
        return node.at[pl.ds(row0 + k * B, B), :]

    pltpu.sync_copy(zrow, bufs[0])
    pltpu.sync_copy(onerow, obuf)
    for j in range(ZCH):
        pltpu.sync_copy(bufs[0], acc_sh.at[pl.ds(s * S_PER_TILE + j * B, B), :])
    plsc.subcore_barrier()

    for t in range(HALF):
        pltpu.async_copy(idx_at(t), idxs[t], gsem[t])
        pltpu.async_copy(rows_at(t), bufs[t], gsem[t])

    def blk(g, carry):
        k0 = g * NSLOT
        for t in range(HALF, NSLOT):
            @pl.when(g > 0)
            def _(t=t):
                pltpu.make_async_copy(bufs[t], acc_sh.at[idxs[t]],
                                      ssem[t]).wait()
            pltpu.async_copy(idx_at(k0 + t), idxs[t], gsem[t])
            pltpu.async_copy(rows_at(k0 + t), bufs[t], gsem[t])
        for t in range(HALF):
            pltpu.make_async_copy(idx_at(k0 + t), idxs[t], gsem[t]).wait()
            pltpu.make_async_copy(rows_at(k0 + t), bufs[t], gsem[t]).wait()
            pltpu.async_copy(bufs[t], acc_sh.at[idxs[t]], ssem[t], add=True)
        for t in range(HALF, NSLOT):
            pltpu.make_async_copy(idx_at(k0 + t), idxs[t], gsem[t]).wait()
            pltpu.make_async_copy(rows_at(k0 + t), bufs[t], gsem[t]).wait()
            pltpu.async_copy(bufs[t], acc_sh.at[idxs[t]], ssem[t], add=True)
        for t in range(HALF):
            @pl.when(g < NOUT - 1)
            def _(t=t):
                pltpu.make_async_copy(bufs[t], acc_sh.at[idxs[t]],
                                      ssem[t]).wait()
                pltpu.async_copy(idx_at(k0 + NSLOT + t), idxs[t], gsem[t])
                pltpu.async_copy(rows_at(k0 + NSLOT + t), bufs[t], gsem[t])
        return carry

    lax.fori_loop(0, NOUT, blk, 0)
    for t in range(HALF):
        pltpu.make_async_copy(bufs[t], acc_sh.at[idxs[t]], ssem[t]).wait()
    for t in range(HALF, NSLOT):
        pltpu.make_async_copy(bufs[t], acc_sh.at[idxs[t]], ssem[t]).wait()
    plsc.subcore_barrier()

    pltpu.sync_copy(zrow, bufs[1])
    for j in range(ZCH):
        base = s * S_PER_TILE + j * B
        pltpu.sync_copy(acc_sh.at[pl.ds(base, B), :], bufs[0])
        pltpu.sync_copy(bufs[0], acc_o.at[c, 0, pl.ds(base, B), :])
        pltpu.sync_copy(bufs[1], acc_sh.at[pl.ds(base, B), :])
    plsc.subcore_barrier()

    for t in range(HALF):
        pltpu.async_copy(idx_at(t), idxs[t], gsem[t])

    def cblk(g, carry):
        k0 = g * NSLOT
        for t in range(HALF, NSLOT):
            @pl.when(g > 0)
            def _(t=t):
                pltpu.make_async_copy(obuf, acc_sh.at[idxs[t]],
                                      ssem[t]).wait()
            pltpu.async_copy(idx_at(k0 + t), idxs[t], gsem[t])
        for t in range(HALF):
            pltpu.make_async_copy(idx_at(k0 + t), idxs[t], gsem[t]).wait()
            pltpu.async_copy(obuf, acc_sh.at[idxs[t]], ssem[t], add=True)
        for t in range(HALF, NSLOT):
            pltpu.make_async_copy(idx_at(k0 + t), idxs[t], gsem[t]).wait()
            pltpu.async_copy(obuf, acc_sh.at[idxs[t]], ssem[t], add=True)
        for t in range(HALF):
            @pl.when(g < NOUT - 1)
            def _(t=t):
                pltpu.make_async_copy(obuf, acc_sh.at[idxs[t]],
                                      ssem[t]).wait()
                pltpu.async_copy(idx_at(k0 + NSLOT + t), idxs[t], gsem[t])
        return carry

    lax.fori_loop(0, NOUT, cblk, 0)
    for t in range(HALF):
        pltpu.make_async_copy(obuf, acc_sh.at[idxs[t]], ssem[t]).wait()
    for t in range(HALF, NSLOT):
        pltpu.make_async_copy(obuf, acc_sh.at[idxs[t]], ssem[t]).wait()
    plsc.subcore_barrier()
    for j in range(ZCH):
        base = s * S_PER_TILE + j * B
        pltpu.sync_copy(acc_sh.at[pl.ds(base, B), :], bufs[0])
        pltpu.sync_copy(bufs[0], acc_o.at[c, 1, pl.ds(base, B), :])


_sc_accumulate = functools.partial(
    pl.kernel,
    out_type=jax.ShapeDtypeStruct((NC, 2, SP, D), jnp.float32),
    mesh=plsc.VectorSubcoreMesh(core_axis_name="c", subcore_axis_name="s",
                                num_cores=NC),
    scratch_types=(
        [pltpu.VMEM((B,), jnp.int32) for _ in range(NSLOT)]
        + [pltpu.VMEM((B, D), jnp.float32) for _ in range(NSLOT)]
        + [pltpu.VMEM((B, D), jnp.float32)]
        + [pltpu.VMEM_SHARED((SP, D), jnp.float32)]
        + [pltpu.SemaphoreType.DMA for _ in range(2 * NSLOT)]
    ),
)(_sc_body)


def _combine_body(pa_ref, o_ref):
    sm = pa_ref[0, 0]
    cn = pa_ref[0, 1, :, 0:1]
    for k in range(1, NC):
        sm = sm + pa_ref[k, 0]
        cn = cn + pa_ref[k, 1, :, 0:1]
    o_ref[...] = sm / jnp.maximum(cn, 1.0)


def _combine(pacc):
    blk = 1000
    return pl.pallas_call(
        _combine_body,
        grid=(S // blk,),
        in_specs=[pl.BlockSpec((NC, 2, blk, D), lambda i: (0, 0, i, 0))],
        out_specs=pl.BlockSpec((blk, D), lambda i: (i, 0)),
        out_shape=jax.ShapeDtypeStruct((S, D), jnp.float32),
    )(pacc)


def kernel(node_ft, batch):
    zrow = jnp.zeros((B, D), jnp.float32)
    onerow = jnp.ones((B, D), jnp.float32)
    pacc = _sc_accumulate(node_ft, batch, zrow, onerow)
    return _combine(pacc)

# --- scband reference (transcript-rebuilt; emitter-appended) ---
"""Pipeline reference for scband-dgi-60670708023668 (READ-ONLY COPY).

The authoritative reference and input builder live on the scoring server;
editing this copy changes nothing except your own understanding.
"""

import jax, jax.numpy as jnp
import numpy as np

NUM_SEGMENTS = 10000
N_ROWS = 320000
D_FEAT = 128

def setup_inputs(seed: int = 0) -> dict:
    key = jax.random.key(seed)
    k1, k2 = jax.random.split(key)
    node_ft = jax.random.normal(k1, (N_ROWS, D_FEAT), dtype=jnp.float32)
    batch = jnp.sort(jax.random.randint(k2, (N_ROWS,), 0, NUM_SEGMENTS, dtype=jnp.int32))
    return {"node_ft": node_ft, "batch": batch}

def reference(node_ft, batch):
    # global_mean_pool: segment mean of node features by graph id
    sums = jax.ops.segment_sum(node_ft, batch, num_segments=NUM_SEGMENTS)
    counts = jax.ops.segment_sum(jnp.ones((node_ft.shape[0],), dtype=node_ft.dtype), batch, num_segments=NUM_SEGMENTS)
    counts = jnp.clip(counts, 1.0, None)
    return sums / counts[:, None]

if __name__ == "__main__":
    import jax
    _d = setup_inputs()
    print(jax.jit(kernel)(*tuple(_d.values())))

</pallas_src>

<mosaic_0001>
#map = affine_map<(d0, d1) -> (0, 0)>
#map1 = affine_map<(d0, d1) -> (0)>
#map2 = affine_map<(d0, d1) -> (0, 0, 0, 0)>
module attributes {stable_mosaic.version = 14 : i64} {
  func.func @_sc_body(%arg0: i32, %arg1: i32, %arg2: memref<320000x128xf32, #tpu.memory_space<hbm>>, %arg3: memref<320000xi32, #tpu.memory_space<hbm>>, %arg4: memref<40x128xf32, #tpu.memory_space<hbm>>, %arg5: memref<40x128xf32, #tpu.memory_space<hbm>>, %arg6: memref<1x2x10240x128xf32, #tpu.memory_space<hbm>>, %arg7: memref<40xi32, #tpu.memory_space<vmem>>, %arg8: memref<40xi32, #tpu.memory_space<vmem>>, %arg9: memref<40xi32, #tpu.memory_space<vmem>>, %arg10: memref<40xi32, #tpu.memory_space<vmem>>, %arg11: memref<40xi32, #tpu.memory_space<vmem>>, %arg12: memref<40x128xf32, #tpu.memory_space<vmem>>, %arg13: memref<40x128xf32, #tpu.memory_space<vmem>>, %arg14: memref<40x128xf32, #tpu.memory_space<vmem>>, %arg15: memref<40x128xf32, #tpu.memory_space<vmem>>, %arg16: memref<40x128xf32, #tpu.memory_space<vmem>>, %arg17: memref<40x128xf32, #tpu.memory_space<vmem>>, %arg18: memref<10240x128xf32, #tpu.memory_space<vmem_shared>>, %arg19: memref<!tpu.dma_semaphore, #tpu.memory_space<semaphore_mem>>, %arg20: memref<!tpu.dma_semaphore, #tpu.memory_space<semaphore_mem>>, %arg21: memref<!tpu.dma_semaphore, #tpu.memory_space<semaphore_mem>>, %arg22: memref<!tpu.dma_semaphore, #tpu.memory_space<semaphore_mem>>, %arg23: memref<!tpu.dma_semaphore, #tpu.memory_space<semaphore_mem>>, %arg24: memref<!tpu.dma_semaphore, #tpu.memory_space<semaphore_mem>>, %arg25: memref<!tpu.dma_semaphore, #tpu.memory_space<semaphore_mem>>, %arg26: memref<!tpu.dma_semaphore, #tpu.memory_space<semaphore_mem>>, %arg27: memref<!tpu.dma_semaphore, #tpu.memory_space<semaphore_mem>>, %arg28: memref<!tpu.dma_semaphore, #tpu.memory_space<semaphore_mem>>) attributes {dimension_semantics = [#tpu.dimension_semantics<core_parallel>, #tpu.dimension_semantics<subcore_parallel>], iteration_bounds = array<i64: 1, 16>, scalar_prefetch = 0 : i64, scratch_operands = 22 : i64, tpu.core_type = #tpu.core_type<sc_vector_subcore>, window_params = [{transform_indices = #map}, {transform_indices = #map1}, {transform_indices = #map}, {transform_indices = #map}, {transform_indices = #map2}]} {
    %mul3A = arith.constant 1 : i32
    %mul3A_0 = arith.muli %arg1, %mul3A : i32
    %add3A = arith.addi %mul3A_0, %arg0 : i32
    %mul3A_1 = arith.constant 20000 : i32
    %mul3A_2 = arith.muli %add3A, %mul3A_1 : i32
    "tpu.region"() ({
      %run_scoped3A_296 = tpu.sem_alloc : memref<!tpu.dma_semaphore, #tpu.memory_space<semaphore_mem>>
      tpu.enqueue_dma source(%arg4 : memref<40x128xf32, #tpu.memory_space<hbm>>) target(%arg12 : memref<40x128xf32, #tpu.memory_space<vmem>>) target_semaphore(%run_scoped3A_296 : memref<!tpu.dma_semaphore, #tpu.memory_space<semaphore_mem>>)
      tpu.wait_dma2 semaphore(%run_scoped3A_296 : memref<!tpu.dma_semaphore, #tpu.memory_space<semaphore_mem>>) src(%arg4 : memref<40x128xf32, #tpu.memory_space<hbm>>) dst(%arg12 : memref<40x128xf32, #tpu.memory_space<vmem>>)
      tpu.yield
    }) : () -> ()
    "tpu.region"() ({
      %run_scoped3A_296 = tpu.sem_alloc : memref<!tpu.dma_semaphore, #tpu.memory_space<semaphore_mem>>
      tpu.enqueue_dma source(%arg5 : memref<40x128xf32, #tpu.memory_space<hbm>>) target(%arg17 : memref<40x128xf32, #tpu.memory_space<vmem>>) target_semaphore(%run_scoped3A_296 : memref<!tpu.dma_semaphore, #tpu.memory_space<semaphore_mem>>)
      tpu.wait_dma2 semaphore(%run_scoped3A_296 : memref<!tpu.dma_semaphore, #tpu.memory_space<semaphore_mem>>) src(%arg5 : memref<40x128xf32, #tpu.memory_space<hbm>>) dst(%arg17 : memref<40x128xf32, #tpu.memory_space<vmem>>)
      tpu.yield
    }) : () -> ()
    %mul3A_3 = arith.constant 640 : i32
    %mul3A_4 = arith.muli %arg1, %mul3A_3 : i32
    %add3A_5 = arith.constant 0 : i32
    %add3A_6 = arith.addi %mul3A_4, %add3A_5 : i32
    "tpu.region"() ({
      %run_scoped3A_296 = tpu.sem_alloc : memref<!tpu.dma_semaphore, #tpu.memory_space<semaphore_mem>>
      %dma_start3A_297 = arith.constant 0 : i32
      %dma_start3A_298 = tpu.memref_slice %arg18[%add3A_6, %dma_start3A_297] : memref<10240x128xf32, #tpu.memory_space<vmem_shared>> -> memref<40x128xf32, #tpu.memory_space<vmem_shared>>
      %dma_start3A_299 = arith.constant 0 : i32
      %dma_start3A_300 = tpu.memref_slice %arg18[%add3A_6, %dma_start3A_299] : memref<10240x128xf32, #tpu.memory_space<vmem_shared>> -> memref<40x128xf32, #tpu.memory_space<vmem_shared>>
      tpu.enqueue_dma source(%arg12 : memref<40x128xf32, #tpu.memory_space<vmem>>) target(%dma_start3A_300 : memref<40x128xf32, #tpu.memory_space<vmem_shared>>) target_semaphore(%run_scoped3A_296 : memref<!tpu.dma_semaphore, #tpu.memory_space<semaphore_mem>>)
      %dma_wait3A_301 = arith.constant 0 : i32
      %dma_wait3A_302 = tpu.memref_slice %arg18[%add3A_6, %dma_wait3A_301] : memref<10240x128xf32, #tpu.memory_space<vmem_shared>> -> memref<40x128xf32, #tpu.memory_space<vmem_shared>>
      %dma_wait3A_303 = arith.constant 0 : i32
      %dma_wait3A_304 = tpu.memref_slice %arg18[%add3A_6, %dma_wait3A_303] : memref<10240x128xf32, #tpu.memory_space<vmem_shared>> -> memref<40x128xf32, #tpu.memory_space<vmem_shared>>
      tpu.wait_dma2 semaphore(%run_scoped3A_296 : memref<!tpu.dma_semaphore, #tpu.memory_space<semaphore_mem>>) src(%arg12 : memref<40x128xf32, #tpu.memory_space<vmem>>) dst(%dma_wait3A_304 : memref<40x128xf32, #tpu.memory_space<vmem_shared>>)
      tpu.yield
    }) : () -> ()
    %mul3A_7 = arith.constant 640 : i32
    %mul3A_8 = arith.muli %arg1, %mul3A_7 : i32
    %add3A_9 = arith.constant 40 : i32
    %add3A_10 = arith.addi %mul3A_8, %add3A_9 : i32
    "tpu.region"() ({
      %run_scoped3A_296 = tpu.sem_alloc : memref<!tpu.dma_semaphore, #tpu.memory_space<semaphore_mem>>
      %dma_start3A_297 = arith.constant 0 : i32
      %dma_start3A_298 = tpu.memref_slice %arg18[%add3A_10, %dma_start3A_297] : memref<10240x128xf32, #tpu.memory_space<vmem_shared>> -> memref<40x128xf32, #tpu.memory_space<vmem_shared>>
      %dma_start3A_299 = arith.constant 0 : i32
      %dma_start3A_300 = tpu.memref_slice %arg18[%add3A_10, %dma_start3A_299] : memref<10240x128xf32, #tpu.memory_space<vmem_shared>> -> memref<40x128xf32, #tpu.memory_space<vmem_shared>>
      tpu.enqueue_dma source(%arg12 : memref<40x128xf32, #tpu.memory_space<vmem>>) target(%dma_start3A_300 : memref<40x128xf32, #tpu.memory_space<vmem_shared>>) target_semaphore(%run_scoped3A_296 : memref<!tpu.dma_semaphore, #tpu.memory_space<semaphore_mem>>)
      %dma_wait3A_301 = arith.constant 0 : i32
      %dma_wait3A_302 = tpu.memref_slice %arg18[%add3A_10, %dma_wait3A_301] : memref<10240x128xf32, #tpu.memory_space<vmem_shared>> -> memref<40x128xf32, #tpu.memory_space<vmem_shared>>
      %dma_wait3A_303 = arith.constant 0 : i32
      %dma_wait3A_304 = tpu.memref_slice %arg18[%add3A_10, %dma_wait3A_303] : memref<10240x128xf32, #tpu.memory_space<vmem_shared>> -> memref<40x128xf32, #tpu.memory_space<vmem_shared>>
      tpu.wait_dma2 semaphore(%run_scoped3A_296 : memref<!tpu.dma_semaphore, #tpu.memory_space<semaphore_mem>>) src(%arg12 : memref<40x128xf32, #tpu.memory_space<vmem>>) dst(%dma_wait3A_304 : memref<40x128xf32, #tpu.memory_space<vmem_shared>>)
      tpu.yield
    }) : () -> ()
    %mul3A_11 = arith.constant 640 : i32
    %mul3A_12 = arith.muli %arg1, %mul3A_11 : i32
    %add3A_13 = arith.constant 80 : i32
    %add3A_14 = arith.addi %mul3A_12, %add3A_13 : i32
    "tpu.region"() ({
      %run_scoped3A_296 = tpu.sem_alloc : memref<!tpu.dma_semaphore, #tpu.memory_space<semaphore_mem>>
      %dma_start3A_297 = arith.constant 0 : i32
      %dma_start3A_298 = tpu.memref_slice %arg18[%add3A_14, %dma_start3A_297] : memref<10240x128xf32, #tpu.memory_space<vmem_shared>> -> memref<40x128xf32, #tpu.memory_space<vmem_shared>>
      %dma_start3A_299 = arith.constant 0 : i32
      %dma_start3A_300 = tpu.memref_slice %arg18[%add3A_14, %dma_start3A_299] : memref<10240x128xf32, #tpu.memory_space<vmem_shared>> -> memref<40x128xf32, #tpu.memory_space<vmem_shared>>
      tpu.enqueue_dma source(%arg12 : memref<40x128xf32, #tpu.memory_space<vmem>>) target(%dma_start3A_300 : memref<40x128xf32, #tpu.memory_space<vmem_shared>>) target_semaphore(%run_scoped3A_296 : memref<!tpu.dma_semaphore, #tpu.memory_space<semaphore_mem>>)
      %dma_wait3A_301 = arith.constant 0 : i32
      %dma_wait3A_302 = tpu.memref_slice %arg18[%add3A_14, %dma_wait3A_301] : memref<10240x128xf32, #tpu.memory_space<vmem_shared>> -> memref<40x128xf32, #tpu.memory_space<vmem_shared>>
      %dma_wait3A_303 = arith.constant 0 : i32
      %dma_wait3A_304 = tpu.memref_slice %arg18[%add3A_14, %dma_wait3A_303] : memref<10240x128xf32, #tpu.memory_space<vmem_shared>> -> memref<40x128xf32, #tpu.memory_space<vmem_shared>>
      tpu.wait_dma2 semaphore(%run_scoped3A_296 : memref<!tpu.dma_semaphore, #tpu.memory_space<semaphore_mem>>) src(%arg12 : memref<40x128xf32, #tpu.memory_space<vmem>>) dst(%dma_wait3A_304 : memref<40x128xf32, #tpu.memory_space<vmem_shared>>)
      tpu.yield
    }) : () -> ()
    %mul3A_15 = arith.constant 640 : i32
    %mul3A_16 = arith.muli %arg1, %mul3A_15 : i32
    %add3A_17 = arith.constant 120 : i32
    %add3A_18 = arith.addi %mul3A_16, %add3A_17 : i32
    "tpu.region"() ({
      %run_scoped3A_296 = tpu.sem_alloc : memref<!tpu.dma_semaphore, #tpu.memory_space<semaphore_mem>>
      %dma_start3A_297 = arith.constant 0 : i32
      %dma_start3A_298 = tpu.memref_slice %arg18[%add3A_18, %dma_start3A_297] : memref<10240x128xf32, #tpu.memory_space<vmem_shared>> -> memref<40x128xf32, #tpu.memory_space<vmem_shared>>
      %dma_start3A_299 = arith.constant 0 : i32
      %dma_start3A_300 = tpu.memref_slice %arg18[%add3A_18, %dma_start3A_299] : memref<10240x128xf32, #tpu.memory_space<vmem_shared>> -> memref<40x128xf32, #tpu.memory_space<vmem_shared>>
      tpu.enqueue_dma source(%arg12 : memref<40x128xf32, #tpu.memory_space<vmem>>) target(%dma_start3A_300 : memref<40x128xf32, #tpu.memory_space<vmem_shared>>) target_semaphore(%run_scoped3A_296 : memref<!tpu.dma_semaphore, #tpu.memory_space<semaphore_mem>>)
      %dma_wait3A_301 = arith.constant 0 : i32
      %dma_wait3A_302 = tpu.memref_slice %arg18[%add3A_18, %dma_wait3A_301] : memref<10240x128xf32, #tpu.memory_space<vmem_shared>> -> memref<40x128xf32, #tpu.memory_space<vmem_shared>>
      %dma_wait3A_303 = arith.constant 0 : i32
      %dma_wait3A_304 = tpu.memref_slice %arg18[%add3A_18, %dma_wait3A_303] : memref<10240x128xf32, #tpu.memory_space<vmem_shared>> -> memref<40x128xf32, #tpu.memory_space<vmem_shared>>
      tpu.wait_dma2 semaphore(%run_scoped3A_296 : memref<!tpu.dma_semaphore, #tpu.memory_space<semaphore_mem>>) src(%arg12 : memref<40x128xf32, #tpu.memory_space<vmem>>) dst(%dma_wait3A_304 : memref<40x128xf32, #tpu.memory_space<vmem_shared>>)
      tpu.yield
    }) : () -> ()
    %mul3A_19 = arith.constant 640 : i32
    %mul3A_20 = arith.muli %arg1, %mul3A_19 : i32
    %add3A_21 = arith.constant 160 : i32
    %add3A_22 = arith.addi %mul3A_20, %add3A_21 : i32
    "tpu.region"() ({
      %run_scoped3A_296 = tpu.sem_alloc : memref<!tpu.dma_semaphore, #tpu.memory_space<semaphore_mem>>
      %dma_start3A_297 = arith.constant 0 : i32
      %dma_start3A_298 = tpu.memref_slice %arg18[%add3A_22, %dma_start3A_297] : memref<10240x128xf32, #tpu.memory_space<vmem_shared>> -> memref<40x128xf32, #tpu.memory_space<vmem_shared>>
      %dma_start3A_299 = arith.constant 0 : i32
      %dma_start3A_300 = tpu.memref_slice %arg18[%add3A_22, %dma_start3A_299] : memref<10240x128xf32, #tpu.memory_space<vmem_shared>> -> memref<40x128xf32, #tpu.memory_space<vmem_shared>>
      tpu.enqueue_dma source(%arg12 : memref<40x128xf32, #tpu.memory_space<vmem>>) target(%dma_start3A_300 : memref<40x128xf32, #tpu.memory_space<vmem_shared>>) target_semaphore(%run_scoped3A_296 : memref<!tpu.dma_semaphore, #tpu.memory_space<semaphore_mem>>)
      %dma_wait3A_301 = arith.constant 0 : i32
      %dma_wait3A_302 = tpu.memref_slice %arg18[%add3A_22, %dma_wait3A_301] : memref<10240x128xf32, #tpu.memory_space<vmem_shared>> -> memref<40x128xf32, #tpu.memory_space<vmem_shared>>
      %dma_wait3A_303 = arith.constant 0 : i32
      %dma_wait3A_304 = tpu.memref_slice %arg18[%add3A_22, %dma_wait3A_303] : memref<10240x128xf32, #tpu.memory_space<vmem_shared>> -> memref<40x128xf32, #tpu.memory_space<vmem_shared>>
      tpu.wait_dma2 semaphore(%run_scoped3A_296 : memref<!tpu.dma_semaphore, #tpu.memory_space<semaphore_mem>>) src(%arg12 : memref<40x128xf32, #tpu.memory_space<vmem>>) dst(%dma_wait3A_304 : memref<40x128xf32, #tpu.memory_space<vmem_shared>>)
      tpu.yield
    }) : () -> ()
    %mul3A_23 = arith.constant 640 : i32
    %mul3A_24 = arith.muli %arg1, %mul3A_23 : i32
    %add3A_25 = arith.constant 200 : i32
    %add3A_26 = arith.addi %mul3A_24, %add3A_25 : i32
    "tpu.region"() ({
      %run_scoped3A_296 = tpu.sem_alloc : memref<!tpu.dma_semaphore, #tpu.memory_space<semaphore_mem>>
      %dma_start3A_297 = arith.constant 0 : i32
      %dma_start3A_298 = tpu.memref_slice %arg18[%add3A_26, %dma_start3A_297] : memref<10240x128xf32, #tpu.memory_space<vmem_shared>> -> memref<40x128xf32, #tpu.memory_space<vmem_shared>>
      %dma_start3A_299 = arith.constant 0 : i32
      %dma_start3A_300 = tpu.memref_slice %arg18[%add3A_26, %dma_start3A_299] : memref<10240x128xf32, #tpu.memory_space<vmem_shared>> -> memref<40x128xf32, #tpu.memory_space<vmem_shared>>
      tpu.enqueue_dma source(%arg12 : memref<40x128xf32, #tpu.memory_space<vmem>>) target(%dma_start3A_300 : memref<40x128xf32, #tpu.memory_space<vmem_shared>>) target_semaphore(%run_scoped3A_296 : memref<!tpu.dma_semaphore, #tpu.memory_space<semaphore_mem>>)
      %dma_wait3A_301 = arith.constant 0 : i32
      %dma_wait3A_302 = tpu.memref_slice %arg18[%add3A_26, %dma_wait3A_301] : memref<10240x128xf32, #tpu.memory_space<vmem_shared>> -> memref<40x128xf32, #tpu.memory_space<vmem_shared>>
      %dma_wait3A_303 = arith.constant 0 : i32
      %dma_wait3A_304 = tpu.memref_slice %arg18[%add3A_26, %dma_wait3A_303] : memref<10240x128xf32, #tpu.memory_space<vmem_shared>> -> memref<40x128xf32, #tpu.memory_space<vmem_shared>>
      tpu.wait_dma2 semaphore(%run_scoped3A_296 : memref<!tpu.dma_semaphore, #tpu.memory_space<semaphore_mem>>) src(%arg12 : memref<40x128xf32, #tpu.memory_space<vmem>>) dst(%dma_wait3A_304 : memref<40x128xf32, #tpu.memory_space<vmem_shared>>)
      tpu.yield
    }) : () -> ()
    %mul3A_27 = arith.constant 640 : i32
    %mul3A_28 = arith.muli %arg1, %mul3A_27 : i32
    %add3A_29 = arith.constant 240 : i32
    %add3A_30 = arith.addi %mul3A_28, %add3A_29 : i32
    "tpu.region"() ({
      %run_scoped3A_296 = tpu.sem_alloc : memref<!tpu.dma_semaphore, #tpu.memory_space<semaphore_mem>>
      %dma_start3A_297 = arith.constant 0 : i32
      %dma_start3A_298 = tpu.memref_slice %arg18[%add3A_30, %dma_start3A_297] : memref<10240x128xf32, #tpu.memory_space<vmem_shared>> -> memref<40x128xf32, #tpu.memory_space<vmem_shared>>
      %dma_start3A_299 = arith.constant 0 : i32
      %dma_start3A_300 = tpu.memref_slice %arg18[%add3A_30, %dma_start3A_299] : memref<10240x128xf32, #tpu.memory_space<vmem_shared>> -> memref<40x128xf32, #tpu.memory_space<vmem_shared>>
      tpu.enqueue_dma source(%arg12 : memref<40x128xf32, #tpu.memory_space<vmem>>) target(%dma_start3A_300 : memref<40x128xf32, #tpu.memory_space<vmem_shared>>) target_semaphore(%run_scoped3A_296 : memref<!tpu.dma_semaphore, #tpu.memory_space<semaphore_mem>>)
      %dma_wait3A_301 = arith.constant 0 : i32
      %dma_wait3A_302 = tpu.memref_slice %arg18[%add3A_30, %dma_wait3A_301] : memref<10240x128xf32, #tpu.memory_space<vmem_shared>> -> memref<40x128xf32, #tpu.memory_space<vmem_shared>>
      %dma_wait3A_303 = arith.constant 0 : i32
      %dma_wait3A_304 = tpu.memref_slice %arg18[%add3A_30, %dma_wait3A_303] : memref<10240x128xf32, #tpu.memory_space<vmem_shared>> -> memref<40x128xf32, #tpu.memory_space<vmem_shared>>
      tpu.wait_dma2 semaphore(%run_scoped3A_296 : memref<!tpu.dma_semaphore, #tpu.memory_space<semaphore_mem>>) src(%arg12 : memref<40x128xf32, #tpu.memory_space<vmem>>) dst(%dma_wait3A_304 : memref<40x128xf32, #tpu.memory_space<vmem_shared>>)
      tpu.yield
    }) : () -> ()
    %mul3A_31 = arith.constant 640 : i32
    %mul3A_32 = arith.muli %arg1, %mul3A_31 : i32
    %add3A_33 = arith.constant 280 : i32
    %add3A_34 = arith.addi %mul3A_32, %add3A_33 : i32
    "tpu.region"() ({
      %run_scoped3A_296 = tpu.sem_alloc : memref<!tpu.dma_semaphore, #tpu.memory_space<semaphore_mem>>
      %dma_start3A_297 = arith.constant 0 : i32
      %dma_start3A_298 = tpu.memref_slice %arg18[%add3A_34, %dma_start3A_297] : memref<10240x128xf32, #tpu.memory_space<vmem_shared>> -> memref<40x128xf32, #tpu.memory_space<vmem_shared>>
      %dma_start3A_299 = arith.constant 0 : i32
      %dma_start3A_300 = tpu.memref_slice %arg18[%add3A_34, %dma_start3A_299] : memref<10240x128xf32, #tpu.memory_space<vmem_shared>> -> memref<40x128xf32, #tpu.memory_space<vmem_shared>>
      tpu.enqueue_dma source(%arg12 : memref<40x128xf32, #tpu.memory_space<vmem>>) target(%dma_start3A_300 : memref<40x128xf32, #tpu.memory_space<vmem_shared>>) target_semaphore(%run_scoped3A_296 : memref<!tpu.dma_semaphore, #tpu.memory_space<semaphore_mem>>)
      %dma_wait3A_301 = arith.constant 0 : i32
      %dma_wait3A_302 = tpu.memref_slice %arg18[%add3A_34, %dma_wait3A_301] : memref<10240x128xf32, #tpu.memory_space<vmem_shared>> -> memref<40x128xf32, #tpu.memory_space<vmem_shared>>
      %dma_wait3A_303 = arith.constant 0 : i32
      %dma_wait3A_304 = tpu.memref_slice %arg18[%add3A_34, %dma_wait3A_303] : memref<10240x128xf32, #tpu.memory_space<vmem_shared>> -> memref<40x128xf32, #tpu.memory_space<vmem_shared>>
      tpu.wait_dma2 semaphore(%run_scoped3A_296 : memref<!tpu.dma_semaphore, #tpu.memory_space<semaphore_mem>>) src(%arg12 : memref<40x128xf32, #tpu.memory_space<vmem>>) dst(%dma_wait3A_304 : memref<40x128xf32, #tpu.memory_space<vmem_shared>>)
      tpu.yield
    }) : () -> ()
    %mul3A_35 = arith.constant 640 : i32
    %mul3A_36 = arith.muli %arg1, %mul3A_35 : i32
    %add3A_37 = arith.constant 320 : i32
    %add3A_38 = arith.addi %mul3A_36, %add3A_37 : i32
    "tpu.region"() ({
      %run_scoped3A_296 = tpu.sem_alloc : memref<!tpu.dma_semaphore, #tpu.memory_space<semaphore_mem>>
      %dma_start3A_297 = arith.constant 0 : i32
      %dma_start3A_298 = tpu.memref_slice %arg18[%add3A_38, %dma_start3A_297] : memref<10240x128xf32, #tpu.memory_space<vmem_shared>> -> memref<40x128xf32, #tpu.memory_space<vmem_shared>>
      %dma_start3A_299 = arith.constant 0 : i32
      %dma_start3A_300 = tpu.memref_slice %arg18[%add3A_38, %dma_start3A_299] : memref<10240x128xf32, #tpu.memory_space<vmem_shared>> -> memref<40x128xf32, #tpu.memory_space<vmem_shared>>
      tpu.enqueue_dma source(%arg12 : memref<40x128xf32, #tpu.memory_space<vmem>>) target(%dma_start3A_300 : memref<40x128xf32, #tpu.memory_space<vmem_shared>>) target_semaphore(%run_scoped3A_296 : memref<!tpu.dma_semaphore, #tpu.memory_space<semaphore_mem>>)
      %dma_wait3A_301 = arith.constant 0 : i32
      %dma_wait3A_302 = tpu.memref_slice %arg18[%add3A_38, %dma_wait3A_301] : memref<10240x128xf32, #tpu.memory_space<vmem_shared>> -> memref<40x128xf32, #tpu.memory_space<vmem_shared>>
      %dma_wait3A_303 = arith.constant 0 : i32
      %dma_wait3A_304 = tpu.memref_slice %arg18[%add3A_38, %dma_wait3A_303] : memref<10240x128xf32, #tpu.memory_space<vmem_shared>> -> memref<40x128xf32, #tpu.memory_space<vmem_shared>>
      tpu.wait_dma2 semaphore(%run_scoped3A_296 : memref<!tpu.dma_semaphore, #tpu.memory_space<semaphore_mem>>) src(%arg12 : memref<40x128xf32, #tpu.memory_space<vmem>>) dst(%dma_wait3A_304 : memref<40x128xf32, #tpu.memory_space<vmem_shared>>)
      tpu.yield
    }) : () -> ()
    %mul3A_39 = arith.constant 640 : i32
    %mul3A_40 = arith.muli %arg1, %mul3A_39 : i32
    %add3A_41 = arith.constant 360 : i32
    %add3A_42 = arith.addi %mul3A_40, %add3A_41 : i32
    "tpu.region"() ({
      %run_scoped3A_296 = tpu.sem_alloc : memref<!tpu.dma_semaphore, #tpu.memory_space<semaphore_mem>>
      %dma_start3A_297 = arith.constant 0 : i32
      %dma_start3A_298 = tpu.memref_slice %arg18[%add3A_42, %dma_start3A_297] : memref<10240x128xf32, #tpu.memory_space<vmem_shared>> -> memref<40x128xf32, #tpu.memory_space<vmem_shared>>
      %dma_start3A_299 = arith.constant 0 : i32
      %dma_start3A_300 = tpu.memref_slice %arg18[%add3A_42, %dma_start3A_299] : memref<10240x128xf32, #tpu.memory_space<vmem_shared>> -> memref<40x128xf32, #tpu.memory_space<vmem_shared>>
      tpu.enqueue_dma source(%arg12 : memref<40x128xf32, #tpu.memory_space<vmem>>) target(%dma_start3A_300 : memref<40x128xf32, #tpu.memory_space<vmem_shared>>) target_semaphore(%run_scoped3A_296 : memref<!tpu.dma_semaphore, #tpu.memory_space<semaphore_mem>>)
      %dma_wait3A_301 = arith.constant 0 : i32
      %dma_wait3A_302 = tpu.memref_slice %arg18[%add3A_42, %dma_wait3A_301] : memref<10240x128xf32, #tpu.memory_space<vmem_shared>> -> memref<40x128xf32, #tpu.memory_space<vmem_shared>>
      %dma_wait3A_303 = arith.constant 0 : i32
      %dma_wait3A_304 = tpu.memref_slice %arg18[%add3A_42, %dma_wait3A_303] : memref<10240x128xf32, #tpu.memory_space<vmem_shared>> -> memref<40x128xf32, #tpu.memory_space<vmem_shared>>
      tpu.wait_dma2 semaphore(%run_scoped3A_296 : memref<!tpu.dma_semaphore, #tpu.memory_space<semaphore_mem>>) src(%arg12 : memref<40x128xf32, #tpu.memory_space<vmem>>) dst(%dma_wait3A_304 : memref<40x128xf32, #tpu.memory_space<vmem_shared>>)
      tpu.yield
    }) : () -> ()
    %mul3A_43 = arith.constant 640 : i32
    %mul3A_44 = arith.muli %arg1, %mul3A_43 : i32
    %add3A_45 = arith.constant 400 : i32
    %add3A_46 = arith.addi %mul3A_44, %add3A_45 : i32
    "tpu.region"() ({
      %run_scoped3A_296 = tpu.sem_alloc : memref<!tpu.dma_semaphore, #tpu.memory_space<semaphore_mem>>
      %dma_start3A_297 = arith.constant 0 : i32
      %dma_start3A_298 = tpu.memref_slice %arg18[%add3A_46, %dma_start3A_297] : memref<10240x128xf32, #tpu.memory_space<vmem_shared>> -> memref<40x128xf32, #tpu.memory_space<vmem_shared>>
      %dma_start3A_299 = arith.constant 0 : i32
      %dma_start3A_300 = tpu.memref_slice %arg18[%add3A_46, %dma_start3A_299] : memref<10240x128xf32, #tpu.memory_space<vmem_shared>> -> memref<40x128xf32, #tpu.memory_space<vmem_shared>>
      tpu.enqueue_dma source(%arg12 : memref<40x128xf32, #tpu.memory_space<vmem>>) target(%dma_start3A_300 : memref<40x128xf32, #tpu.memory_space<vmem_shared>>) target_semaphore(%run_scoped3A_296 : memref<!tpu.dma_semaphore, #tpu.memory_space<semaphore_mem>>)
      %dma_wait3A_301 = arith.constant 0 : i32
      %dma_wait3A_302 = tpu.memref_slice %arg18[%add3A_46, %dma_wait3A_301] : memref<10240x128xf32, #tpu.memory_space<vmem_shared>> -> memref<40x128xf32, #tpu.memory_space<vmem_shared>>
      %dma_wait3A_303 = arith.constant 0 : i32
      %dma_wait3A_304 = tpu.memref_slice %arg18[%add3A_46, %dma_wait3A_303] : memref<10240x128xf32, #tpu.memory_space<vmem_shared>> -> memref<40x128xf32, #tpu.memory_space<vmem_shared>>
      tpu.wait_dma2 semaphore(%run_scoped3A_296 : memref<!tpu.dma_semaphore, #tpu.memory_space<semaphore_mem>>) src(%arg12 : memref<40x128xf32, #tpu.memory_space<vmem>>) dst(%dma_wait3A_304 : memref<40x128xf32, #tpu.memory_space<vmem_shared>>)
      tpu.yield
    }) : () -> ()
    %mul3A_47 = arith.constant 640 : i32
    %mul3A_48 = arith.muli %arg1, %mul3A_47 : i32
    %add3A_49 = arith.constant 440 : i32
    %add3A_50 = arith.addi %mul3A_48, %add3A_49 : i32
    "tpu.region"() ({
      %run_scoped3A_296 = tpu.sem_alloc : memref<!tpu.dma_semaphore, #tpu.memory_space<semaphore_mem>>
      %dma_start3A_297 = arith.constant 0 : i32
      %dma_start3A_298 = tpu.memref_slice %arg18[%add3A_50, %dma_start3A_297] : memref<10240x128xf32, #tpu.memory_space<vmem_shared>> -> memref<40x128xf32, #tpu.memory_space<vmem_shared>>
      %dma_start3A_299 = arith.constant 0 : i32
      %dma_start3A_300 = tpu.memref_slice %arg18[%add3A_50, %dma_start3A_299] : memref<10240x128xf32, #tpu.memory_space<vmem_shared>> -> memref<40x128xf32, #tpu.memory_space<vmem_shared>>
      tpu.enqueue_dma source(%arg12 : memref<40x128xf32, #tpu.memory_space<vmem>>) target(%dma_start3A_300 : memref<40x128xf32, #tpu.memory_space<vmem_shared>>) target_semaphore(%run_scoped3A_296 : memref<!tpu.dma_semaphore, #tpu.memory_space<semaphore_mem>>)
      %dma_wait3A_301 = arith.constant 0 : i32
      %dma_wait3A_302 = tpu.memref_slice %arg18[%add3A_50, %dma_wait3A_301] : memref<10240x128xf32, #tpu.memory_space<vmem_shared>> -> memref<40x128xf32, #tpu.memory_space<vmem_shared>>
      %dma_wait3A_303 = arith.constant 0 : i32
      %dma_wait3A_304 = tpu.memref_slice %arg18[%add3A_50, %dma_wait3A_303] : memref<10240x128xf32, #tpu.memory_space<vmem_shared>> -> memref<40x128xf32, #tpu.memory_space<vmem_shared>>
      tpu.wait_dma2 semaphore(%run_scoped3A_296 : memref<!tpu.dma_semaphore, #tpu.memory_space<semaphore_mem>>) src(%arg12 : memref<40x128xf32, #tpu.memory_space<vmem>>) dst(%dma_wait3A_304 : memref<40x128xf32, #tpu.memory_space<vmem_shared>>)
      tpu.yield
    }) : () -> ()
    %mul3A_51 = arith.constant 640 : i32
    %mul3A_52 = arith.muli %arg1, %mul3A_51 : i32
    %add3A_53 = arith.constant 480 : i32
    %add3A_54 = arith.addi %mul3A_52, %add3A_53 : i32
    "tpu.region"() ({
      %run_scoped3A_296 = tpu.sem_alloc : memref<!tpu.dma_semaphore, #tpu.memory_space<semaphore_mem>>
      %dma_start3A_297 = arith.constant 0 : i32
      %dma_start3A_298 = tpu.memref_slice %arg18[%add3A_54, %dma_start3A_297] : memref<10240x128xf32, #tpu.memory_space<vmem_shared>> -> memref<40x128xf32, #tpu.memory_space<vmem_shared>>
      %dma_start3A_299 = arith.constant 0 : i32
      %dma_start3A_300 = tpu.memref_slice %arg18[%add3A_54, %dma_start3A_299] : memref<10240x128xf32, #tpu.memory_space<vmem_shared>> -> memref<40x128xf32, #tpu.memory_space<vmem_shared>>
      tpu.enqueue_dma source(%arg12 : memref<40x128xf32, #tpu.memory_space<vmem>>) target(%dma_start3A_300 : memref<40x128xf32, #tpu.memory_space<vmem_shared>>) target_semaphore(%run_scoped3A_296 : memref<!tpu.dma_semaphore, #tpu.memory_space<semaphore_mem>>)
      %dma_wait3A_301 = arith.constant 0 : i32
      %dma_wait3A_302 = tpu.memref_slice %arg18[%add3A_54, %dma_wait3A_301] : memref<10240x128xf32, #tpu.memory_space<vmem_shared>> -> memref<40x128xf32, #tpu.memory_space<vmem_shared>>
      %dma_wait3A_303 = arith.constant 0 : i32
      %dma_wait3A_304 = tpu.memref_slice %arg18[%add3A_54, %dma_wait3A_303] : memref<10240x128xf32, #tpu.memory_space<vmem_shared>> -> memref<40x128xf32, #tpu.memory_space<vmem_shared>>
      tpu.wait_dma2 semaphore(%run_scoped3A_296 : memref<!tpu.dma_semaphore, #tpu.memory_space<semaphore_mem>>) src(%arg12 : memref<40x128xf32, #tpu.memory_space<vmem>>) dst(%dma_wait3A_304 : memref<40x128xf32, #tpu.memory_space<vmem_shared>>)
      tpu.yield
    }) : () -> ()
    %mul3A_55 = arith.constant 640 : i32
    %mul3A_56 = arith.muli %arg1, %mul3A_55 : i32
    %add3A_57 = arith.constant 520 : i32
    %add3A_58 = arith.addi %mul3A_56, %add3A_57 : i32
    "tpu.region"() ({
      %run_scoped3A_296 = tpu.sem_alloc : memref<!tpu.dma_semaphore, #tpu.memory_space<semaphore_mem>>
      %dma_start3A_297 = arith.constant 0 : i32
      %dma_start3A_298 = tpu.memref_slice %arg18[%add3A_58, %dma_start3A_297] : memref<10240x128xf32, #tpu.memory_space<vmem_shared>> -> memref<40x128xf32, #tpu.memory_space<vmem_shared>>
      %dma_start3A_299 = arith.constant 0 : i32
      %dma_start3A_300 = tpu.memref_slice %arg18[%add3A_58, %dma_start3A_299] : memref<10240x128xf32, #tpu.memory_space<vmem_shared>> -> memref<40x128xf32, #tpu.memory_space<vmem_shared>>
      tpu.enqueue_dma source(%arg12 : memref<40x128xf32, #tpu.memory_space<vmem>>) target(%dma_start3A_300 : memref<40x128xf32, #tpu.memory_space<vmem_shared>>) target_semaphore(%run_scoped3A_296 : memref<!tpu.dma_semaphore, #tpu.memory_space<semaphore_mem>>)
      %dma_wait3A_301 = arith.constant 0 : i32
      %dma_wait3A_302 = tpu.memref_slice %arg18[%add3A_58, %dma_wait3A_301] : memref<10240x128xf32, #tpu.memory_space<vmem_shared>> -> memref<40x128xf32, #tpu.memory_space<vmem_shared>>
      %dma_wait3A_303 = arith.constant 0 : i32
      %dma_wait3A_304 = tpu.memref_slice %arg18[%add3A_58, %dma_wait3A_303] : memref<10240x128xf32, #tpu.memory_space<vmem_shared>> -> memref<40x128xf32, #tpu.memory_space<vmem_shared>>
      tpu.wait_dma2 semaphore(%run_scoped3A_296 : memref<!tpu.dma_semaphore, #tpu.memory_space<semaphore_mem>>) src(%arg12 : memref<40x128xf32, #tpu.memory_space<vmem>>) dst(%dma_wait3A_304 : memref<40x128xf32, #tpu.memory_space<vmem_shared>>)
      tpu.yield
    }) : () -> ()
    %mul3A_59 = arith.constant 640 : i32
    %mul3A_60 = arith.muli %arg1, %mul3A_59 : i32
    %add3A_61 = arith.constant 560 : i32
    %add3A_62 = arith.addi %mul3A_60, %add3A_61 : i32
    "tpu.region"() ({
      %run_scoped3A_296 = tpu.sem_alloc : memref<!tpu.dma_semaphore, #tpu.memory_space<semaphore_mem>>
      %dma_start3A_297 = arith.constant 0 : i32
      %dma_start3A_298 = tpu.memref_slice %arg18[%add3A_62, %dma_start3A_297] : memref<10240x128xf32, #tpu.memory_space<vmem_shared>> -> memref<40x128xf32, #tpu.memory_space<vmem_shared>>
      %dma_start3A_299 = arith.constant 0 : i32
      %dma_start3A_300 = tpu.memref_slice %arg18[%add3A_62, %dma_start3A_299] : memref<10240x128xf32, #tpu.memory_space<vmem_shared>> -> memref<40x128xf32, #tpu.memory_space<vmem_shared>>
      tpu.enqueue_dma source(%arg12 : memref<40x128xf32, #tpu.memory_space<vmem>>) target(%dma_start3A_300 : memref<40x128xf32, #tpu.memory_space<vmem_shared>>) target_semaphore(%run_scoped3A_296 : memref<!tpu.dma_semaphore, #tpu.memory_space<semaphore_mem>>)
      %dma_wait3A_301 = arith.constant 0 : i32
      %dma_wait3A_302 = tpu.memref_slice %arg18[%add3A_62, %dma_wait3A_301] : memref<10240x128xf32, #tpu.memory_space<vmem_shared>> -> memref<40x128xf32, #tpu.memory_space<vmem_shared>>
      %dma_wait3A_303 = arith.constant 0 : i32
      %dma_wait3A_304 = tpu.memref_slice %arg18[%add3A_62, %dma_wait3A_303] : memref<10240x128xf32, #tpu.memory_space<vmem_shared>> -> memref<40x128xf32, #tpu.memory_space<vmem_shared>>
      tpu.wait_dma2 semaphore(%run_scoped3A_296 : memref<!tpu.dma_semaphore, #tpu.memory_space<semaphore_mem>>) src(%arg12 : memref<40x128xf32, #tpu.memory_space<vmem>>) dst(%dma_wait3A_304 : memref<40x128xf32, #tpu.memory_space<vmem_shared>>)
      tpu.yield
    }) : () -> ()
    %mul3A_63 = arith.constant 640 : i32
    %mul3A_64 = arith.muli %arg1, %mul3A_63 : i32
    %add3A_65 = arith.constant 600 : i32
    %add3A_66 = arith.addi %mul3A_64, %add3A_65 : i32
    "tpu.region"() ({
      %run_scoped3A_296 = tpu.sem_alloc : memref<!tpu.dma_semaphore, #tpu.memory_space<semaphore_mem>>
      %dma_start3A_297 = arith.constant 0 : i32
      %dma_start3A_298 = tpu.memref_slice %arg18[%add3A_66, %dma_start3A_297] : memref<10240x128xf32, #tpu.memory_space<vmem_shared>> -> memref<40x128xf32, #tpu.memory_space<vmem_shared>>
      %dma_start3A_299 = arith.constant 0 : i32
      %dma_start3A_300 = tpu.memref_slice %arg18[%add3A_66, %dma_start3A_299] : memref<10240x128xf32, #tpu.memory_space<vmem_shared>> -> memref<40x128xf32, #tpu.memory_space<vmem_shared>>
      tpu.enqueue_dma source(%arg12 : memref<40x128xf32, #tpu.memory_space<vmem>>) target(%dma_start3A_300 : memref<40x128xf32, #tpu.memory_space<vmem_shared>>) target_semaphore(%run_scoped3A_296 : memref<!tpu.dma_semaphore, #tpu.memory_space<semaphore_mem>>)
      %dma_wait3A_301 = arith.constant 0 : i32
      %dma_wait3A_302 = tpu.memref_slice %arg18[%add3A_66, %dma_wait3A_301] : memref<10240x128xf32, #tpu.memory_space<vmem_shared>> -> memref<40x128xf32, #tpu.memory_space<vmem_shared>>
      %dma_wait3A_303 = arith.constant 0 : i32
      %dma_wait3A_304 = tpu.memref_slice %arg18[%add3A_66, %dma_wait3A_303] : memref<10240x128xf32, #tpu.memory_space<vmem_shared>> -> memref<40x128xf32, #tpu.memory_space<vmem_shared>>
      tpu.wait_dma2 semaphore(%run_scoped3A_296 : memref<!tpu.dma_semaphore, #tpu.memory_space<semaphore_mem>>) src(%arg12 : memref<40x128xf32, #tpu.memory_space<vmem>>) dst(%dma_wait3A_304 : memref<40x128xf32, #tpu.memory_space<vmem_shared>>)
      tpu.yield
    }) : () -> ()
    %barrier3A = arith.constant 0 : index
    tpu.barrier barrier_id(%barrier3A)
    %add3A_67 = arith.constant 0 : i32
    %add3A_68 = arith.addi %mul3A_2, %add3A_67 : i32
    %dma_start3A = tpu.memref_slice %arg3[%add3A_68] : memref<320000xi32, #tpu.memory_space<hbm>> -> memref<40xi32, #tpu.memory_space<hbm>>
    %dma_start3A_69 = tpu.memref_slice %arg3[%add3A_68] : memref<320000xi32, #tpu.memory_space<hbm>> -> memref<40xi32, #tpu.memory_space<hbm>>
    tpu.enqueue_dma source(%dma_start3A_69 : memref<40xi32, #tpu.memory_space<hbm>>) target(%arg7 : memref<40xi32, #tpu.memory_space<vmem>>) target_semaphore(%arg19 : memref<!tpu.dma_semaphore, #tpu.memory_space<semaphore_mem>>)
    %add3A_70 = arith.constant 0 : i32
    %add3A_71 = arith.addi %mul3A_2, %add3A_70 : i32
    %dma_start3A_72 = arith.constant 0 : i32
    %dma_start3A_73 = tpu.memref_slice %arg2[%add3A_71, %dma_start3A_72] : memref<320000x128xf32, #tpu.memory_space<hbm>> -> memref<40x128xf32, #tpu.memory_space<hbm>>
    %dma_start3A_74 = arith.constant 0 : i32
    %dma_start3A_75 = tpu.memref_slice %arg2[%add3A_71, %dma_start3A_74] : memref<320000x128xf32, #tpu.memory_space<hbm>> -> memref<40x128xf32, #tpu.memory_space<hbm>>
    tpu.enqueue_dma source(%dma_start3A_75 : memref<40x128xf32, #tpu.memory_space<hbm>>) target(%arg12 : memref<40x128xf32, #tpu.memory_space<vmem>>) target_semaphore(%arg19 : memref<!tpu.dma_semaphore, #tpu.memory_space<semaphore_mem>>)
    %add3A_76 = arith.constant 40 : i32
    %add3A_77 = arith.addi %mul3A_2, %add3A_76 : i32
    %dma_start3A_78 = tpu.memref_slice %arg3[%add3A_77] : memref<320000xi32, #tpu.memory_space<hbm>> -> memref<40xi32, #tpu.memory_space<hbm>>
    %dma_start3A_79 = tpu.memref_slice %arg3[%add3A_77] : memref<320000xi32, #tpu.memory_space<hbm>> -> memref<40xi32, #tpu.memory_space<hbm>>
    tpu.enqueue_dma source(%dma_start3A_79 : memref<40xi32, #tpu.memory_space<hbm>>) target(%arg8 : memref<40xi32, #tpu.memory_space<vmem>>) target_semaphore(%arg20 : memref<!tpu.dma_semaphore, #tpu.memory_space<semaphore_mem>>)
    %add3A_80 = arith.constant 40 : i32
    %add3A_81 = arith.addi %mul3A_2, %add3A_80 : i32
    %dma_start3A_82 = arith.constant 0 : i32
    %dma_start3A_83 = tpu.memref_slice %arg2[%add3A_81, %dma_start3A_82] : memref<320000x128xf32, #tpu.memory_space<hbm>> -> memref<40x128xf32, #tpu.memory_space<hbm>>
    %dma_start3A_84 = arith.constant 0 : i32
    %dma_start3A_85 = tpu.memref_slice %arg2[%add3A_81, %dma_start3A_84] : memref<320000x128xf32, #tpu.memory_space<hbm>> -> memref<40x128xf32, #tpu.memory_space<hbm>>
    tpu.enqueue_dma source(%dma_start3A_85 : memref<40x128xf32, #tpu.memory_space<hbm>>) target(%arg13 : memref<40x128xf32, #tpu.memory_space<vmem>>) target_semaphore(%arg20 : memref<!tpu.dma_semaphore, #tpu.memory_space<semaphore_mem>>)
    %scan3A = arith.constant 0 : i32
    %scan3A_86 = arith.constant 0 : i32
    %scan3A_87 = arith.constant 100 : i32
    %scan3A_88 = arith.addi %scan3A_86, %scan3A_87 : i32
    %scan3A_89 = arith.constant 1 : i32
    scf.for %scan3A_296 = %scan3A_86 to %scan3A_88 step %scan3A_89  : i32 {
      %mul3A_297 = arith.constant 5 : i32
      %mul3A_298 = arith.muli %scan3A_296, %mul3A_297 : i32
      %gt3A = arith.constant 0 : i32
      %gt3A_299 = arith.cmpi sgt, %scan3A_296, %gt3A : i32
      %convert_element_type3A = arith.extui %gt3A_299 : i1 to i32
      %cond3A = arith.constant 0 : i32
      %cond3A_300 = arith.cmpi ne, %convert_element_type3A, %cond3A : i32
      scf.if %cond3A_300 {
        %dma_wait3A_463 = arith.constant 0 : i32
        %dma_wait3A_464 = arith.constant 0 : i32
        %dma_wait3A_465 = tpu.memref_slice %arg18[%dma_wait3A_463, %dma_wait3A_464] : memref<10240x128xf32, #tpu.memory_space<vmem_shared>> -> memref<10240x128xf32, #tpu.memory_space<vmem_shared>>
        tpu.wait_indirect_dma semaphore(%arg26 : memref<!tpu.dma_semaphore, #tpu.memory_space<semaphore_mem>>) src(%arg14 : memref<40x128xf32, #tpu.memory_space<vmem>>) dst(%dma_wait3A_465 : memref<10240x128xf32, #tpu.memory_space<vmem_shared>>)
      } else {
      }
      %add3A_301 = arith.constant 2 : i32
      %add3A_302 = arith.addi %mul3A_298, %add3A_301 : i32
      %mul3A_303 = arith.constant 40 : i32
      %mul3A_304 = arith.muli %add3A_302, %mul3A_303 : i32
      %add3A_305 = arith.addi %mul3A_2, %mul3A_304 : i32
      %dma_start3A_306 = tpu.memref_slice %arg3[%add3A_305] : memref<320000xi32, #tpu.memory_space<hbm>> -> memref<40xi32, #tpu.memory_space<hbm>>
      %dma_start3A_307 = tpu.memref_slice %arg3[%add3A_305] : memref<320000xi32, #tpu.memory_space<hbm>> -> memref<40xi32, #tpu.memory_space<hbm>>
      tpu.enqueue_dma source(%dma_start3A_307 : memref<40xi32, #tpu.memory_space<hbm>>) target(%arg9 : memref<40xi32, #tpu.memory_space<vmem>>) target_semaphore(%arg21 : memref<!tpu.dma_semaphore, #tpu.memory_space<semaphore_mem>>)
      %add3A_308 = arith.constant 2 : i32
      %add3A_309 = arith.addi %mul3A_298, %add3A_308 : i32
      %mul3A_310 = arith.constant 40 : i32
      %mul3A_311 = arith.muli %add3A_309, %mul3A_310 : i32
      %add3A_312 = arith.addi %mul3A_2, %mul3A_311 : i32
      %dma_start3A_313 = arith.constant 0 : i32
      %dma_start3A_314 = tpu.memref_slice %arg2[%add3A_312, %dma_start3A_313] : memref<320000x128xf32, #tpu.memory_space<hbm>> -> memref<40x128xf32, #tpu.memory_space<hbm>>
      %dma_start3A_315 = arith.constant 0 : i32
      %dma_start3A_316 = tpu.memref_slice %arg2[%add3A_312, %dma_start3A_315] : memref<320000x128xf32, #tpu.memory_space<hbm>> -> memref<40x128xf32, #tpu.memory_space<hbm>>
      tpu.enqueue_dma source(%dma_start3A_316 : memref<40x128xf32, #tpu.memory_space<hbm>>) target(%arg14 : memref<40x128xf32, #tpu.memory_space<vmem>>) target_semaphore(%arg21 : memref<!tpu.dma_semaphore, #tpu.memory_space<semaphore_mem>>)
      %gt3A_317 = arith.constant 0 : i32
      %gt3A_318 = arith.cmpi sgt, %scan3A_296, %gt3A_317 : i32
      %convert_element_type3A_319 = arith.extui %gt3A_318 : i1 to i32
      %cond3A_320 = arith.constant 0 : i32
      %cond3A_321 = arith.cmpi ne, %convert_element_type3A_319, %cond3A_320 : i32
      scf.if %cond3A_321 {
        %dma_wait3A_463 = arith.constant 0 : i32
        %dma_wait3A_464 = arith.constant 0 : i32
        %dma_wait3A_465 = tpu.memref_slice %arg18[%dma_wait3A_463, %dma_wait3A_464] : memref<10240x128xf32, #tpu.memory_space<vmem_shared>> -> memref<10240x128xf32, #tpu.memory_space<vmem_shared>>
        tpu.wait_indirect_dma semaphore(%arg27 : memref<!tpu.dma_semaphore, #tpu.memory_space<semaphore_mem>>) src(%arg15 : memref<40x128xf32, #tpu.memory_space<vmem>>) dst(%dma_wait3A_465 : memref<10240x128xf32, #tpu.memory_space<vmem_shared>>)
      } else {
      }
      %add3A_322 = arith.constant 3 : i32
      %add3A_323 = arith.addi %mul3A_298, %add3A_322 : i32
      %mul3A_324 = arith.constant 40 : i32
      %mul3A_325 = arith.muli %add3A_323, %mul3A_324 : i32
      %add3A_326 = arith.addi %mul3A_2, %mul3A_325 : i32
      %dma_start3A_327 = tpu.memref_slice %arg3[%add3A_326] : memref<320000xi32, #tpu.memory_space<hbm>> -> memref<40xi32, #tpu.memory_space<hbm>>
      %dma_start3A_328 = tpu.memref_slice %arg3[%add3A_326] : memref<320000xi32, #tpu.memory_space<hbm>> -> memref<40xi32, #tpu.memory_space<hbm>>
      tpu.enqueue_dma source(%dma_start3A_328 : memref<40xi32, #tpu.memory_space<hbm>>) target(%arg10 : memref<40xi32, #tpu.memory_space<vmem>>) target_semaphore(%arg22 : memref<!tpu.dma_semaphore, #tpu.memory_space<semaphore_mem>>)
      %add3A_329 = arith.constant 3 : i32
      %add3A_330 = arith.addi %mul3A_298, %add3A_329 : i32
      %mul3A_331 = arith.constant 40 : i32
      %mul3A_332 = arith.muli %add3A_330, %mul3A_331 : i32
      %add3A_333 = arith.addi %mul3A_2, %mul3A_332 : i32
      %dma_start3A_334 = arith.constant 0 : i32
      %dma_start3A_335 = tpu.memref_slice %arg2[%add3A_333, %dma_start3A_334] : memref<320000x128xf32, #tpu.memory_space<hbm>> -> memref<40x128xf32, #tpu.memory_space<hbm>>
      %dma_start3A_336 = arith.constant 0 : i32
      %dma_start3A_337 = tpu.memref_slice %arg2[%add3A_333, %dma_start3A_336] : memref<320000x128xf32, #tpu.memory_space<hbm>> -> memref<40x128xf32, #tpu.memory_space<hbm>>
      tpu.enqueue_dma source(%dma_start3A_337 : memref<40x128xf32, #tpu.memory_space<hbm>>) target(%arg15 : memref<40x128xf32, #tpu.memory_space<vmem>>) target_semaphore(%arg22 : memref<!tpu.dma_semaphore, #tpu.memory_space<semaphore_mem>>)
      %gt3A_338 = arith.constant 0 : i32
      %gt3A_339 = arith.cmpi sgt, %scan3A_296, %gt3A_338 : i32
      %convert_element_type3A_340 = arith.extui %gt3A_339 : i1 to i32
      %cond3A_341 = arith.constant 0 : i32
      %cond3A_342 = arith.cmpi ne, %convert_element_type3A_340, %cond3A_341 : i32
      scf.if %cond3A_342 {
        %dma_wait3A_463 = arith.constant 0 : i32
        %dma_wait3A_464 = arith.constant 0 : i32
        %dma_wait3A_465 = tpu.memref_slice %arg18[%dma_wait3A_463, %dma_wait3A_464] : memref<10240x128xf32, #tpu.memory_space<vmem_shared>> -> memref<10240x128xf32, #tpu.memory_space<vmem_shared>>
        tpu.wait_indirect_dma semaphore(%arg28 : memref<!tpu.dma_semaphore, #tpu.memory_space<semaphore_mem>>) src(%arg16 : memref<40x128xf32, #tpu.memory_space<vmem>>) dst(%dma_wait3A_465 : memref<10240x128xf32, #tpu.memory_space<vmem_shared>>)
      } else {
      }
      %add3A_343 = arith.constant 4 : i32
      %add3A_344 = arith.addi %mul3A_298, %add3A_343 : i32
      %mul3A_345 = arith.constant 40 : i32
      %mul3A_346 = arith.muli %add3A_344, %mul3A_345 : i32
      %add3A_347 = arith.addi %mul3A_2, %mul3A_346 : i32
      %dma_start3A_348 = tpu.memref_slice %arg3[%add3A_347] : memref<320000xi32, #tpu.memory_space<hbm>> -> memref<40xi32, #tpu.memory_space<hbm>>
      %dma_start3A_349 = tpu.memref_slice %arg3[%add3A_347] : memref<320000xi32, #tpu.memory_space<hbm>> -> memref<40xi32, #tpu.memory_space<hbm>>
      tpu.enqueue_dma source(%dma_start3A_349 : memref<40xi32, #tpu.memory_space<hbm>>) target(%arg11 : memref<40xi32, #tpu.memory_space<vmem>>) target_semaphore(%arg23 : memref<!tpu.dma_semaphore, #tpu.memory_space<semaphore_mem>>)
      %add3A_350 = arith.constant 4 : i32
      %add3A_351 = arith.addi %mul3A_298, %add3A_350 : i32
      %mul3A_352 = arith.constant 40 : i32
      %mul3A_353 = arith.muli %add3A_351, %mul3A_352 : i32
      %add3A_354 = arith.addi %mul3A_2, %mul3A_353 : i32
      %dma_start3A_355 = arith.constant 0 : i32
      %dma_start3A_356 = tpu.memref_slice %arg2[%add3A_354, %dma_start3A_355] : memref<320000x128xf32, #tpu.memory_space<hbm>> -> memref<40x128xf32, #tpu.memory_space<hbm>>
      %dma_start3A_357 = arith.constant 0 : i32
      %dma_start3A_358 = tpu.memref_slice %arg2[%add3A_354, %dma_start3A_357] : memref<320000x128xf32, #tpu.memory_space<hbm>> -> memref<40x128xf32, #tpu.memory_space<hbm>>
      tpu.enqueue_dma source(%dma_start3A_358 : memref<40x128xf32, #tpu.memory_space<hbm>>) target(%arg16 : memref<40x128xf32, #tpu.memory_space<vmem>>) target_semaphore(%arg23 : memref<!tpu.dma_semaphore, #tpu.memory_space<semaphore_mem>>)
      %add3A_359 = arith.constant 0 : i32
      %add3A_360 = arith.addi %mul3A_298, %add3A_359 : i32
      %mul3A_361 = arith.constant 40 : i32
      %mul3A_362 = arith.muli %add3A_360, %mul3A_361 : i32
      %add3A_363 = arith.addi %mul3A_2, %mul3A_362 : i32
      %dma_wait3A_364 = tpu.memref_slice %arg3[%add3A_363] : memref<320000xi32, #tpu.memory_space<hbm>> -> memref<40xi32, #tpu.memory_space<hbm>>
      %dma_wait3A_365 = tpu.memref_slice %arg3[%add3A_363] : memref<320000xi32, #tpu.memory_space<hbm>> -> memref<40xi32, #tpu.memory_space<hbm>>
      tpu.wait_dma2 semaphore(%arg19 : memref<!tpu.dma_semaphore, #tpu.memory_space<semaphore_mem>>) src(%dma_wait3A_365 : memref<40xi32, #tpu.memory_space<hbm>>) dst(%arg7 : memref<40xi32, #tpu.memory_space<vmem>>)
      %add3A_366 = arith.constant 0 : i32
      %add3A_367 = arith.addi %mul3A_298, %add3A_366 : i32
      %mul3A_368 = arith.constant 40 : i32
      %mul3A_369 = arith.muli %add3A_367, %mul3A_368 : i32
      %add3A_370 = arith.addi %mul3A_2, %mul3A_369 : i32
      %dma_wait3A_371 = arith.constant 0 : i32
      %dma_wait3A_372 = tpu.memref_slice %arg2[%add3A_370, %dma_wait3A_371] : memref<320000x128xf32, #tpu.memory_space<hbm>> -> memref<40x128xf32, #tpu.memory_space<hbm>>
      %dma_wait3A_373 = arith.constant 0 : i32
      %dma_wait3A_374 = tpu.memref_slice %arg2[%add3A_370, %dma_wait3A_373] : memref<320000x128xf32, #tpu.memory_space<hbm>> -> memref<40x128xf32, #tpu.memory_space<hbm>>
      tpu.wait_dma2 semaphore(%arg19 : memref<!tpu.dma_semaphore, #tpu.memory_space<semaphore_mem>>) src(%dma_wait3A_374 : memref<40x128xf32, #tpu.memory_space<hbm>>) dst(%arg12 : memref<40x128xf32, #tpu.memory_space<vmem>>)
      %dma_start3A_375 = arith.constant 0 : i32
      %dma_start3A_376 = arith.constant 0 : i32
      %dma_start3A_377 = tpu.memref_slice %arg18[%dma_start3A_375, %dma_start3A_376] : memref<10240x128xf32, #tpu.memory_space<vmem_shared>> -> memref<10240x128xf32, #tpu.memory_space<vmem_shared>>
      tpu.enqueue_indirect_dma source(%arg12 : memref<40x128xf32, #tpu.memory_space<vmem>>) target(%dma_start3A_377 : memref<10240x128xf32, #tpu.memory_space<vmem_shared>>) offsets(%arg7 : memref<40xi32, #tpu.memory_space<vmem>>) semaphore(%arg24 : memref<!tpu.dma_semaphore, #tpu.memory_space<semaphore_mem>>) {add = true}
      %add3A_378 = arith.constant 1 : i32
      %add3A_379 = arith.addi %mul3A_298, %add3A_378 : i32
      %mul3A_380 = arith.constant 40 : i32
      %mul3A_381 = arith.muli %add3A_379, %mul3A_380 : i32
      %add3A_382 = arith.addi %mul3A_2, %mul3A_381 : i32
      %dma_wait3A_383 = tpu.memref_slice %arg3[%add3A_382] : memref<320000xi32, #tpu.memory_space<hbm>> -> memref<40xi32, #tpu.memory_space<hbm>>
      %dma_wait3A_384 = tpu.memref_slice %arg3[%add3A_382] : memref<320000xi32, #tpu.memory_space<hbm>> -> memref<40xi32, #tpu.memory_space<hbm>>
      tpu.wait_dma2 semaphore(%arg20 : memref<!tpu.dma_semaphore, #tpu.memory_space<semaphore_mem>>) src(%dma_wait3A_384 : memref<40xi32, #tpu.memory_space<hbm>>) dst(%arg8 : memref<40xi32, #tpu.memory_space<vmem>>)
      %add3A_385 = arith.constant 1 : i32
      %add3A_386 = arith.addi %mul3A_298, %add3A_385 : i32
      %mul3A_387 = arith.constant 40 : i32
      %mul3A_388 = arith.muli %add3A_386, %mul3A_387 : i32
      %add3A_389 = arith.addi %mul3A_2, %mul3A_388 : i32
      %dma_wait3A_390 = arith.constant 0 : i32
      %dma_wait3A_391 = tpu.memref_slice %arg2[%add3A_389, %dma_wait3A_390] : memref<320000x128xf32, #tpu.memory_space<hbm>> -> memref<40x128xf32, #tpu.memory_space<hbm>>
      %dma_wait3A_392 = arith.constant 0 : i32
      %dma_wait3A_393 = tpu.memref_slice %arg2[%add3A_389, %dma_wait3A_392] : memref<320000x128xf32, #tpu.memory_space<hbm>> -> memref<40x128xf32, #tpu.memory_space<hbm>>
      tpu.wait_dma2 semaphore(%arg20 : memref<!tpu.dma_semaphore, #tpu.memory_space<semaphore_mem>>) src(%dma_wait3A_393 : memref<40x128xf32, #tpu.memory_space<hbm>>) dst(%arg13 : memref<40x128xf32, #tpu.memory_space<vmem>>)
      %dma_start3A_394 = arith.constant 0 : i32
      %dma_start3A_395 = arith.constant 0 : i32
      %dma_start3A_396 = tpu.memref_slice %arg18[%dma_start3A_394, %dma_start3A_395] : memref<10240x128xf32, #tpu.memory_space<vmem_shared>> -> memref<10240x128xf32, #tpu.memory_space<vmem_shared>>
      tpu.enqueue_indirect_dma source(%arg13 : memref<40x128xf32, #tpu.memory_space<vmem>>) target(%dma_start3A_396 : memref<10240x128xf32, #tpu.memory_space<vmem_shared>>) offsets(%arg8 : memref<40xi32, #tpu.memory_space<vmem>>) semaphore(%arg25 : memref<!tpu.dma_semaphore, #tpu.memory_space<semaphore_mem>>) {add = true}
      %add3A_397 = arith.constant 2 : i32
      %add3A_398 = arith.addi %mul3A_298, %add3A_397 : i32
      %mul3A_399 = arith.constant 40 : i32
      %mul3A_400 = arith.muli %add3A_398, %mul3A_399 : i32
      %add3A_401 = arith.addi %mul3A_2, %mul3A_400 : i32
      %dma_wait3A_402 = tpu.memref_slice %arg3[%add3A_401] : memref<320000xi32, #tpu.memory_space<hbm>> -> memref<40xi32, #tpu.memory_space<hbm>>
      %dma_wait3A_403 = tpu.memref_slice %arg3[%add3A_401] : memref<320000xi32, #tpu.memory_space<hbm>> -> memref<40xi32, #tpu.memory_space<hbm>>
      tpu.wait_dma2 semaphore(%arg21 : memref<!tpu.dma_semaphore, #tpu.memory_space<semaphore_mem>>) src(%dma_wait3A_403 : memref<40xi32, #tpu.memory_space<hbm>>) dst(%arg9 : memref<40xi32, #tpu.memory_space<vmem>>)
      %add3A_404 = arith.constant 2 : i32
      %add3A_405 = arith.addi %mul3A_298, %add3A_404 : i32
      %mul3A_406 = arith.constant 40 : i32
      %mul3A_407 = arith.muli %add3A_405, %mul3A_406 : i32
      %add3A_408 = arith.addi %mul3A_2, %mul3A_407 : i32
      %dma_wait3A_409 = arith.constant 0 : i32
      %dma_wait3A_410 = tpu.memref_slice %arg2[%add3A_408, %dma_wait3A_409] : memref<320000x128xf32, #tpu.memory_space<hbm>> -> memref<40x128xf32, #tpu.memory_space<hbm>>
      %dma_wait3A_411 = arith.constant 0 : i32
      %dma_wait3A_412 = tpu.memref_slice %arg2[%add3A_408, %dma_wait3A_411] : memref<320000x128xf32, #tpu.memory_space<hbm>> -> memref<40x128xf32, #tpu.memory_space<hbm>>
      tpu.wait_dma2 semaphore(%arg21 : memref<!tpu.dma_semaphore, #tpu.memory_space<semaphore_mem>>) src(%dma_wait3A_412 : memref<40x128xf32, #tpu.memory_space<hbm>>) dst(%arg14 : memref<40x128xf32, #tpu.memory_space<vmem>>)
      %dma_start3A_413 = arith.constant 0 : i32
      %dma_start3A_414 = arith.constant 0 : i32
      %dma_start3A_415 = tpu.memref_slice %arg18[%dma_start3A_413, %dma_start3A_414] : memref<10240x128xf32, #tpu.memory_space<vmem_shared>> -> memref<10240x128xf32, #tpu.memory_space<vmem_shared>>
      tpu.enqueue_indirect_dma source(%arg14 : memref<40x128xf32, #tpu.memory_space<vmem>>) target(%dma_start3A_415 : memref<10240x128xf32, #tpu.memory_space<vmem_shared>>) offsets(%arg9 : memref<40xi32, #tpu.memory_space<vmem>>) semaphore(%arg26 : memref<!tpu.dma_semaphore, #tpu.memory_space<semaphore_mem>>) {add = true}
      %add3A_416 = arith.constant 3 : i32
      %add3A_417 = arith.addi %mul3A_298, %add3A_416 : i32
      %mul3A_418 = arith.constant 40 : i32
      %mul3A_419 = arith.muli %add3A_417, %mul3A_418 : i32
      %add3A_420 = arith.addi %mul3A_2, %mul3A_419 : i32
      %dma_wait3A_421 = tpu.memref_slice %arg3[%add3A_420] : memref<320000xi32, #tpu.memory_space<hbm>> -> memref<40xi32, #tpu.memory_space<hbm>>
      %dma_wait3A_422 = tpu.memref_slice %arg3[%add3A_420] : memref<320000xi32, #tpu.memory_space<hbm>> -> memref<40xi32, #tpu.memory_space<hbm>>
      tpu.wait_dma2 semaphore(%arg22 : memref<!tpu.dma_semaphore, #tpu.memory_space<semaphore_mem>>) src(%dma_wait3A_422 : memref<40xi32, #tpu.memory_space<hbm>>) dst(%arg10 : memref<40xi32, #tpu.memory_space<vmem>>)
      %add3A_423 = arith.constant 3 : i32
      %add3A_424 = arith.addi %mul3A_298, %add3A_423 : i32
      %mul3A_425 = arith.constant 40 : i32
      %mul3A_426 = arith.muli %add3A_424, %mul3A_425 : i32
      %add3A_427 = arith.addi %mul3A_2, %mul3A_426 : i32
      %dma_wait3A_428 = arith.constant 0 : i32
      %dma_wait3A_429 = tpu.memref_slice %arg2[%add3A_427, %dma_wait3A_428] : memref<320000x128xf32, #tpu.memory_space<hbm>> -> memref<40x128xf32, #tpu.memory_space<hbm>>
      %dma_wait3A_430 = arith.constant 0 : i32
      %dma_wait3A_431 = tpu.memref_slice %arg2[%add3A_427, %dma_wait3A_430] : memref<320000x128xf32, #tpu.memory_space<hbm>> -> memref<40x128xf32, #tpu.memory_space<hbm>>
      tpu.wait_dma2 semaphore(%arg22 : memref<!tpu.dma_semaphore, #tpu.memory_space<semaphore_mem>>) src(%dma_wait3A_431 : memref<40x128xf32, #tpu.memory_space<hbm>>) dst(%arg15 : memref<40x128xf32, #tpu.memory_space<vmem>>)
      %dma_start3A_432 = arith.constant 0 : i32
      %dma_start3A_433 = arith.constant 0 : i32
      %dma_start3A_434 = tpu.memref_slice %arg18[%dma_start3A_432, %dma_start3A_433] : memref<10240x128xf32, #tpu.memory_space<vmem_shared>> -> memref<10240x128xf32, #tpu.memory_space<vmem_shared>>
      tpu.enqueue_indirect_dma source(%arg15 : memref<40x128xf32, #tpu.memory_space<vmem>>) target(%dma_start3A_434 : memref<10240x128xf32, #tpu.memory_space<vmem_shared>>) offsets(%arg10 : memref<40xi32, #tpu.memory_space<vmem>>) semaphore(%arg27 : memref<!tpu.dma_semaphore, #tpu.memory_space<semaphore_mem>>) {add = true}
      %add3A_435 = arith.constant 4 : i32
      %add3A_436 = arith.addi %mul3A_298, %add3A_435 : i32
      %mul3A_437 = arith.constant 40 : i32
      %mul3A_438 = arith.muli %add3A_436, %mul3A_437 : i32
      %add3A_439 = arith.addi %mul3A_2, %mul3A_438 : i32
      %dma_wait3A_440 = tpu.memref_slice %arg3[%add3A_439] : memref<320000xi32, #tpu.memory_space<hbm>> -> memref<40xi32, #tpu.memory_space<hbm>>
      %dma_wait3A_441 = tpu.memref_slice %arg3[%add3A_439] : memref<320000xi32, #tpu.memory_space<hbm>> -> memref<40xi32, #tpu.memory_space<hbm>>
      tpu.wait_dma2 semaphore(%arg23 : memref<!tpu.dma_semaphore, #tpu.memory_space<semaphore_mem>>) src(%dma_wait3A_441 : memref<40xi32, #tpu.memory_space<hbm>>) dst(%arg11 : memref<40xi32, #tpu.memory_space<vmem>>)
      %add3A_442 = arith.constant 4 : i32
      %add3A_443 = arith.addi %mul3A_298, %add3A_442 : i32
      %mul3A_444 = arith.constant 40 : i32
      %mul3A_445 = arith.muli %add3A_443, %mul3A_444 : i32
      %add3A_446 = arith.addi %mul3A_2, %mul3A_445 : i32
      %dma_wait3A_447 = arith.constant 0 : i32
      %dma_wait3A_448 = tpu.memref_slice %arg2[%add3A_446, %dma_wait3A_447] : memref<320000x128xf32, #tpu.memory_space<hbm>> -> memref<40x128xf32, #tpu.memory_space<hbm>>
      %dma_wait3A_449 = arith.constant 0 : i32
      %dma_wait3A_450 = tpu.memref_slice %arg2[%add3A_446, %dma_wait3A_449] : memref<320000x128xf32, #tpu.memory_space<hbm>> -> memref<40x128xf32, #tpu.memory_space<hbm>>
      tpu.wait_dma2 semaphore(%arg23 : memref<!tpu.dma_semaphore, #tpu.memory_space<semaphore_mem>>) src(%dma_wait3A_450 : memref<40x128xf32, #tpu.memory_space<hbm>>) dst(%arg16 : memref<40x128xf32, #tpu.memory_space<vmem>>)
      %dma_start3A_451 = arith.constant 0 : i32
      %dma_start3A_452 = arith.constant 0 : i32
      %dma_start3A_453 = tpu.memref_slice %arg18[%dma_start3A_451, %dma_start3A_452] : memref<10240x128xf32, #tpu.memory_space<vmem_shared>> -> memref<10240x128xf32, #tpu.memory_space<vmem_shared>>
      tpu.enqueue_indirect_dma source(%arg16 : memref<40x128xf32, #tpu.memory_space<vmem>>) target(%dma_start3A_453 : memref<10240x128xf32, #tpu.memory_space<vmem_shared>>) offsets(%arg11 : memref<40xi32, #tpu.memory_space<vmem>>) semaphore(%arg28 : memref<!tpu.dma_semaphore, #tpu.memory_space<semaphore_mem>>) {add = true}
      %lt3A = arith.constant 99 : i32
      %lt3A_454 = arith.cmpi slt, %scan3A_296, %lt3A : i32
      %convert_element_type3A_455 = arith.extui %lt3A_454 : i1 to i32
      %cond3A_456 = arith.constant 0 : i32
      %cond3A_457 = arith.cmpi ne, %convert_element_type3A_455, %cond3A_456 : i32
      scf.if %cond3A_457 {
        %dma_wait3A_463 = arith.constant 0 : i32
        %dma_wait3A_464 = arith.constant 0 : i32
        %dma_wait3A_465 = tpu.memref_slice %arg18[%dma_wait3A_463, %dma_wait3A_464] : memref<10240x128xf32, #tpu.memory_space<vmem_shared>> -> memref<10240x128xf32, #tpu.memory_space<vmem_shared>>
        tpu.wait_indirect_dma semaphore(%arg24 : memref<!tpu.dma_semaphore, #tpu.memory_space<semaphore_mem>>) src(%arg12 : memref<40x128xf32, #tpu.memory_space<vmem>>) dst(%dma_wait3A_465 : memref<10240x128xf32, #tpu.memory_space<vmem_shared>>)
        %add3A_466 = arith.constant 5 : i32
        %add3A_467 = arith.addi %mul3A_298, %add3A_466 : i32
        %add3A_468 = arith.constant 0 : i32
        %add3A_469 = arith.addi %add3A_467, %add3A_468 : i32
        %mul3A_470 = arith.constant 40 : i32
        %mul3A_471 = arith.muli %add3A_469, %mul3A_470 : i32
        %add3A_472 = arith.addi %mul3A_2, %mul3A_471 : i32
        %dma_start3A_473 = tpu.memref_slice %arg3[%add3A_472] : memref<320000xi32, #tpu.memory_space<hbm>> -> memref<40xi32, #tpu.memory_space<hbm>>
        %dma_start3A_474 = tpu.memref_slice %arg3[%add3A_472] : memref<320000xi32, #tpu.memory_space<hbm>> -> memref<40xi32, #tpu.memory_space<hbm>>
        tpu.enqueue_dma source(%dma_start3A_474 : memref<40xi32, #tpu.memory_space<hbm>>) target(%arg7 : memref<40xi32, #tpu.memory_space<vmem>>) target_semaphore(%arg19 : memref<!tpu.dma_semaphore, #tpu.memory_space<semaphore_mem>>)
        %add3A_475 = arith.constant 5 : i32
        %add3A_476 = arith.addi %mul3A_298, %add3A_475 : i32
        %add3A_477 = arith.constant 0 : i32
        %add3A_478 = arith.addi %add3A_476, %add3A_477 : i32
        %mul3A_479 = arith.constant 40 : i32
        %mul3A_480 = arith.muli %add3A_478, %mul3A_479 : i32
        %add3A_481 = arith.addi %mul3A_2, %mul3A_480 : i32
        %dma_start3A_482 = arith.constant 0 : i32
        %dma_start3A_483 = tpu.memref_slice %arg2[%add3A_481, %dma_start3A_482] : memref<320000x128xf32, #tpu.memory_space<hbm>> -> memref<40x128xf32, #tpu.memory_space<hbm>>
        %dma_start3A_484 = arith.constant 0 : i32
        %dma_start3A_485 = tpu.memref_slice %arg2[%add3A_481, %dma_start3A_484] : memref<320000x128xf32, #tpu.memory_space<hbm>> -> memref<40x128xf32, #tpu.memory_space<hbm>>
        tpu.enqueue_dma source(%dma_start3A_485 : memref<40x128xf32, #tpu.memory_space<hbm>>) target(%arg12 : memref<40x128xf32, #tpu.memory_space<vmem>>) target_semaphore(%arg19 : memref<!tpu.dma_semaphore, #tpu.memory_space<semaphore_mem>>)
      } else {
      }
      %lt3A_458 = arith.constant 99 : i32
      %lt3A_459 = arith.cmpi slt, %scan3A_296, %lt3A_458 : i32
      %convert_element_type3A_460 = arith.extui %lt3A_459 : i1 to i32
      %cond3A_461 = arith.constant 0 : i32
      %cond3A_462 = arith.cmpi ne, %convert_element_type3A_460, %cond3A_461 : i32
      scf.if %cond3A_462 {
        %dma_wait3A_463 = arith.constant 0 : i32
        %dma_wait3A_464 = arith.constant 0 : i32
        %dma_wait3A_465 = tpu.memref_slice %arg18[%dma_wait3A_463, %dma_wait3A_464] : memref<10240x128xf32, #tpu.memory_space<vmem_shared>> -> memref<10240x128xf32, #tpu.memory_space<vmem_shared>>
        tpu.wait_indirect_dma semaphore(%arg25 : memref<!tpu.dma_semaphore, #tpu.memory_space<semaphore_mem>>) src(%arg13 : memref<40x128xf32, #tpu.memory_space<vmem>>) dst(%dma_wait3A_465 : memref<10240x128xf32, #tpu.memory_space<vmem_shared>>)
        %add3A_466 = arith.constant 5 : i32
        %add3A_467 = arith.addi %mul3A_298, %add3A_466 : i32
        %add3A_468 = arith.constant 1 : i32
        %add3A_469 = arith.addi %add3A_467, %add3A_468 : i32
        %mul3A_470 = arith.constant 40 : i32
        %mul3A_471 = arith.muli %add3A_469, %mul3A_470 : i32
        %add3A_472 = arith.addi %mul3A_2, %mul3A_471 : i32
        %dma_start3A_473 = tpu.memref_slice %arg3[%add3A_472] : memref<320000xi32, #tpu.memory_space<hbm>> -> memref<40xi32, #tpu.memory_space<hbm>>
        %dma_start3A_474 = tpu.memref_slice %arg3[%add3A_472] : memref<320000xi32, #tpu.memory_space<hbm>> -> memref<40xi32, #tpu.memory_space<hbm>>
        tpu.enqueue_dma source(%dma_start3A_474 : memref<40xi32, #tpu.memory_space<hbm>>) target(%arg8 : memref<40xi32, #tpu.memory_space<vmem>>) target_semaphore(%arg20 : memref<!tpu.dma_semaphore, #tpu.memory_space<semaphore_mem>>)
        %add3A_475 = arith.constant 5 : i32
        %add3A_476 = arith.addi %mul3A_298, %add3A_475 : i32
        %add3A_477 = arith.constant 1 : i32
        %add3A_478 = arith.addi %add3A_476, %add3A_477 : i32
        %mul3A_479 = arith.constant 40 : i32
        %mul3A_480 = arith.muli %add3A_478, %mul3A_479 : i32
        %add3A_481 = arith.addi %mul3A_2, %mul3A_480 : i32
        %dma_start3A_482 = arith.constant 0 : i32
        %dma_start3A_483 = tpu.memref_slice %arg2[%add3A_481, %dma_start3A_482] : memref<320000x128xf32, #tpu.memory_space<hbm>> -> memref<40x128xf32, #tpu.memory_space<hbm>>
        %dma_start3A_484 = arith.constant 0 : i32
        %dma_start3A_485 = tpu.memref_slice %arg2[%add3A_481, %dma_start3A_484] : memref<320000x128xf32, #tpu.memory_space<hbm>> -> memref<40x128xf32, #tpu.memory_space<hbm>>
        tpu.enqueue_dma source(%dma_start3A_485 : memref<40x128xf32, #tpu.memory_space<hbm>>) target(%arg13 : memref<40x128xf32, #tpu.memory_space<vmem>>) target_semaphore(%arg20 : memref<!tpu.dma_semaphore, #tpu.memory_space<semaphore_mem>>)
      } else {
      }
    }
    %scan3A_90 = arith.constant 100 : i32
    %dma_wait3A = arith.constant 0 : i32
    %dma_wait3A_91 = arith.constant 0 : i32
    %dma_wait3A_92 = tpu.memref_slice %arg18[%dma_wait3A, %dma_wait3A_91] : memref<10240x128xf32, #tpu.memory_space<vmem_shared>> -> memref<10240x128xf32, #tpu.memory_space<vmem_shared>>
    tpu.wait_indirect_dma semaphore(%arg24 : memref<!tpu.dma_semaphore, #tpu.memory_space<semaphore_mem>>) src(%arg12 : memref<40x128xf32, #tpu.memory_space<vmem>>) dst(%dma_wait3A_92 : memref<10240x128xf32, #tpu.memory_space<vmem_shared>>)
    %dma_wait3A_93 = arith.constant 0 : i32
    %dma_wait3A_94 = arith.constant 0 : i32
    %dma_wait3A_95 = tpu.memref_slice %arg18[%dma_wait3A_93, %dma_wait3A_94] : memref<10240x128xf32, #tpu.memory_space<vmem_shared>> -> memref<10240x128xf32, #tpu.memory_space<vmem_shared>>
    tpu.wait_indirect_dma semaphore(%arg25 : memref<!tpu.dma_semaphore, #tpu.memory_space<semaphore_mem>>) src(%arg13 : memref<40x128xf32, #tpu.memory_space<vmem>>) dst(%dma_wait3A_95 : memref<10240x128xf32, #tpu.memory_space<vmem_shared>>)
    %dma_wait3A_96 = arith.constant 0 : i32
    %dma_wait3A_97 = arith.constant 0 : i32
    %dma_wait3A_98 = tpu.memref_slice %arg18[%dma_wait3A_96, %dma_wait3A_97] : memref<10240x128xf32, #tpu.memory_space<vmem_shared>> -> memref<10240x128xf32, #tpu.memory_space<vmem_shared>>
    tpu.wait_indirect_dma semaphore(%arg26 : memref<!tpu.dma_semaphore, #tpu.memory_space<semaphore_mem>>) src(%arg14 : memref<40x128xf32, #tpu.memory_space<vmem>>) dst(%dma_wait3A_98 : memref<10240x128xf32, #tpu.memory_space<vmem_shared>>)
    %dma_wait3A_99 = arith.constant 0 : i32
    %dma_wait3A_100 = arith.constant 0 : i32
    %dma_wait3A_101 = tpu.memref_slice %arg18[%dma_wait3A_99, %dma_wait3A_100] : memref<10240x128xf32, #tpu.memory_space<vmem_shared>> -> memref<10240x128xf32, #tpu.memory_space<vmem_shared>>
    tpu.wait_indirect_dma semaphore(%arg27 : memref<!tpu.dma_semaphore, #tpu.memory_space<semaphore_mem>>) src(%arg15 : memref<40x128xf32, #tpu.memory_space<vmem>>) dst(%dma_wait3A_101 : memref<10240x128xf32, #tpu.memory_space<vmem_shared>>)
    %dma_wait3A_102 = arith.constant 0 : i32
    %dma_wait3A_103 = arith.constant 0 : i32
    %dma_wait3A_104 = tpu.memref_slice %arg18[%dma_wait3A_102, %dma_wait3A_103] : memref<10240x128xf32, #tpu.memory_space<vmem_shared>> -> memref<10240x128xf32, #tpu.memory_space<vmem_shared>>
    tpu.wait_indirect_dma semaphore(%arg28 : memref<!tpu.dma_semaphore, #tpu.memory_space<semaphore_mem>>) src(%arg16 : memref<40x128xf32, #tpu.memory_space<vmem>>) dst(%dma_wait3A_104 : memref<10240x128xf32, #tpu.memory_space<vmem_shared>>)
    %barrier3A_105 = arith.constant 0 : index
    tpu.barrier barrier_id(%barrier3A_105)
    "tpu.region"() ({
      %run_scoped3A_296 = tpu.sem_alloc : memref<!tpu.dma_semaphore, #tpu.memory_space<semaphore_mem>>
      tpu.enqueue_dma source(%arg4 : memref<40x128xf32, #tpu.memory_space<hbm>>) target(%arg13 : memref<40x128xf32, #tpu.memory_space<vmem>>) target_semaphore(%run_scoped3A_296 : memref<!tpu.dma_semaphore, #tpu.memory_space<semaphore_mem>>)
      tpu.wait_dma2 semaphore(%run_scoped3A_296 : memref<!tpu.dma_semaphore, #tpu.memory_space<semaphore_mem>>) src(%arg4 : memref<40x128xf32, #tpu.memory_space<hbm>>) dst(%arg13 : memref<40x128xf32, #tpu.memory_space<vmem>>)
      tpu.yield
    }) : () -> ()
    %mul3A_106 = arith.constant 640 : i32
    %mul3A_107 = arith.muli %arg1, %mul3A_106 : i32
    %add3A_108 = arith.constant 0 : i32
    %add3A_109 = arith.addi %mul3A_107, %add3A_108 : i32
    "tpu.region"() ({
      %run_scoped3A_296 = tpu.sem_alloc : memref<!tpu.dma_semaphore, #tpu.memory_space<semaphore_mem>>
      %dma_start3A_297 = arith.constant 0 : i32
      %dma_start3A_298 = tpu.memref_slice %arg18[%add3A_109, %dma_start3A_297] : memref<10240x128xf32, #tpu.memory_space<vmem_shared>> -> memref<40x128xf32, #tpu.memory_space<vmem_shared>>
      %dma_start3A_299 = arith.constant 0 : i32
      %dma_start3A_300 = tpu.memref_slice %arg18[%add3A_109, %dma_start3A_299] : memref<10240x128xf32, #tpu.memory_space<vmem_shared>> -> memref<40x128xf32, #tpu.memory_space<vmem_shared>>
      tpu.enqueue_dma source(%dma_start3A_300 : memref<40x128xf32, #tpu.memory_space<vmem_shared>>) target(%arg12 : memref<40x128xf32, #tpu.memory_space<vmem>>) target_semaphore(%run_scoped3A_296 : memref<!tpu.dma_semaphore, #tpu.memory_space<semaphore_mem>>)
      %dma_wait3A_301 = arith.constant 0 : i32
      %dma_wait3A_302 = tpu.memref_slice %arg18[%add3A_109, %dma_wait3A_301] : memref<10240x128xf32, #tpu.memory_space<vmem_shared>> -> memref<40x128xf32, #tpu.memory_space<vmem_shared>>
      %dma_wait3A_303 = arith.constant 0 : i32
      %dma_wait3A_304 = tpu.memref_slice %arg18[%add3A_109, %dma_wait3A_303] : memref<10240x128xf32, #tpu.memory_space<vmem_shared>> -> memref<40x128xf32, #tpu.memory_space<vmem_shared>>
      tpu.wait_dma2 semaphore(%run_scoped3A_296 : memref<!tpu.dma_semaphore, #tpu.memory_space<semaphore_mem>>) src(%dma_wait3A_304 : memref<40x128xf32, #tpu.memory_space<vmem_shared>>) dst(%arg12 : memref<40x128xf32, #tpu.memory_space<vmem>>)
      tpu.yield
    }) : () -> ()
    %run_scoped3A = arith.constant 0 : i32
    "tpu.region"() ({
      %run_scoped3A_296 = tpu.sem_alloc : memref<!tpu.dma_semaphore, #tpu.memory_space<semaphore_mem>>
      %dma_start3A_297 = arith.constant 0 : i32
      %dma_start3A_298 = tpu.memref_slice %arg6[%arg0, %run_scoped3A, %add3A_109, %dma_start3A_297] : memref<1x2x10240x128xf32, #tpu.memory_space<hbm>> -> memref<1x1x40x128xf32, #tpu.memory_space<hbm>>
      %dma_start3A_299 = tpu.memref_squeeze %dma_start3A_298 : memref<1x1x40x128xf32, #tpu.memory_space<hbm>> -> memref<40x128xf32, #tpu.memory_space<hbm>>
      %dma_start3A_300 = arith.constant 0 : i32
      %dma_start3A_301 = tpu.memref_slice %arg6[%arg0, %run_scoped3A, %add3A_109, %dma_start3A_300] : memref<1x2x10240x128xf32, #tpu.memory_space<hbm>> -> memref<1x1x40x128xf32, #tpu.memory_space<hbm>>
      %dma_start3A_302 = tpu.memref_squeeze %dma_start3A_301 : memref<1x1x40x128xf32, #tpu.memory_space<hbm>> -> memref<40x128xf32, #tpu.memory_space<hbm>>
      tpu.enqueue_dma source(%arg12 : memref<40x128xf32, #tpu.memory_space<vmem>>) target(%dma_start3A_302 : memref<40x128xf32, #tpu.memory_space<hbm>>) target_semaphore(%run_scoped3A_296 : memref<!tpu.dma_semaphore, #tpu.memory_space<semaphore_mem>>)
      %dma_wait3A_303 = arith.constant 0 : i32
      %dma_wait3A_304 = tpu.memref_slice %arg6[%arg0, %run_scoped3A, %add3A_109, %dma_wait3A_303] : memref<1x2x10240x128xf32, #tpu.memory_space<hbm>> -> memref<1x1x40x128xf32, #tpu.memory_space<hbm>>
      %dma_wait3A_305 = tpu.memref_squeeze %dma_wait3A_304 : memref<1x1x40x128xf32, #tpu.memory_space<hbm>> -> memref<40x128xf32, #tpu.memory_space<hbm>>
      %dma_wait3A_306 = arith.constant 0 : i32
      %dma_wait3A_307 = tpu.memref_slice %arg6[%arg0, %run_scoped3A, %add3A_109, %dma_wait3A_306] : memref<1x2x10240x128xf32, #tpu.memory_space<hbm>> -> memref<1x1x40x128xf32, #tpu.memory_space<hbm>>
      %dma_wait3A_308 = tpu.memref_squeeze %dma_wait3A_307 : memref<1x1x40x128xf32, #tpu.memory_space<hbm>> -> memref<40x128xf32, #tpu.memory_space<hbm>>
      tpu.wait_dma2 semaphore(%run_scoped3A_296 : memref<!tpu.dma_semaphore, #tpu.memory_space<semaphore_mem>>) src(%arg12 : memref<40x128xf32, #tpu.memory_space<vmem>>) dst(%dma_wait3A_308 : memref<40x128xf32, #tpu.memory_space<hbm>>)
      tpu.yield
    }) : () -> ()
    "tpu.region"() ({
      %run_scoped3A_296 = tpu.sem_alloc : memref<!tpu.dma_semaphore, #tpu.memory_space<semaphore_mem>>
      %dma_start3A_297 = arith.constant 0 : i32
      %dma_start3A_298 = tpu.memref_slice %arg18[%add3A_109, %dma_start3A_297] : memref<10240x128xf32, #tpu.memory_space<vmem_shared>> -> memref<40x128xf32, #tpu.memory_space<vmem_shared>>
      %dma_start3A_299 = arith.constant 0 : i32
      %dma_start3A_300 = tpu.memref_slice %arg18[%add3A_109, %dma_start3A_299] : memref<10240x128xf32, #tpu.memory_space<vmem_shared>> -> memref<40x128xf32, #tpu.memory_space<vmem_shared>>
      tpu.enqueue_dma source(%arg13 : memref<40x128xf32, #tpu.memory_space<vmem>>) target(%dma_start3A_300 : memref<40x128xf32, #tpu.memory_space<vmem_shared>>) target_semaphore(%run_scoped3A_296 : memref<!tpu.dma_semaphore, #tpu.memory_space<semaphore_mem>>)
      %dma_wait3A_301 = arith.constant 0 : i32
      %dma_wait3A_302 = tpu.memref_slice %arg18[%add3A_109, %dma_wait3A_301] : memref<10240x128xf32, #tpu.memory_space<vmem_shared>> -> memref<40x128xf32, #tpu.memory_space<vmem_shared>>
      %dma_wait3A_303 = arith.constant 0 : i32
      %dma_wait3A_304 = tpu.memref_slice %arg18[%add3A_109, %dma_wait3A_303] : memref<10240x128xf32, #tpu.memory_space<vmem_shared>> -> memref<40x128xf32, #tpu.memory_space<vmem_shared>>
      tpu.wait_dma2 semaphore(%run_scoped3A_296 : memref<!tpu.dma_semaphore, #tpu.memory_space<semaphore_mem>>) src(%arg13 : memref<40x128xf32, #tpu.memory_space<vmem>>) dst(%dma_wait3A_304 : memref<40x128xf32, #tpu.memory_space<vmem_shared>>)
      tpu.yield
    }) : () -> ()
    %mul3A_110 = arith.constant 640 : i32
    %mul3A_111 = arith.muli %arg1, %mul3A_110 : i32
    %add3A_112 = arith.constant 40 : i32
    %add3A_113 = arith.addi %mul3A_111, %add3A_112 : i32
    "tpu.region"() ({
      %run_scoped3A_296 = tpu.sem_alloc : memref<!tpu.dma_semaphore, #tpu.memory_space<semaphore_mem>>
      %dma_start3A_297 = arith.constant 0 : i32
      %dma_start3A_298 = tpu.memref_slice %arg18[%add3A_113, %dma_start3A_297] : memref<10240x128xf32, #tpu.memory_space<vmem_shared>> -> memref<40x128xf32, #tpu.memory_space<vmem_shared>>
      %dma_start3A_299 = arith.constant 0 : i32
      %dma_start3A_300 = tpu.memref_slice %arg18[%add3A_113, %dma_start3A_299] : memref<10240x128xf32, #tpu.memory_space<vmem_shared>> -> memref<40x128xf32, #tpu.memory_space<vmem_shared>>
      tpu.enqueue_dma source(%dma_start3A_300 : memref<40x128xf32, #tpu.memory_space<vmem_shared>>) target(%arg12 : memref<40x128xf32, #tpu.memory_space<vmem>>) target_semaphore(%run_scoped3A_296 : memref<!tpu.dma_semaphore, #tpu.memory_space<semaphore_mem>>)
      %dma_wait3A_301 = arith.constant 0 : i32
      %dma_wait3A_302 = tpu.memref_slice %arg18[%add3A_113, %dma_wait3A_301] : memref<10240x128xf32, #tpu.memory_space<vmem_shared>> -> memref<40x128xf32, #tpu.memory_space<vmem_shared>>
      %dma_wait3A_303 = arith.constant 0 : i32
      %dma_wait3A_304 = tpu.memref_slice %arg18[%add3A_113, %dma_wait3A_303] : memref<10240x128xf32, #tpu.memory_space<vmem_shared>> -> memref<40x128xf32, #tpu.memory_space<vmem_shared>>
      tpu.wait_dma2 semaphore(%run_scoped3A_296 : memref<!tpu.dma_semaphore, #tpu.memory_space<semaphore_mem>>) src(%dma_wait3A_304 : memref<40x128xf32, #tpu.memory_space<vmem_shared>>) dst(%arg12 : memref<40x128xf32, #tpu.memory_space<vmem>>)
      tpu.yield
    }) : () -> ()
    %run_scoped3A_114 = arith.constant 0 : i32
    "tpu.region"() ({
      %run_scoped3A_296 = tpu.sem_alloc : memref<!tpu.dma_semaphore, #tpu.memory_space<semaphore_mem>>
      %dma_start3A_297 = arith.constant 0 : i32
      %dma_start3A_298 = tpu.memref_slice %arg6[%arg0, %run_scoped3A_114, %add3A_113, %dma_start3A_297] : memref<1x2x10240x128xf32, #tpu.memory_space<hbm>> -> memref<1x1x40x128xf32, #tpu.memory_space<hbm>>
      %dma_start3A_299 = tpu.memref_squeeze %dma_start3A_298 : memref<1x1x40x128xf32, #tpu.memory_space<hbm>> -> memref<40x128xf32, #tpu.memory_space<hbm>>
      %dma_start3A_300 = arith.constant 0 : i32
      %dma_start3A_301 = tpu.memref_slice %arg6[%arg0, %run_scoped3A_114, %add3A_113, %dma_start3A_300] : memref<1x2x10240x128xf32, #tpu.memory_space<hbm>> -> memref<1x1x40x128xf32, #tpu.memory_space<hbm>>
      %dma_start3A_302 = tpu.memref_squeeze %dma_start3A_301 : memref<1x1x40x128xf32, #tpu.memory_space<hbm>> -> memref<40x128xf32, #tpu.memory_space<hbm>>
      tpu.enqueue_dma source(%arg12 : memref<40x128xf32, #tpu.memory_space<vmem>>) target(%dma_start3A_302 : memref<40x128xf32, #tpu.memory_space<hbm>>) target_semaphore(%run_scoped3A_296 : memref<!tpu.dma_semaphore, #tpu.memory_space<semaphore_mem>>)
      %dma_wait3A_303 = arith.constant 0 : i32
      %dma_wait3A_304 = tpu.memref_slice %arg6[%arg0, %run_scoped3A_114, %add3A_113, %dma_wait3A_303] : memref<1x2x10240x128xf32, #tpu.memory_space<hbm>> -> memref<1x1x40x128xf32, #tpu.memory_space<hbm>>
      %dma_wait3A_305 = tpu.memref_squeeze %dma_wait3A_304 : memref<1x1x40x128xf32, #tpu.memory_space<hbm>> -> memref<40x128xf32, #tpu.memory_space<hbm>>
      %dma_wait3A_306 = arith.constant 0 : i32
      %dma_wait3A_307 = tpu.memref_slice %arg6[%arg0, %run_scoped3A_114, %add3A_113, %dma_wait3A_306] : memref<1x2x10240x128xf32, #tpu.memory_space<hbm>> -> memref<1x1x40x128xf32, #tpu.memory_space<hbm>>
      %dma_wait3A_308 = tpu.memref_squeeze %dma_wait3A_307 : memref<1x1x40x128xf32, #tpu.memory_space<hbm>> -> memref<40x128xf32, #tpu.memory_space<hbm>>
      tpu.wait_dma2 semaphore(%run_scoped3A_296 : memref<!tpu.dma_semaphore, #tpu.memory_space<semaphore_mem>>) src(%arg12 : memref<40x128xf32, #tpu.memory_space<vmem>>) dst(%dma_wait3A_308 : memref<40x128xf32, #tpu.memory_space<hbm>>)
      tpu.yield
    }) : () -> ()
    "tpu.region"() ({
      %run_scoped3A_296 = tpu.sem_alloc : memref<!tpu.dma_semaphore, #tpu.memory_space<semaphore_mem>>
      %dma_start3A_297 = arith.constant 0 : i32
      %dma_start3A_298 = tpu.memref_slice %arg18[%add3A_113, %dma_start3A_297] : memref<10240x128xf32, #tpu.memory_space<vmem_shared>> -> memref<40x128xf32, #tpu.memory_space<vmem_shared>>
      %dma_start3A_299 = arith.constant 0 : i32
      %dma_start3A_300 = tpu.memref_slice %arg18[%add3A_113, %dma_start3A_299] : memref<10240x128xf32, #tpu.memory_space<vmem_shared>> -> memref<40x128xf32, #tpu.memory_space<vmem_shared>>
      tpu.enqueue_dma source(%arg13 : memref<40x128xf32, #tpu.memory_space<vmem>>) target(%dma_start3A_300 : memref<40x128xf32, #tpu.memory_space<vmem_shared>>) target_semaphore(%run_scoped3A_296 : memref<!tpu.dma_semaphore, #tpu.memory_space<semaphore_mem>>)
      %dma_wait3A_301 = arith.constant 0 : i32
      %dma_wait3A_302 = tpu.memref_slice %arg18[%add3A_113, %dma_wait3A_301] : memref<10240x128xf32, #tpu.memory_space<vmem_shared>> -> memref<40x128xf32, #tpu.memory_space<vmem_shared>>
      %dma_wait3A_303 = arith.constant 0 : i32
      %dma_wait3A_304 = tpu.memref_slice %arg18[%add3A_113, %dma_wait3A_303] : memref<10240x128xf32, #tpu.memory_space<vmem_shared>> -> memref<40x128xf32, #tpu.memory_space<vmem_shared>>
      tpu.wait_dma2 semaphore(%run_scoped3A_296 : memref<!tpu.dma_semaphore, #tpu.memory_space<semaphore_mem>>) src(%arg13 : memref<40x128xf32, #tpu.memory_space<vmem>>) dst(%dma_wait3A_304 : memref<40x128xf32, #tpu.memory_space<vmem_shared>>)
      tpu.yield
    }) : () -> ()
    %mul3A_115 = arith.constant 640 : i32
    %mul3A_116 = arith.muli %arg1, %mul3A_115 : i32
    %add3A_117 = arith.constant 80 : i32
    %add3A_118 = arith.addi %mul3A_116, %add3A_117 : i32
    "tpu.region"() ({
      %run_scoped3A_296 = tpu.sem_alloc : memref<!tpu.dma_semaphore, #tpu.memory_space<semaphore_mem>>
      %dma_start3A_297 = arith.constant 0 : i32
      %dma_start3A_298 = tpu.memref_slice %arg18[%add3A_118, %dma_start3A_297] : memref<10240x128xf32, #tpu.memory_space<vmem_shared>> -> memref<40x128xf32, #tpu.memory_space<vmem_shared>>
      %dma_start3A_299 = arith.constant 0 : i32
      %dma_start3A_300 = tpu.memref_slice %arg18[%add3A_118, %dma_start3A_299] : memref<10240x128xf32, #tpu.memory_space<vmem_shared>> -> memref<40x128xf32, #tpu.memory_space<vmem_shared>>
      tpu.enqueue_dma source(%dma_start3A_300 : memref<40x128xf32, #tpu.memory_space<vmem_shared>>) target(%arg12 : memref<40x128xf32, #tpu.memory_space<vmem>>) target_semaphore(%run_scoped3A_296 : memref<!tpu.dma_semaphore, #tpu.memory_space<semaphore_mem>>)
      %dma_wait3A_301 = arith.constant 0 : i32
      %dma_wait3A_302 = tpu.memref_slice %arg18[%add3A_118, %dma_wait3A_301] : memref<10240x128xf32, #tpu.memory_space<vmem_shared>> -> memref<40x128xf32, #tpu.memory_space<vmem_shared>>
      %dma_wait3A_303 = arith.constant 0 : i32
      %dma_wait3A_304 = tpu.memref_slice %arg18[%add3A_118, %dma_wait3A_303] : memref<10240x128xf32, #tpu.memory_space<vmem_shared>> -> memref<40x128xf32, #tpu.memory_space<vmem_shared>>
      tpu.wait_dma2 semaphore(%run_scoped3A_296 : memref<!tpu.dma_semaphore, #tpu.memory_space<semaphore_mem>>) src(%dma_wait3A_304 : memref<40x128xf32, #tpu.memory_space<vmem_shared>>) dst(%arg12 : memref<40x128xf32, #tpu.memory_space<vmem>>)
      tpu.yield
    }) : () -> ()
    %run_scoped3A_119 = arith.constant 0 : i32
    "tpu.region"() ({
      %run_scoped3A_296 = tpu.sem_alloc : memref<!tpu.dma_semaphore, #tpu.memory_space<semaphore_mem>>
      %dma_start3A_297 = arith.constant 0 : i32
      %dma_start3A_298 = tpu.memref_slice %arg6[%arg0, %run_scoped3A_119, %add3A_118, %dma_start3A_297] : memref<1x2x10240x128xf32, #tpu.memory_space<hbm>> -> memref<1x1x40x128xf32, #tpu.memory_space<hbm>>
      %dma_start3A_299 = tpu.memref_squeeze %dma_start3A_298 : memref<1x1x40x128xf32, #tpu.memory_space<hbm>> -> memref<40x128xf32, #tpu.memory_space<hbm>>
      %dma_start3A_300 = arith.constant 0 : i32
      %dma_start3A_301 = tpu.memref_slice %arg6[%arg0, %run_scoped3A_119, %add3A_118, %dma_start3A_300] : memref<1x2x10240x128xf32, #tpu.memory_space<hbm>> -> memref<1x1x40x128xf32, #tpu.memory_space<hbm>>
      %dma_start3A_302 = tpu.memref_squeeze %dma_start3A_301 : memref<1x1x40x128xf32, #tpu.memory_space<hbm>> -> memref<40x128xf32, #tpu.memory_space<hbm>>
      tpu.enqueue_dma source(%arg12 : memref<40x128xf32, #tpu.memory_space<vmem>>) target(%dma_start3A_302 : memref<40x128xf32, #tpu.memory_space<hbm>>) target_semaphore(%run_scoped3A_296 : memref<!tpu.dma_semaphore, #tpu.memory_space<semaphore_mem>>)
      %dma_wait3A_303 = arith.constant 0 : i32
      %dma_wait3A_304 = tpu.memref_slice %arg6[%arg0, %run_scoped3A_119, %add3A_118, %dma_wait3A_303] : memref<1x2x10240x128xf32, #tpu.memory_space<hbm>> -> memref<1x1x40x128xf32, #tpu.memory_space<hbm>>
      %dma_wait3A_305 = tpu.memref_squeeze %dma_wait3A_304 : memref<1x1x40x128xf32, #tpu.memory_space<hbm>> -> memref<40x128xf32, #tpu.memory_space<hbm>>
      %dma_wait3A_306 = arith.constant 0 : i32
      %dma_wait3A_307 = tpu.memref_slice %arg6[%arg0, %run_scoped3A_119, %add3A_118, %dma_wait3A_306] : memref<1x2x10240x128xf32, #tpu.memory_space<hbm>> -> memref<1x1x40x128xf32, #tpu.memory_space<hbm>>
      %dma_wait3A_308 = tpu.memref_squeeze %dma_wait3A_307 : memref<1x1x40x128xf32, #tpu.memory_space<hbm>> -> memref<40x128xf32, #tpu.memory_space<hbm>>
      tpu.wait_dma2 semaphore(%run_scoped3A_296 : memref<!tpu.dma_semaphore, #tpu.memory_space<semaphore_mem>>) src(%arg12 : memref<40x128xf32, #tpu.memory_space<vmem>>) dst(%dma_wait3A_308 : memref<40x128xf32, #tpu.memory_space<hbm>>)
      tpu.yield
    }) : () -> ()
    "tpu.region"() ({
      %run_scoped3A_296 = tpu.sem_alloc : memref<!tpu.dma_semaphore, #tpu.memory_space<semaphore_mem>>
      %dma_start3A_297 = arith.constant 0 : i32
      %dma_start3A_298 = tpu.memref_slice %arg18[%add3A_118, %dma_start3A_297] : memref<10240x128xf32, #tpu.memory_space<vmem_shared>> -> memref<40x128xf32, #tpu.memory_space<vmem_shared>>
      %dma_start3A_299 = arith.constant 0 : i32
      %dma_start3A_300 = tpu.memref_slice %arg18[%add3A_118, %dma_start3A_299] : memref<10240x128xf32, #tpu.memory_space<vmem_shared>> -> memref<40x128xf32, #tpu.memory_space<vmem_shared>>
      tpu.enqueue_dma source(%arg13 : memref<40x128xf32, #tpu.memory_space<vmem>>) target(%dma_start3A_300 : memref<40x128xf32, #tpu.memory_space<vmem_shared>>) target_semaphore(%run_scoped3A_296 : memref<!tpu.dma_semaphore, #tpu.memory_space<semaphore_mem>>)
      %dma_wait3A_301 = arith.constant 0 : i32
      %dma_wait3A_302 = tpu.memref_slice %arg18[%add3A_118, %dma_wait3A_301] : memref<10240x128xf32, #tpu.memory_space<vmem_shared>> -> memref<40x128xf32, #tpu.memory_space<vmem_shared>>
      %dma_wait3A_303 = arith.constant 0 : i32
      %dma_wait3A_304 = tpu.memref_slice %arg18[%add3A_118, %dma_wait3A_303] : memref<10240x128xf32, #tpu.memory_space<vmem_shared>> -> memref<40x128xf32, #tpu.memory_space<vmem_shared>>
      tpu.wait_dma2 semaphore(%run_scoped3A_296 : memref<!tpu.dma_semaphore, #tpu.memory_space<semaphore_mem>>) src(%arg13 : memref<40x128xf32, #tpu.memory_space<vmem>>) dst(%dma_wait3A_304 : memref<40x128xf32, #tpu.memory_space<vmem_shared>>)
      tpu.yield
    }) : () -> ()
    %mul3A_120 = arith.constant 640 : i32
    %mul3A_121 = arith.muli %arg1, %mul3A_120 : i32
    %add3A_122 = arith.constant 120 : i32
    %add3A_123 = arith.addi %mul3A_121, %add3A_122 : i32
    "tpu.region"() ({
      %run_scoped3A_296 = tpu.sem_alloc : memref<!tpu.dma_semaphore, #tpu.memory_space<semaphore_mem>>
      %dma_start3A_297 = arith.constant 0 : i32
      %dma_start3A_298 = tpu.memref_slice %arg18[%add3A_123, %dma_start3A_297] : memref<10240x128xf32, #tpu.memory_space<vmem_shared>> -> memref<40x128xf32, #tpu.memory_space<vmem_shared>>
      %dma_start3A_299 = arith.constant 0 : i32
      %dma_start3A_300 = tpu.memref_slice %arg18[%add3A_123, %dma_start3A_299] : memref<10240x128xf32, #tpu.memory_space<vmem_shared>> -> memref<40x128xf32, #tpu.memory_space<vmem_shared>>
      tpu.enqueue_dma source(%dma_start3A_300 : memref<40x128xf32, #tpu.memory_space<vmem_shared>>) target(%arg12 : memref<40x128xf32, #tpu.memory_space<vmem>>) target_semaphore(%run_scoped3A_296 : memref<!tpu.dma_semaphore, #tpu.memory_space<semaphore_mem>>)
      %dma_wait3A_301 = arith.constant 0 : i32
      %dma_wait3A_302 = tpu.memref_slice %arg18[%add3A_123, %dma_wait3A_301] : memref<10240x128xf32, #tpu.memory_space<vmem_shared>> -> memref<40x128xf32, #tpu.memory_space<vmem_shared>>
      %dma_wait3A_303 = arith.constant 0 : i32
      %dma_wait3A_304 = tpu.memref_slice %arg18[%add3A_123, %dma_wait3A_303] : memref<10240x128xf32, #tpu.memory_space<vmem_shared>> -> memref<40x128xf32, #tpu.memory_space<vmem_shared>>
      tpu.wait_dma2 semaphore(%run_scoped3A_296 : memref<!tpu.dma_semaphore, #tpu.memory_space<semaphore_mem>>) src(%dma_wait3A_304 : memref<40x128xf32, #tpu.memory_space<vmem_shared>>) dst(%arg12 : memref<40x128xf32, #tpu.memory_space<vmem>>)
      tpu.yield
    }) : () -> ()
    %run_scoped3A_124 = arith.constant 0 : i32
    "tpu.region"() ({
      %run_scoped3A_296 = tpu.sem_alloc : memref<!tpu.dma_semaphore, #tpu.memory_space<semaphore_mem>>
      %dma_start3A_297 = arith.constant 0 : i32
      %dma_start3A_298 = tpu.memref_slice %arg6[%arg0, %run_scoped3A_124, %add3A_123, %dma_start3A_297] : memref<1x2x10240x128xf32, #tpu.memory_space<hbm>> -> memref<1x1x40x128xf32, #tpu.memory_space<hbm>>
      %dma_start3A_299 = tpu.memref_squeeze %dma_start3A_298 : memref<1x1x40x128xf32, #tpu.memory_space<hbm>> -> memref<40x128xf32, #tpu.memory_space<hbm>>
      %dma_start3A_300 = arith.constant 0 : i32
      %dma_start3A_301 = tpu.memref_slice %arg6[%arg0, %run_scoped3A_124, %add3A_123, %dma_start3A_300] : memref<1x2x10240x128xf32, #tpu.memory_space<hbm>> -> memref<1x1x40x128xf32, #tpu.memory_space<hbm>>
      %dma_start3A_302 = tpu.memref_squeeze %dma_start3A_301 : memref<1x1x40x128xf32, #tpu.memory_space<hbm>> -> memref<40x128xf32, #tpu.memory_space<hbm>>
      tpu.enqueue_dma source(%arg12 : memref<40x128xf32, #tpu.memory_space<vmem>>) target(%dma_start3A_302 : memref<40x128xf32, #tpu.memory_space<hbm>>) target_semaphore(%run_scoped3A_296 : memref<!tpu.dma_semaphore, #tpu.memory_space<semaphore_mem>>)
      %dma_wait3A_303 = arith.constant 0 : i32
      %dma_wait3A_304 = tpu.memref_slice %arg6[%arg0, %run_scoped3A_124, %add3A_123, %dma_wait3A_303] : memref<1x2x10240x128xf32, #tpu.memory_space<hbm>> -> memref<1x1x40x128xf32, #tpu.memory_space<hbm>>
      %dma_wait3A_305 = tpu.memref_squeeze %dma_wait3A_304 : memref<1x1x40x128xf32, #tpu.memory_space<hbm>> -> memref<40x128xf32, #tpu.memory_space<hbm>>
      %dma_wait3A_306 = arith.constant 0 : i32
      %dma_wait3A_307 = tpu.memref_slice %arg6[%arg0, %run_scoped3A_124, %add3A_123, %dma_wait3A_306] : memref<1x2x10240x128xf32, #tpu.memory_space<hbm>> -> memref<1x1x40x128xf32, #tpu.memory_space<hbm>>
      %dma_wait3A_308 = tpu.memref_squeeze %dma_wait3A_307 : memref<1x1x40x128xf32, #tpu.memory_space<hbm>> -> memref<40x128xf32, #tpu.memory_space<hbm>>
      tpu.wait_dma2 semaphore(%run_scoped3A_296 : memref<!tpu.dma_semaphore, #tpu.memory_space<semaphore_mem>>) src(%arg12 : memref<40x128xf32, #tpu.memory_space<vmem>>) dst(%dma_wait3A_308 : memref<40x128xf32, #tpu.memory_space<hbm>>)
      tpu.yield
    }) : () -> ()
    "tpu.region"() ({
      %run_scoped3A_296 = tpu.sem_alloc : memref<!tpu.dma_semaphore, #tpu.memory_space<semaphore_mem>>
      %dma_start3A_297 = arith.constant 0 : i32
      %dma_start3A_298 = tpu.memref_slice %arg18[%add3A_123, %dma_start3A_297] : memref<10240x128xf32, #tpu.memory_space<vmem_shared>> -> memref<40x128xf32, #tpu.memory_space<vmem_shared>>
      %dma_start3A_299 = arith.constant 0 : i32
      %dma_start3A_300 = tpu.memref_slice %arg18[%add3A_123, %dma_start3A_299] : memref<10240x128xf32, #tpu.memory_space<vmem_shared>> -> memref<40x128xf32, #tpu.memory_space<vmem_shared>>
      tpu.enqueue_dma source(%arg13 : memref<40x128xf32, #tpu.memory_space<vmem>>) target(%dma_start3A_300 : memref<40x128xf32, #tpu.memory_space<vmem_shared>>) target_semaphore(%run_scoped3A_296 : memref<!tpu.dma_semaphore, #tpu.memory_space<semaphore_mem>>)
      %dma_wait3A_301 = arith.constant 0 : i32
      %dma_wait3A_302 = tpu.memref_slice %arg18[%add3A_123, %dma_wait3A_301] : memref<10240x128xf32, #tpu.memory_space<vmem_shared>> -> memref<40x128xf32, #tpu.memory_space<vmem_shared>>
      %dma_wait3A_303 = arith.constant 0 : i32
      %dma_wait3A_304 = tpu.memref_slice %arg18[%add3A_123, %dma_wait3A_303] : memref<10240x128xf32, #tpu.memory_space<vmem_shared>> -> memref<40x128xf32, #tpu.memory_space<vmem_shared>>
      tpu.wait_dma2 semaphore(%run_scoped3A_296 : memref<!tpu.dma_semaphore, #tpu.memory_space<semaphore_mem>>) src(%arg13 : memref<40x128xf32, #tpu.memory_space<vmem>>) dst(%dma_wait3A_304 : memref<40x128xf32, #tpu.memory_space<vmem_shared>>)
      tpu.yield
    }) : () -> ()
    %mul3A_125 = arith.constant 640 : i32
    %mul3A_126 = arith.muli %arg1, %mul3A_125 : i32
    %add3A_127 = arith.constant 160 : i32
    %add3A_128 = arith.addi %mul3A_126, %add3A_127 : i32
    "tpu.region"() ({
      %run_scoped3A_296 = tpu.sem_alloc : memref<!tpu.dma_semaphore, #tpu.memory_space<semaphore_mem>>
      %dma_start3A_297 = arith.constant 0 : i32
      %dma_start3A_298 = tpu.memref_slice %arg18[%add3A_128, %dma_start3A_297] : memref<10240x128xf32, #tpu.memory_space<vmem_shared>> -> memref<40x128xf32, #tpu.memory_space<vmem_shared>>
      %dma_start3A_299 = arith.constant 0 : i32
      %dma_start3A_300 = tpu.memref_slice %arg18[%add3A_128, %dma_start3A_299] : memref<10240x128xf32, #tpu.memory_space<vmem_shared>> -> memref<40x128xf32, #tpu.memory_space<vmem_shared>>
      tpu.enqueue_dma source(%dma_start3A_300 : memref<40x128xf32, #tpu.memory_space<vmem_shared>>) target(%arg12 : memref<40x128xf32, #tpu.memory_space<vmem>>) target_semaphore(%run_scoped3A_296 : memref<!tpu.dma_semaphore, #tpu.memory_space<semaphore_mem>>)
      %dma_wait3A_301 = arith.constant 0 : i32
      %dma_wait3A_302 = tpu.memref_slice %arg18[%add3A_128, %dma_wait3A_301] : memref<10240x128xf32, #tpu.memory_space<vmem_shared>> -> memref<40x128xf32, #tpu.memory_space<vmem_shared>>
      %dma_wait3A_303 = arith.constant 0 : i32
      %dma_wait3A_304 = tpu.memref_slice %arg18[%add3A_128, %dma_wait3A_303] : memref<10240x128xf32, #tpu.memory_space<vmem_shared>> -> memref<40x128xf32, #tpu.memory_space<vmem_shared>>
      tpu.wait_dma2 semaphore(%run_scoped3A_296 : memref<!tpu.dma_semaphore, #tpu.memory_space<semaphore_mem>>) src(%dma_wait3A_304 : memref<40x128xf32, #tpu.memory_space<vmem_shared>>) dst(%arg12 : memref<40x128xf32, #tpu.memory_space<vmem>>)
      tpu.yield
    }) : () -> ()
    %run_scoped3A_129 = arith.constant 0 : i32
    "tpu.region"() ({
      %run_scoped3A_296 = tpu.sem_alloc : memref<!tpu.dma_semaphore, #tpu.memory_space<semaphore_mem>>
      %dma_start3A_297 = arith.constant 0 : i32
      %dma_start3A_298 = tpu.memref_slice %arg6[%arg0, %run_scoped3A_129, %add3A_128, %dma_start3A_297] : memref<1x2x10240x128xf32, #tpu.memory_space<hbm>> -> memref<1x1x40x128xf32, #tpu.memory_space<hbm>>
      %dma_start3A_299 = tpu.memref_squeeze %dma_start3A_298 : memref<1x1x40x128xf32, #tpu.memory_space<hbm>> -> memref<40x128xf32, #tpu.memory_space<hbm>>
      %dma_start3A_300 = arith.constant 0 : i32
      %dma_start3A_301 = tpu.memref_slice %arg6[%arg0, %run_scoped3A_129, %add3A_128, %dma_start3A_300] : memref<1x2x10240x128xf32, #tpu.memory_space<hbm>> -> memref<1x1x40x128xf32, #tpu.memory_space<hbm>>
      %dma_start3A_302 = tpu.memref_squeeze %dma_start3A_301 : memref<1x1x40x128xf32, #tpu.memory_space<hbm>> -> memref<40x128xf32, #tpu.memory_space<hbm>>
      tpu.enqueue_dma source(%arg12 : memref<40x128xf32, #tpu.memory_space<vmem>>) target(%dma_start3A_302 : memref<40x128xf32, #tpu.memory_space<hbm>>) target_semaphore(%run_scoped3A_296 : memref<!tpu.dma_semaphore, #tpu.memory_space<semaphore_mem>>)
      %dma_wait3A_303 = arith.constant 0 : i32
      %dma_wait3A_304 = tpu.memref_slice %arg6[%arg0, %run_scoped3A_129, %add3A_128, %dma_wait3A_303] : memref<1x2x10240x128xf32, #tpu.memory_space<hbm>> -> memref<1x1x40x128xf32, #tpu.memory_space<hbm>>
      %dma_wait3A_305 = tpu.memref_squeeze %dma_wait3A_304 : memref<1x1x40x128xf32, #tpu.memory_space<hbm>> -> memref<40x128xf32, #tpu.memory_space<hbm>>
      %dma_wait3A_306 = arith.constant 0 : i32
      %dma_wait3A_307 = tpu.memref_slice %arg6[%arg0, %run_scoped3A_129, %add3A_128, %dma_wait3A_306] : memref<1x2x10240x128xf32, #tpu.memory_space<hbm>> -> memref<1x1x40x128xf32, #tpu.memory_space<hbm>>
      %dma_wait3A_308 = tpu.memref_squeeze %dma_wait3A_307 : memref<1x1x40x128xf32, #tpu.memory_space<hbm>> -> memref<40x128xf32, #tpu.memory_space<hbm>>
      tpu.wait_dma2 semaphore(%run_scoped3A_296 : memref<!tpu.dma_semaphore, #tpu.memory_space<semaphore_mem>>) src(%arg12 : memref<40x128xf32, #tpu.memory_space<vmem>>) dst(%dma_wait3A_308 : memref<40x128xf32, #tpu.memory_space<hbm>>)
      tpu.yield
    }) : () -> ()
    "tpu.region"() ({
      %run_scoped3A_296 = tpu.sem_alloc : memref<!tpu.dma_semaphore, #tpu.memory_space<semaphore_mem>>
      %dma_start3A_297 = arith.constant 0 : i32
      %dma_start3A_298 = tpu.memref_slice %arg18[%add3A_128, %dma_start3A_297] : memref<10240x128xf32, #tpu.memory_space<vmem_shared>> -> memref<40x128xf32, #tpu.memory_space<vmem_shared>>
      %dma_start3A_299 = arith.constant 0 : i32
      %dma_start3A_300 = tpu.memref_slice %arg18[%add3A_128, %dma_start3A_299] : memref<10240x128xf32, #tpu.memory_space<vmem_shared>> -> memref<40x128xf32, #tpu.memory_space<vmem_shared>>
      tpu.enqueue_dma source(%arg13 : memref<40x128xf32, #tpu.memory_space<vmem>>) target(%dma_start3A_300 : memref<40x128xf32, #tpu.memory_space<vmem_shared>>) target_semaphore(%run_scoped3A_296 : memref<!tpu.dma_semaphore, #tpu.memory_space<semaphore_mem>>)
      %dma_wait3A_301 = arith.constant 0 : i32
      %dma_wait3A_302 = tpu.memref_slice %arg18[%add3A_128, %dma_wait3A_301] : memref<10240x128xf32, #tpu.memory_space<vmem_shared>> -> memref<40x128xf32, #tpu.memory_space<vmem_shared>>
      %dma_wait3A_303 = arith.constant 0 : i32
      %dma_wait3A_304 = tpu.memref_slice %arg18[%add3A_128, %dma_wait3A_303] : memref<10240x128xf32, #tpu.memory_space<vmem_shared>> -> memref<40x128xf32, #tpu.memory_space<vmem_shared>>
      tpu.wait_dma2 semaphore(%run_scoped3A_296 : memref<!tpu.dma_semaphore, #tpu.memory_space<semaphore_mem>>) src(%arg13 : memref<40x128xf32, #tpu.memory_space<vmem>>) dst(%dma_wait3A_304 : memref<40x128xf32, #tpu.memory_space<vmem_shared>>)
      tpu.yield
    }) : () -> ()
    %mul3A_130 = arith.constant 640 : i32
    %mul3A_131 = arith.muli %arg1, %mul3A_130 : i32
    %add3A_132 = arith.constant 200 : i32
    %add3A_133 = arith.addi %mul3A_131, %add3A_132 : i32
    "tpu.region"() ({
      %run_scoped3A_296 = tpu.sem_alloc : memref<!tpu.dma_semaphore, #tpu.memory_space<semaphore_mem>>
      %dma_start3A_297 = arith.constant 0 : i32
      %dma_start3A_298 = tpu.memref_slice %arg18[%add3A_133, %dma_start3A_297] : memref<10240x128xf32, #tpu.memory_space<vmem_shared>> -> memref<40x128xf32, #tpu.memory_space<vmem_shared>>
      %dma_start3A_299 = arith.constant 0 : i32
      %dma_start3A_300 = tpu.memref_slice %arg18[%add3A_133, %dma_start3A_299] : memref<10240x128xf32, #tpu.memory_space<vmem_shared>> -> memref<40x128xf32, #tpu.memory_space<vmem_shared>>
      tpu.enqueue_dma source(%dma_start3A_300 : memref<40x128xf32, #tpu.memory_space<vmem_shared>>) target(%arg12 : memref<40x128xf32, #tpu.memory_space<vmem>>) target_semaphore(%run_scoped3A_296 : memref<!tpu.dma_semaphore, #tpu.memory_space<semaphore_mem>>)
      %dma_wait3A_301 = arith.constant 0 : i32
      %dma_wait3A_302 = tpu.memref_slice %arg18[%add3A_133, %dma_wait3A_301] : memref<10240x128xf32, #tpu.memory_space<vmem_shared>> -> memref<40x128xf32, #tpu.memory_space<vmem_shared>>
      %dma_wait3A_303 = arith.constant 0 : i32
      %dma_wait3A_304 = tpu.memref_slice %arg18[%add3A_133, %dma_wait3A_303] : memref<10240x128xf32, #tpu.memory_space<vmem_shared>> -> memref<40x128xf32, #tpu.memory_space<vmem_shared>>
      tpu.wait_dma2 semaphore(%run_scoped3A_296 : memref<!tpu.dma_semaphore, #tpu.memory_space<semaphore_mem>>) src(%dma_wait3A_304 : memref<40x128xf32, #tpu.memory_space<vmem_shared>>) dst(%arg12 : memref<40x128xf32, #tpu.memory_space<vmem>>)
      tpu.yield
    }) : () -> ()
    %run_scoped3A_134 = arith.constant 0 : i32
    "tpu.region"() ({
      %run_scoped3A_296 = tpu.sem_alloc : memref<!tpu.dma_semaphore, #tpu.memory_space<semaphore_mem>>
      %dma_start3A_297 = arith.constant 0 : i32
      %dma_start3A_298 = tpu.memref_slice %arg6[%arg0, %run_scoped3A_134, %add3A_133, %dma_start3A_297] : memref<1x2x10240x128xf32, #tpu.memory_space<hbm>> -> memref<1x1x40x128xf32, #tpu.memory_space<hbm>>
      %dma_start3A_299 = tpu.memref_squeeze %dma_start3A_298 : memref<1x1x40x128xf32, #tpu.memory_space<hbm>> -> memref<40x128xf32, #tpu.memory_space<hbm>>
      %dma_start3A_300 = arith.constant 0 : i32
      %dma_start3A_301 = tpu.memref_slice %arg6[%arg0, %run_scoped3A_134, %add3A_133, %dma_start3A_300] : memref<1x2x10240x128xf32, #tpu.memory_space<hbm>> -> memref<1x1x40x128xf32, #tpu.memory_space<hbm>>
      %dma_start3A_302 = tpu.memref_squeeze %dma_start3A_301 : memref<1x1x40x128xf32, #tpu.memory_space<hbm>> -> memref<40x128xf32, #tpu.memory_space<hbm>>
      tpu.enqueue_dma source(%arg12 : memref<40x128xf32, #tpu.memory_space<vmem>>) target(%dma_start3A_302 : memref<40x128xf32, #tpu.memory_space<hbm>>) target_semaphore(%run_scoped3A_296 : memref<!tpu.dma_semaphore, #tpu.memory_space<semaphore_mem>>)
      %dma_wait3A_303 = arith.constant 0 : i32
      %dma_wait3A_304 = tpu.memref_slice %arg6[%arg0, %run_scoped3A_134, %add3A_133, %dma_wait3A_303] : memref<1x2x10240x128xf32, #tpu.memory_space<hbm>> -> memref<1x1x40x128xf32, #tpu.memory_space<hbm>>
      %dma_wait3A_305 = tpu.memref_squeeze %dma_wait3A_304 : memref<1x1x40x128xf32, #tpu.memory_space<hbm>> -> memref<40x128xf32, #tpu.memory_space<hbm>>
      %dma_wait3A_306 = arith.constant 0 : i32
      %dma_wait3A_307 = tpu.memref_slice %arg6[%arg0, %run_scoped3A_134, %add3A_133, %dma_wait3A_306] : memref<1x2x10240x128xf32, #tpu.memory_space<hbm>> -> memref<1x1x40x128xf32, #tpu.memory_space<hbm>>
      %dma_wait3A_308 = tpu.memref_squeeze %dma_wait3A_307 : memref<1x1x40x128xf32, #tpu.memory_space<hbm>> -> memref<40x128xf32, #tpu.memory_space<hbm>>
      tpu.wait_dma2 semaphore(%run_scoped3A_296 : memref<!tpu.dma_semaphore, #tpu.memory_space<semaphore_mem>>) src(%arg12 : memref<40x128xf32, #tpu.memory_space<vmem>>) dst(%dma_wait3A_308 : memref<40x128xf32, #tpu.memory_space<hbm>>)
      tpu.yield
    }) : () -> ()
    "tpu.region"() ({
      %run_scoped3A_296 = tpu.sem_alloc : memref<!tpu.dma_semaphore, #tpu.memory_space<semaphore_mem>>
      %dma_start3A_297 = arith.constant 0 : i32
      %dma_start3A_298 = tpu.memref_slice %arg18[%add3A_133, %dma_start3A_297] : memref<10240x128xf32, #tpu.memory_space<vmem_shared>> -> memref<40x128xf32, #tpu.memory_space<vmem_shared>>
      %dma_start3A_299 = arith.constant 0 : i32
      %dma_start3A_300 = tpu.memref_slice %arg18[%add3A_133, %dma_start3A_299] : memref<10240x128xf32, #tpu.memory_space<vmem_shared>> -> memref<40x128xf32, #tpu.memory_space<vmem_shared>>
      tpu.enqueue_dma source(%arg13 : memref<40x128xf32, #tpu.memory_space<vmem>>) target(%dma_start3A_300 : memref<40x128xf32, #tpu.memory_space<vmem_shared>>) target_semaphore(%run_scoped3A_296 : memref<!tpu.dma_semaphore, #tpu.memory_space<semaphore_mem>>)
      %dma_wait3A_301 = arith.constant 0 : i32
      %dma_wait3A_302 = tpu.memref_slice %arg18[%add3A_133, %dma_wait3A_301] : memref<10240x128xf32, #tpu.memory_space<vmem_shared>> -> memref<40x128xf32, #tpu.memory_space<vmem_shared>>
      %dma_wait3A_303 = arith.constant 0 : i32
      %dma_wait3A_304 = tpu.memref_slice %arg18[%add3A_133, %dma_wait3A_303] : memref<10240x128xf32, #tpu.memory_space<vmem_shared>> -> memref<40x128xf32, #tpu.memory_space<vmem_shared>>
      tpu.wait_dma2 semaphore(%run_scoped3A_296 : memref<!tpu.dma_semaphore, #tpu.memory_space<semaphore_mem>>) src(%arg13 : memref<40x128xf32, #tpu.memory_space<vmem>>) dst(%dma_wait3A_304 : memref<40x128xf32, #tpu.memory_space<vmem_shared>>)
      tpu.yield
    }) : () -> ()
    %mul3A_135 = arith.constant 640 : i32
    %mul3A_136 = arith.muli %arg1, %mul3A_135 : i32
    %add3A_137 = arith.constant 240 : i32
    %add3A_138 = arith.addi %mul3A_136, %add3A_137 : i32
    "tpu.region"() ({
      %run_scoped3A_296 = tpu.sem_alloc : memref<!tpu.dma_semaphore, #tpu.memory_space<semaphore_mem>>
      %dma_start3A_297 = arith.constant 0 : i32
      %dma_start3A_298 = tpu.memref_slice %arg18[%add3A_138, %dma_start3A_297] : memref<10240x128xf32, #tpu.memory_space<vmem_shared>> -> memref<40x128xf32, #tpu.memory_space<vmem_shared>>
      %dma_start3A_299 = arith.constant 0 : i32
      %dma_start3A_300 = tpu.memref_slice %arg18[%add3A_138, %dma_start3A_299] : memref<10240x128xf32, #tpu.memory_space<vmem_shared>> -> memref<40x128xf32, #tpu.memory_space<vmem_shared>>
      tpu.enqueue_dma source(%dma_start3A_300 : memref<40x128xf32, #tpu.memory_space<vmem_shared>>) target(%arg12 : memref<40x128xf32, #tpu.memory_space<vmem>>) target_semaphore(%run_scoped3A_296 : memref<!tpu.dma_semaphore, #tpu.memory_space<semaphore_mem>>)
      %dma_wait3A_301 = arith.constant 0 : i32
      %dma_wait3A_302 = tpu.memref_slice %arg18[%add3A_138, %dma_wait3A_301] : memref<10240x128xf32, #tpu.memory_space<vmem_shared>> -> memref<40x128xf32, #tpu.memory_space<vmem_shared>>
      %dma_wait3A_303 = arith.constant 0 : i32
      %dma_wait3A_304 = tpu.memref_slice %arg18[%add3A_138, %dma_wait3A_303] : memref<10240x128xf32, #tpu.memory_space<vmem_shared>> -> memref<40x128xf32, #tpu.memory_space<vmem_shared>>
      tpu.wait_dma2 semaphore(%run_scoped3A_296 : memref<!tpu.dma_semaphore, #tpu.memory_space<semaphore_mem>>) src(%dma_wait3A_304 : memref<40x128xf32, #tpu.memory_space<vmem_shared>>) dst(%arg12 : memref<40x128xf32, #tpu.memory_space<vmem>>)
      tpu.yield
    }) : () -> ()
    %run_scoped3A_139 = arith.constant 0 : i32
    "tpu.region"() ({
      %run_scoped3A_296 = tpu.sem_alloc : memref<!tpu.dma_semaphore, #tpu.memory_space<semaphore_mem>>
      %dma_start3A_297 = arith.constant 0 : i32
      %dma_start3A_298 = tpu.memref_slice %arg6[%arg0, %run_scoped3A_139, %add3A_138, %dma_start3A_297] : memref<1x2x10240x128xf32, #tpu.memory_space<hbm>> -> memref<1x1x40x128xf32, #tpu.memory_space<hbm>>
      %dma_start3A_299 = tpu.memref_squeeze %dma_start3A_298 : memref<1x1x40x128xf32, #tpu.memory_space<hbm>> -> memref<40x128xf32, #tpu.memory_space<hbm>>
      %dma_start3A_300 = arith.constant 0 : i32
      %dma_start3A_301 = tpu.memref_slice %arg6[%arg0, %run_scoped3A_139, %add3A_138, %dma_start3A_300] : memref<1x2x10240x128xf32, #tpu.memory_space<hbm>> -> memref<1x1x40x128xf32, #tpu.memory_space<hbm>>
      %dma_start3A_302 = tpu.memref_squeeze %dma_start3A_301 : memref<1x1x40x128xf32, #tpu.memory_space<hbm>> -> memref<40x128xf32, #tpu.memory_space<hbm>>
      tpu.enqueue_dma source(%arg12 : memref<40x128xf32, #tpu.memory_space<vmem>>) target(%dma_start3A_302 : memref<40x128xf32, #tpu.memory_space<hbm>>) target_semaphore(%run_scoped3A_296 : memref<!tpu.dma_semaphore, #tpu.memory_space<semaphore_mem>>)
      %dma_wait3A_303 = arith.constant 0 : i32
      %dma_wait3A_304 = tpu.memref_slice %arg6[%arg0, %run_scoped3A_139, %add3A_138, %dma_wait3A_303] : memref<1x2x10240x128xf32, #tpu.memory_space<hbm>> -> memref<1x1x40x128xf32, #tpu.memory_space<hbm>>
      %dma_wait3A_305 = tpu.memref_squeeze %dma_wait3A_304 : memref<1x1x40x128xf32, #tpu.memory_space<hbm>> -> memref<40x128xf32, #tpu.memory_space<hbm>>
      %dma_wait3A_306 = arith.constant 0 : i32
      %dma_wait3A_307 = tpu.memref_slice %arg6[%arg0, %run_scoped3A_139, %add3A_138, %dma_wait3A_306] : memref<1x2x10240x128xf32, #tpu.memory_space<hbm>> -> memref<1x1x40x128xf32, #tpu.memory_space<hbm>>
      %dma_wait3A_308 = tpu.memref_squeeze %dma_wait3A_307 : memref<1x1x40x128xf32, #tpu.memory_space<hbm>> -> memref<40x128xf32, #tpu.memory_space<hbm>>
      tpu.wait_dma2 semaphore(%run_scoped3A_296 : memref<!tpu.dma_semaphore, #tpu.memory_space<semaphore_mem>>) src(%arg12 : memref<40x128xf32, #tpu.memory_space<vmem>>) dst(%dma_wait3A_308 : memref<40x128xf32, #tpu.memory_space<hbm>>)
      tpu.yield
    }) : () -> ()
    "tpu.region"() ({
      %run_scoped3A_296 = tpu.sem_alloc : memref<!tpu.dma_semaphore, #tpu.memory_space<semaphore_mem>>
      %dma_start3A_297 = arith.constant 0 : i32
      %dma_start3A_298 = tpu.memref_slice %arg18[%add3A_138, %dma_start3A_297] : memref<10240x128xf32, #tpu.memory_space<vmem_shared>> -> memref<40x128xf32, #tpu.memory_space<vmem_shared>>
      %dma_start3A_299 = arith.constant 0 : i32
      %dma_start3A_300 = tpu.memref_slice %arg18[%add3A_138, %dma_start3A_299] : memref<10240x128xf32, #tpu.memory_space<vmem_shared>> -> memref<40x128xf32, #tpu.memory_space<vmem_shared>>
      tpu.enqueue_dma source(%arg13 : memref<40x128xf32, #tpu.memory_space<vmem>>) target(%dma_start3A_300 : memref<40x128xf32, #tpu.memory_space<vmem_shared>>) target_semaphore(%run_scoped3A_296 : memref<!tpu.dma_semaphore, #tpu.memory_space<semaphore_mem>>)
      %dma_wait3A_301 = arith.constant 0 : i32
      %dma_wait3A_302 = tpu.memref_slice %arg18[%add3A_138, %dma_wait3A_301] : memref<10240x128xf32, #tpu.memory_space<vmem_shared>> -> memref<40x128xf32, #tpu.memory_space<vmem_shared>>
      %dma_wait3A_303 = arith.constant 0 : i32
      %dma_wait3A_304 = tpu.memref_slice %arg18[%add3A_138, %dma_wait3A_303] : memref<10240x128xf32, #tpu.memory_space<vmem_shared>> -> memref<40x128xf32, #tpu.memory_space<vmem_shared>>
      tpu.wait_dma2 semaphore(%run_scoped3A_296 : memref<!tpu.dma_semaphore, #tpu.memory_space<semaphore_mem>>) src(%arg13 : memref<40x128xf32, #tpu.memory_space<vmem>>) dst(%dma_wait3A_304 : memref<40x128xf32, #tpu.memory_space<vmem_shared>>)
      tpu.yield
    }) : () -> ()
    %mul3A_140 = arith.constant 640 : i32
    %mul3A_141 = arith.muli %arg1, %mul3A_140 : i32
    %add3A_142 = arith.constant 280 : i32
    %add3A_143 = arith.addi %mul3A_141, %add3A_142 : i32
    "tpu.region"() ({
      %run_scoped3A_296 = tpu.sem_alloc : memref<!tpu.dma_semaphore, #tpu.memory_space<semaphore_mem>>
      %dma_start3A_297 = arith.constant 0 : i32
      %dma_start3A_298 = tpu.memref_slice %arg18[%add3A_143, %dma_start3A_297] : memref<10240x128xf32, #tpu.memory_space<vmem_shared>> -> memref<40x128xf32, #tpu.memory_space<vmem_shared>>
      %dma_start3A_299 = arith.constant 0 : i32
      %dma_start3A_300 = tpu.memref_slice %arg18[%add3A_143, %dma_start3A_299] : memref<10240x128xf32, #tpu.memory_space<vmem_shared>> -> memref<40x128xf32, #tpu.memory_space<vmem_shared>>
      tpu.enqueue_dma source(%dma_start3A_300 : memref<40x128xf32, #tpu.memory_space<vmem_shared>>) target(%arg12 : memref<40x128xf32, #tpu.memory_space<vmem>>) target_semaphore(%run_scoped3A_296 : memref<!tpu.dma_semaphore, #tpu.memory_space<semaphore_mem>>)
      %dma_wait3A_301 = arith.constant 0 : i32
      %dma_wait3A_302 = tpu.memref_slice %arg18[%add3A_143, %dma_wait3A_301] : memref<10240x128xf32, #tpu.memory_space<vmem_shared>> -> memref<40x128xf32, #tpu.memory_space<vmem_shared>>
      %dma_wait3A_303 = arith.constant 0 : i32
      %dma_wait3A_304 = tpu.memref_slice %arg18[%add3A_143, %dma_wait3A_303] : memref<10240x128xf32, #tpu.memory_space<vmem_shared>> -> memref<40x128xf32, #tpu.memory_space<vmem_shared>>
      tpu.wait_dma2 semaphore(%run_scoped3A_296 : memref<!tpu.dma_semaphore, #tpu.memory_space<semaphore_mem>>) src(%dma_wait3A_304 : memref<40x128xf32, #tpu.memory_space<vmem_shared>>) dst(%arg12 : memref<40x128xf32, #tpu.memory_space<vmem>>)
      tpu.yield
    }) : () -> ()
    %run_scoped3A_144 = arith.constant 0 : i32
    "tpu.region"() ({
      %run_scoped3A_296 = tpu.sem_alloc : memref<!tpu.dma_semaphore, #tpu.memory_space<semaphore_mem>>
      %dma_start3A_297 = arith.constant 0 : i32
      %dma_start3A_298 = tpu.memref_slice %arg6[%arg0, %run_scoped3A_144, %add3A_143, %dma_start3A_297] : memref<1x2x10240x128xf32, #tpu.memory_space<hbm>> -> memref<1x1x40x128xf32, #tpu.memory_space<hbm>>
      %dma_start3A_299 = tpu.memref_squeeze %dma_start3A_298 : memref<1x1x40x128xf32, #tpu.memory_space<hbm>> -> memref<40x128xf32, #tpu.memory_space<hbm>>
      %dma_start3A_300 = arith.constant 0 : i32
      %dma_start3A_301 = tpu.memref_slice %arg6[%arg0, %run_scoped3A_144, %add3A_143, %dma_start3A_300] : memref<1x2x10240x128xf32, #tpu.memory_space<hbm>> -> memref<1x1x40x128xf32, #tpu.memory_space<hbm>>
      %dma_start3A_302 = tpu.memref_squeeze %dma_start3A_301 : memref<1x1x40x128xf32, #tpu.memory_space<hbm>> -> memref<40x128xf32, #tpu.memory_space<hbm>>
      tpu.enqueue_dma source(%arg12 : memref<40x128xf32, #tpu.memory_space<vmem>>) target(%dma_start3A_302 : memref<40x128xf32, #tpu.memory_space<hbm>>) target_semaphore(%run_scoped3A_296 : memref<!tpu.dma_semaphore, #tpu.memory_space<semaphore_mem>>)
      %dma_wait3A_303 = arith.constant 0 : i32
      %dma_wait3A_304 = tpu.memref_slice %arg6[%arg0, %run_scoped3A_144, %add3A_143, %dma_wait3A_303] : memref<1x2x10240x128xf32, #tpu.memory_space<hbm>> -> memref<1x1x40x128xf32, #tpu.memory_space<hbm>>
      %dma_wait3A_305 = tpu.memref_squeeze %dma_wait3A_304 : memref<1x1x40x128xf32, #tpu.memory_space<hbm>> -> memref<40x128xf32, #tpu.memory_space<hbm>>
      %dma_wait3A_306 = arith.constant 0 : i32
      %dma_wait3A_307 = tpu.memref_slice %arg6[%arg0, %run_scoped3A_144, %add3A_143, %dma_wait3A_306] : memref<1x2x10240x128xf32, #tpu.memory_space<hbm>> -> memref<1x1x40x128xf32, #tpu.memory_space<hbm>>
      %dma_wait3A_308 = tpu.memref_squeeze %dma_wait3A_307 : memref<1x1x40x128xf32, #tpu.memory_space<hbm>> -> memref<40x128xf32, #tpu.memory_space<hbm>>
      tpu.wait_dma2 semaphore(%run_scoped3A_296 : memref<!tpu.dma_semaphore, #tpu.memory_space<semaphore_mem>>) src(%arg12 : memref<40x128xf32, #tpu.memory_space<vmem>>) dst(%dma_wait3A_308 : memref<40x128xf32, #tpu.memory_space<hbm>>)
      tpu.yield
    }) : () -> ()
    "tpu.region"() ({
      %run_scoped3A_296 = tpu.sem_alloc : memref<!tpu.dma_semaphore, #tpu.memory_space<semaphore_mem>>
      %dma_start3A_297 = arith.constant 0 : i32
      %dma_start3A_298 = tpu.memref_slice %arg18[%add3A_143, %dma_start3A_297] : memref<10240x128xf32, #tpu.memory_space<vmem_shared>> -> memref<40x128xf32, #tpu.memory_space<vmem_shared>>
      %dma_start3A_299 = arith.constant 0 : i32
      %dma_start3A_300 = tpu.memref_slice %arg18[%add3A_143, %dma_start3A_299] : memref<10240x128xf32, #tpu.memory_space<vmem_shared>> -> memref<40x128xf32, #tpu.memory_space<vmem_shared>>
      tpu.enqueue_dma source(%arg13 : memref<40x128xf32, #tpu.memory_space<vmem>>) target(%dma_start3A_300 : memref<40x128xf32, #tpu.memory_space<vmem_shared>>) target_semaphore(%run_scoped3A_296 : memref<!tpu.dma_semaphore, #tpu.memory_space<semaphore_mem>>)
      %dma_wait3A_301 = arith.constant 0 : i32
      %dma_wait3A_302 = tpu.memref_slice %arg18[%add3A_143, %dma_wait3A_301] : memref<10240x128xf32, #tpu.memory_space<vmem_shared>> -> memref<40x128xf32, #tpu.memory_space<vmem_shared>>
      %dma_wait3A_303 = arith.constant 0 : i32
      %dma_wait3A_304 = tpu.memref_slice %arg18[%add3A_143, %dma_wait3A_303] : memref<10240x128xf32, #tpu.memory_space<vmem_shared>> -> memref<40x128xf32, #tpu.memory_space<vmem_shared>>
      tpu.wait_dma2 semaphore(%run_scoped3A_296 : memref<!tpu.dma_semaphore, #tpu.memory_space<semaphore_mem>>) src(%arg13 : memref<40x128xf32, #tpu.memory_space<vmem>>) dst(%dma_wait3A_304 : memref<40x128xf32, #tpu.memory_space<vmem_shared>>)
      tpu.yield
    }) : () -> ()
    %mul3A_145 = arith.constant 640 : i32
    %mul3A_146 = arith.muli %arg1, %mul3A_145 : i32
    %add3A_147 = arith.constant 320 : i32
    %add3A_148 = arith.addi %mul3A_146, %add3A_147 : i32
    "tpu.region"() ({
      %run_scoped3A_296 = tpu.sem_alloc : memref<!tpu.dma_semaphore, #tpu.memory_space<semaphore_mem>>
      %dma_start3A_297 = arith.constant 0 : i32
      %dma_start3A_298 = tpu.memref_slice %arg18[%add3A_148, %dma_start3A_297] : memref<10240x128xf32, #tpu.memory_space<vmem_shared>> -> memref<40x128xf32, #tpu.memory_space<vmem_shared>>
      %dma_start3A_299 = arith.constant 0 : i32
      %dma_start3A_300 = tpu.memref_slice %arg18[%add3A_148, %dma_start3A_299] : memref<10240x128xf32, #tpu.memory_space<vmem_shared>> -> memref<40x128xf32, #tpu.memory_space<vmem_shared>>
      tpu.enqueue_dma source(%dma_start3A_300 : memref<40x128xf32, #tpu.memory_space<vmem_shared>>) target(%arg12 : memref<40x128xf32, #tpu.memory_space<vmem>>) target_semaphore(%run_scoped3A_296 : memref<!tpu.dma_semaphore, #tpu.memory_space<semaphore_mem>>)
      %dma_wait3A_301 = arith.constant 0 : i32
      %dma_wait3A_302 = tpu.memref_slice %arg18[%add3A_148, %dma_wait3A_301] : memref<10240x128xf32, #tpu.memory_space<vmem_shared>> -> memref<40x128xf32, #tpu.memory_space<vmem_shared>>
      %dma_wait3A_303 = arith.constant 0 : i32
      %dma_wait3A_304 = tpu.memref_slice %arg18[%add3A_148, %dma_wait3A_303] : memref<10240x128xf32, #tpu.memory_space<vmem_shared>> -> memref<40x128xf32, #tpu.memory_space<vmem_shared>>
      tpu.wait_dma2 semaphore(%run_scoped3A_296 : memref<!tpu.dma_semaphore, #tpu.memory_space<semaphore_mem>>) src(%dma_wait3A_304 : memref<40x128xf32, #tpu.memory_space<vmem_shared>>) dst(%arg12 : memref<40x128xf32, #tpu.memory_space<vmem>>)
      tpu.yield
    }) : () -> ()
    %run_scoped3A_149 = arith.constant 0 : i32
    "tpu.region"() ({
      %run_scoped3A_296 = tpu.sem_alloc : memref<!tpu.dma_semaphore, #tpu.memory_space<semaphore_mem>>
      %dma_start3A_297 = arith.constant 0 : i32
      %dma_start3A_298 = tpu.memref_slice %arg6[%arg0, %run_scoped3A_149, %add3A_148, %dma_start3A_297] : memref<1x2x10240x128xf32, #tpu.memory_space<hbm>> -> memref<1x1x40x128xf32, #tpu.memory_space<hbm>>
      %dma_start3A_299 = tpu.memref_squeeze %dma_start3A_298 : memref<1x1x40x128xf32, #tpu.memory_space<hbm>> -> memref<40x128xf32, #tpu.memory_space<hbm>>
      %dma_start3A_300 = arith.constant 0 : i32
      %dma_start3A_301 = tpu.memref_slice %arg6[%arg0, %run_scoped3A_149, %add3A_148, %dma_start3A_300] : memref<1x2x10240x128xf32, #tpu.memory_space<hbm>> -> memref<1x1x40x128xf32, #tpu.memory_space<hbm>>
      %dma_start3A_302 = tpu.memref_squeeze %dma_start3A_301 : memref<1x1x40x128xf32, #tpu.memory_space<hbm>> -> memref<40x128xf32, #tpu.memory_space<hbm>>
      tpu.enqueue_dma source(%arg12 : memref<40x128xf32, #tpu.memory_space<vmem>>) target(%dma_start3A_302 : memref<40x128xf32, #tpu.memory_space<hbm>>) target_semaphore(%run_scoped3A_296 : memref<!tpu.dma_semaphore, #tpu.memory_space<semaphore_mem>>)
      %dma_wait3A_303 = arith.constant 0 : i32
      %dma_wait3A_304 = tpu.memref_slice %arg6[%arg0, %run_scoped3A_149, %add3A_148, %dma_wait3A_303] : memref<1x2x10240x128xf32, #tpu.memory_space<hbm>> -> memref<1x1x40x128xf32, #tpu.memory_space<hbm>>
      %dma_wait3A_305 = tpu.memref_squeeze %dma_wait3A_304 : memref<1x1x40x128xf32, #tpu.memory_space<hbm>> -> memref<40x128xf32, #tpu.memory_space<hbm>>
      %dma_wait3A_306 = arith.constant 0 : i32
      %dma_wait3A_307 = tpu.memref_slice %arg6[%arg0, %run_scoped3A_149, %add3A_148, %dma_wait3A_306] : memref<1x2x10240x128xf32, #tpu.memory_space<hbm>> -> memref<1x1x40x128xf32, #tpu.memory_space<hbm>>
      %dma_wait3A_308 = tpu.memref_squeeze %dma_wait3A_307 : memref<1x1x40x128xf32, #tpu.memory_space<hbm>> -> memref<40x128xf32, #tpu.memory_space<hbm>>
      tpu.wait_dma2 semaphore(%run_scoped3A_296 : memref<!tpu.dma_semaphore, #tpu.memory_space<semaphore_mem>>) src(%arg12 : memref<40x128xf32, #tpu.memory_space<vmem>>) dst(%dma_wait3A_308 : memref<40x128xf32, #tpu.memory_space<hbm>>)
      tpu.yield
    }) : () -> ()
    "tpu.region"() ({
      %run_scoped3A_296 = tpu.sem_alloc : memref<!tpu.dma_semaphore, #tpu.memory_space<semaphore_mem>>
      %dma_start3A_297 = arith.constant 0 : i32
      %dma_start3A_298 = tpu.memref_slice %arg18[%add3A_148, %dma_start3A_297] : memref<10240x128xf32, #tpu.memory_space<vmem_shared>> -> memref<40x128xf32, #tpu.memory_space<vmem_shared>>
      %dma_start3A_299 = arith.constant 0 : i32
      %dma_start3A_300 = tpu.memref_slice %arg18[%add3A_148, %dma_start3A_299] : memref<10240x128xf32, #tpu.memory_space<vmem_shared>> -> memref<40x128xf32, #tpu.memory_space<vmem_shared>>
      tpu.enqueue_dma source(%arg13 : memref<40x128xf32, #tpu.memory_space<vmem>>) target(%dma_start3A_300 : memref<40x128xf32, #tpu.memory_space<vmem_shared>>) target_semaphore(%run_scoped3A_296 : memref<!tpu.dma_semaphore, #tpu.memory_space<semaphore_mem>>)
      %dma_wait3A_301 = arith.constant 0 : i32
      %dma_wait3A_302 = tpu.memref_slice %arg18[%add3A_148, %dma_wait3A_301] : memref<10240x128xf32, #tpu.memory_space<vmem_shared>> -> memref<40x128xf32, #tpu.memory_space<vmem_shared>>
      %dma_wait3A_303 = arith.constant 0 : i32
      %dma_wait3A_304 = tpu.memref_slice %arg18[%add3A_148, %dma_wait3A_303] : memref<10240x128xf32, #tpu.memory_space<vmem_shared>> -> memref<40x128xf32, #tpu.memory_space<vmem_shared>>
      tpu.wait_dma2 semaphore(%run_scoped3A_296 : memref<!tpu.dma_semaphore, #tpu.memory_space<semaphore_mem>>) src(%arg13 : memref<40x128xf32, #tpu.memory_space<vmem>>) dst(%dma_wait3A_304 : memref<40x128xf32, #tpu.memory_space<vmem_shared>>)
      tpu.yield
    }) : () -> ()
    %mul3A_150 = arith.constant 640 : i32
    %mul3A_151 = arith.muli %arg1, %mul3A_150 : i32
    %add3A_152 = arith.constant 360 : i32
    %add3A_153 = arith.addi %mul3A_151, %add3A_152 : i32
    "tpu.region"() ({
      %run_scoped3A_296 = tpu.sem_alloc : memref<!tpu.dma_semaphore, #tpu.memory_space<semaphore_mem>>
      %dma_start3A_297 = arith.constant 0 : i32
      %dma_start3A_298 = tpu.memref_slice %arg18[%add3A_153, %dma_start3A_297] : memref<10240x128xf32, #tpu.memory_space<vmem_shared>> -> memref<40x128xf32, #tpu.memory_space<vmem_shared>>
      %dma_start3A_299 = arith.constant 0 : i32
      %dma_start3A_300 = tpu.memref_slice %arg18[%add3A_153, %dma_start3A_299] : memref<10240x128xf32, #tpu.memory_space<vmem_shared>> -> memref<40x128xf32, #tpu.memory_space<vmem_shared>>
      tpu.enqueue_dma source(%dma_start3A_300 : memref<40x128xf32, #tpu.memory_space<vmem_shared>>) target(%arg12 : memref<40x128xf32, #tpu.memory_space<vmem>>) target_semaphore(%run_scoped3A_296 : memref<!tpu.dma_semaphore, #tpu.memory_space<semaphore_mem>>)
      %dma_wait3A_301 = arith.constant 0 : i32
      %dma_wait3A_302 = tpu.memref_slice %arg18[%add3A_153, %dma_wait3A_301] : memref<10240x128xf32, #tpu.memory_space<vmem_shared>> -> memref<40x128xf32, #tpu.memory_space<vmem_shared>>
      %dma_wait3A_303 = arith.constant 0 : i32
      %dma_wait3A_304 = tpu.memref_slice %arg18[%add3A_153, %dma_wait3A_303] : memref<10240x128xf32, #tpu.memory_space<vmem_shared>> -> memref<40x128xf32, #tpu.memory_space<vmem_shared>>
      tpu.wait_dma2 semaphore(%run_scoped3A_296 : memref<!tpu.dma_semaphore, #tpu.memory_space<semaphore_mem>>) src(%dma_wait3A_304 : memref<40x128xf32, #tpu.memory_space<vmem_shared>>) dst(%arg12 : memref<40x128xf32, #tpu.memory_space<vmem>>)
      tpu.yield
    }) : () -> ()
    %run_scoped3A_154 = arith.constant 0 : i32
    "tpu.region"() ({
      %run_scoped3A_296 = tpu.sem_alloc : memref<!tpu.dma_semaphore, #tpu.memory_space<semaphore_mem>>
      %dma_start3A_297 = arith.constant 0 : i32
      %dma_start3A_298 = tpu.memref_slice %arg6[%arg0, %run_scoped3A_154, %add3A_153, %dma_start3A_297] : memref<1x2x10240x128xf32, #tpu.memory_space<hbm>> -> memref<1x1x40x128xf32, #tpu.memory_space<hbm>>
      %dma_start3A_299 = tpu.memref_squeeze %dma_start3A_298 : memref<1x1x40x128xf32, #tpu.memory_space<hbm>> -> memref<40x128xf32, #tpu.memory_space<hbm>>
      %dma_start3A_300 = arith.constant 0 : i32
      %dma_start3A_301 = tpu.memref_slice %arg6[%arg0, %run_scoped3A_154, %add3A_153, %dma_start3A_300] : memref<1x2x10240x128xf32, #tpu.memory_space<hbm>> -> memref<1x1x40x128xf32, #tpu.memory_space<hbm>>
      %dma_start3A_302 = tpu.memref_squeeze %dma_start3A_301 : memref<1x1x40x128xf32, #tpu.memory_space<hbm>> -> memref<40x128xf32, #tpu.memory_space<hbm>>
      tpu.enqueue_dma source(%arg12 : memref<40x128xf32, #tpu.memory_space<vmem>>) target(%dma_start3A_302 : memref<40x128xf32, #tpu.memory_space<hbm>>) target_semaphore(%run_scoped3A_296 : memref<!tpu.dma_semaphore, #tpu.memory_space<semaphore_mem>>)
      %dma_wait3A_303 = arith.constant 0 : i32
      %dma_wait3A_304 = tpu.memref_slice %arg6[%arg0, %run_scoped3A_154, %add3A_153, %dma_wait3A_303] : memref<1x2x10240x128xf32, #tpu.memory_space<hbm>> -> memref<1x1x40x128xf32, #tpu.memory_space<hbm>>
      %dma_wait3A_305 = tpu.memref_squeeze %dma_wait3A_304 : memref<1x1x40x128xf32, #tpu.memory_space<hbm>> -> memref<40x128xf32, #tpu.memory_space<hbm>>
      %dma_wait3A_306 = arith.constant 0 : i32
      %dma_wait3A_307 = tpu.memref_slice %arg6[%arg0, %run_scoped3A_154, %add3A_153, %dma_wait3A_306] : memref<1x2x10240x128xf32, #tpu.memory_space<hbm>> -> memref<1x1x40x128xf32, #tpu.memory_space<hbm>>
      %dma_wait3A_308 = tpu.memref_squeeze %dma_wait3A_307 : memref<1x1x40x128xf32, #tpu.memory_space<hbm>> -> memref<40x128xf32, #tpu.memory_space<hbm>>
      tpu.wait_dma2 semaphore(%run_scoped3A_296 : memref<!tpu.dma_semaphore, #tpu.memory_space<semaphore_mem>>) src(%arg12 : memref<40x128xf32, #tpu.memory_space<vmem>>) dst(%dma_wait3A_308 : memref<40x128xf32, #tpu.memory_space<hbm>>)
      tpu.yield
    }) : () -> ()
    "tpu.region"() ({
      %run_scoped3A_296 = tpu.sem_alloc : memref<!tpu.dma_semaphore, #tpu.memory_space<semaphore_mem>>
      %dma_start3A_297 = arith.constant 0 : i32
      %dma_start3A_298 = tpu.memref_slice %arg18[%add3A_153, %dma_start3A_297] : memref<10240x128xf32, #tpu.memory_space<vmem_shared>> -> memref<40x128xf32, #tpu.memory_space<vmem_shared>>
      %dma_start3A_299 = arith.constant 0 : i32
      %dma_start3A_300 = tpu.memref_slice %arg18[%add3A_153, %dma_start3A_299] : memref<10240x128xf32, #tpu.memory_space<vmem_shared>> -> memref<40x128xf32, #tpu.memory_space<vmem_shared>>
      tpu.enqueue_dma source(%arg13 : memref<40x128xf32, #tpu.memory_space<vmem>>) target(%dma_start3A_300 : memref<40x128xf32, #tpu.memory_space<vmem_shared>>) target_semaphore(%run_scoped3A_296 : memref<!tpu.dma_semaphore, #tpu.memory_space<semaphore_mem>>)
      %dma_wait3A_301 = arith.constant 0 : i32
      %dma_wait3A_302 = tpu.memref_slice %arg18[%add3A_153, %dma_wait3A_301] : memref<10240x128xf32, #tpu.memory_space<vmem_shared>> -> memref<40x128xf32, #tpu.memory_space<vmem_shared>>
      %dma_wait3A_303 = arith.constant 0 : i32
      %dma_wait3A_304 = tpu.memref_slice %arg18[%add3A_153, %dma_wait3A_303] : memref<10240x128xf32, #tpu.memory_space<vmem_shared>> -> memref<40x128xf32, #tpu.memory_space<vmem_shared>>
      tpu.wait_dma2 semaphore(%run_scoped3A_296 : memref<!tpu.dma_semaphore, #tpu.memory_space<semaphore_mem>>) src(%arg13 : memref<40x128xf32, #tpu.memory_space<vmem>>) dst(%dma_wait3A_304 : memref<40x128xf32, #tpu.memory_space<vmem_shared>>)
      tpu.yield
    }) : () -> ()
    %mul3A_155 = arith.constant 640 : i32
    %mul3A_156 = arith.muli %arg1, %mul3A_155 : i32
    %add3A_157 = arith.constant 400 : i32
    %add3A_158 = arith.addi %mul3A_156, %add3A_157 : i32
    "tpu.region"() ({
      %run_scoped3A_296 = tpu.sem_alloc : memref<!tpu.dma_semaphore, #tpu.memory_space<semaphore_mem>>
      %dma_start3A_297 = arith.constant 0 : i32
      %dma_start3A_298 = tpu.memref_slice %arg18[%add3A_158, %dma_start3A_297] : memref<10240x128xf32, #tpu.memory_space<vmem_shared>> -> memref<40x128xf32, #tpu.memory_space<vmem_shared>>
      %dma_start3A_299 = arith.constant 0 : i32
      %dma_start3A_300 = tpu.memref_slice %arg18[%add3A_158, %dma_start3A_299] : memref<10240x128xf32, #tpu.memory_space<vmem_shared>> -> memref<40x128xf32, #tpu.memory_space<vmem_shared>>
      tpu.enqueue_dma source(%dma_start3A_300 : memref<40x128xf32, #tpu.memory_space<vmem_shared>>) target(%arg12 : memref<40x128xf32, #tpu.memory_space<vmem>>) target_semaphore(%run_scoped3A_296 : memref<!tpu.dma_semaphore, #tpu.memory_space<semaphore_mem>>)
      %dma_wait3A_301 = arith.constant 0 : i32
      %dma_wait3A_302 = tpu.memref_slice %arg18[%add3A_158, %dma_wait3A_301] : memref<10240x128xf32, #tpu.memory_space<vmem_shared>> -> memref<40x128xf32, #tpu.memory_space<vmem_shared>>
      %dma_wait3A_303 = arith.constant 0 : i32
      %dma_wait3A_304 = tpu.memref_slice %arg18[%add3A_158, %dma_wait3A_303] : memref<10240x128xf32, #tpu.memory_space<vmem_shared>> -> memref<40x128xf32, #tpu.memory_space<vmem_shared>>
      tpu.wait_dma2 semaphore(%run_scoped3A_296 : memref<!tpu.dma_semaphore, #tpu.memory_space<semaphore_mem>>) src(%dma_wait3A_304 : memref<40x128xf32, #tpu.memory_space<vmem_shared>>) dst(%arg12 : memref<40x128xf32, #tpu.memory_space<vmem>>)
      tpu.yield
    }) : () -> ()
    %run_scoped3A_159 = arith.constant 0 : i32
    "tpu.region"() ({
      %run_scoped3A_296 = tpu.sem_alloc : memref<!tpu.dma_semaphore, #tpu.memory_space<semaphore_mem>>
      %dma_start3A_297 = arith.constant 0 : i32
      %dma_start3A_298 = tpu.memref_slice %arg6[%arg0, %run_scoped3A_159, %add3A_158, %dma_start3A_297] : memref<1x2x10240x128xf32, #tpu.memory_space<hbm>> -> memref<1x1x40x128xf32, #tpu.memory_space<hbm>>
      %dma_start3A_299 = tpu.memref_squeeze %dma_start3A_298 : memref<1x1x40x128xf32, #tpu.memory_space<hbm>> -> memref<40x128xf32, #tpu.memory_space<hbm>>
      %dma_start3A_300 = arith.constant 0 : i32
      %dma_start3A_301 = tpu.memref_slice %arg6[%arg0, %run_scoped3A_159, %add3A_158, %dma_start3A_300] : memref<1x2x10240x128xf32, #tpu.memory_space<hbm>> -> memref<1x1x40x128xf32, #tpu.memory_space<hbm>>
      %dma_start3A_302 = tpu.memref_squeeze %dma_start3A_301 : memref<1x1x40x128xf32, #tpu.memory_space<hbm>> -> memref<40x128xf32, #tpu.memory_space<hbm>>
      tpu.enqueue_dma source(%arg12 : memref<40x128xf32, #tpu.memory_space<vmem>>) target(%dma_start3A_302 : memref<40x128xf32, #tpu.memory_space<hbm>>) target_semaphore(%run_scoped3A_296 : memref<!tpu.dma_semaphore, #tpu.memory_space<semaphore_mem>>)
      %dma_wait3A_303 = arith.constant 0 : i32
      %dma_wait3A_304 = tpu.memref_slice %arg6[%arg0, %run_scoped3A_159, %add3A_158, %dma_wait3A_303] : memref<1x2x10240x128xf32, #tpu.memory_space<hbm>> -> memref<1x1x40x128xf32, #tpu.memory_space<hbm>>
      %dma_wait3A_305 = tpu.memref_squeeze %dma_wait3A_304 : memref<1x1x40x128xf32, #tpu.memory_space<hbm>> -> memref<40x128xf32, #tpu.memory_space<hbm>>
      %dma_wait3A_306 = arith.constant 0 : i32
      %dma_wait3A_307 = tpu.memref_slice %arg6[%arg0, %run_scoped3A_159, %add3A_158, %dma_wait3A_306] : memref<1x2x10240x128xf32, #tpu.memory_space<hbm>> -> memref<1x1x40x128xf32, #tpu.memory_space<hbm>>
      %dma_wait3A_308 = tpu.memref_squeeze %dma_wait3A_307 : memref<1x1x40x128xf32, #tpu.memory_space<hbm>> -> memref<40x128xf32, #tpu.memory_space<hbm>>
      tpu.wait_dma2 semaphore(%run_scoped3A_296 : memref<!tpu.dma_semaphore, #tpu.memory_space<semaphore_mem>>) src(%arg12 : memref<40x128xf32, #tpu.memory_space<vmem>>) dst(%dma_wait3A_308 : memref<40x128xf32, #tpu.memory_space<hbm>>)
      tpu.yield
    }) : () -> ()
    "tpu.region"() ({
      %run_scoped3A_296 = tpu.sem_alloc : memref<!tpu.dma_semaphore, #tpu.memory_space<semaphore_mem>>
      %dma_start3A_297 = arith.constant 0 : i32
      %dma_start3A_298 = tpu.memref_slice %arg18[%add3A_158, %dma_start3A_297] : memref<10240x128xf32, #tpu.memory_space<vmem_shared>> -> memref<40x128xf32, #tpu.memory_space<vmem_shared>>
      %dma_start3A_299 = arith.constant 0 : i32
      %dma_start3A_300 = tpu.memref_slice %arg18[%add3A_158, %dma_start3A_299] : memref<10240x128xf32, #tpu.memory_space<vmem_shared>> -> memref<40x128xf32, #tpu.memory_space<vmem_shared>>
      tpu.enqueue_dma source(%arg13 : memref<40x128xf32, #tpu.memory_space<vmem>>) target(%dma_start3A_300 : memref<40x128xf32, #tpu.memory_space<vmem_shared>>) target_semaphore(%run_scoped3A_296 : memref<!tpu.dma_semaphore, #tpu.memory_space<semaphore_mem>>)
      %dma_wait3A_301 = arith.constant 0 : i32
      %dma_wait3A_302 = tpu.memref_slice %arg18[%add3A_158, %dma_wait3A_301] : memref<10240x128xf32, #tpu.memory_space<vmem_shared>> -> memref<40x128xf32, #tpu.memory_space<vmem_shared>>
      %dma_wait3A_303 = arith.constant 0 : i32
      %dma_wait3A_304 = tpu.memref_slice %arg18[%add3A_158, %dma_wait3A_303] : memref<10240x128xf32, #tpu.memory_space<vmem_shared>> -> memref<40x128xf32, #tpu.memory_space<vmem_shared>>
      tpu.wait_dma2 semaphore(%run_scoped3A_296 : memref<!tpu.dma_semaphore, #tpu.memory_space<semaphore_mem>>) src(%arg13 : memref<40x128xf32, #tpu.memory_space<vmem>>) dst(%dma_wait3A_304 : memref<40x128xf32, #tpu.memory_space<vmem_shared>>)
      tpu.yield
    }) : () -> ()
    %mul3A_160 = arith.constant 640 : i32
    %mul3A_161 = arith.muli %arg1, %mul3A_160 : i32
    %add3A_162 = arith.constant 440 : i32
    %add3A_163 = arith.addi %mul3A_161, %add3A_162 : i32
    "tpu.region"() ({
      %run_scoped3A_296 = tpu.sem_alloc : memref<!tpu.dma_semaphore, #tpu.memory_space<semaphore_mem>>
      %dma_start3A_297 = arith.constant 0 : i32
      %dma_start3A_298 = tpu.memref_slice %arg18[%add3A_163, %dma_start3A_297] : memref<10240x128xf32, #tpu.memory_space<vmem_shared>> -> memref<40x128xf32, #tpu.memory_space<vmem_shared>>
      %dma_start3A_299 = arith.constant 0 : i32
      %dma_start3A_300 = tpu.memref_slice %arg18[%add3A_163, %dma_start3A_299] : memref<10240x128xf32, #tpu.memory_space<vmem_shared>> -> memref<40x128xf32, #tpu.memory_space<vmem_shared>>
      tpu.enqueue_dma source(%dma_start3A_300 : memref<40x128xf32, #tpu.memory_space<vmem_shared>>) target(%arg12 : memref<40x128xf32, #tpu.memory_space<vmem>>) target_semaphore(%run_scoped3A_296 : memref<!tpu.dma_semaphore, #tpu.memory_space<semaphore_mem>>)
      %dma_wait3A_301 = arith.constant 0 : i32
      %dma_wait3A_302 = tpu.memref_slice %arg18[%add3A_163, %dma_wait3A_301] : memref<10240x128xf32, #tpu.memory_space<vmem_shared>> -> memref<40x128xf32, #tpu.memory_space<vmem_shared>>
      %dma_wait3A_303 = arith.constant 0 : i32
      %dma_wait3A_304 = tpu.memref_slice %arg18[%add3A_163, %dma_wait3A_303] : memref<10240x128xf32, #tpu.memory_space<vmem_shared>> -> memref<40x128xf32, #tpu.memory_space<vmem_shared>>
      tpu.wait_dma2 semaphore(%run_scoped3A_296 : memref<!tpu.dma_semaphore, #tpu.memory_space<semaphore_mem>>) src(%dma_wait3A_304 : memref<40x128xf32, #tpu.memory_space<vmem_shared>>) dst(%arg12 : memref<40x128xf32, #tpu.memory_space<vmem>>)
      tpu.yield
    }) : () -> ()
    %run_scoped3A_164 = arith.constant 0 : i32
    "tpu.region"() ({
      %run_scoped3A_296 = tpu.sem_alloc : memref<!tpu.dma_semaphore, #tpu.memory_space<semaphore_mem>>
      %dma_start3A_297 = arith.constant 0 : i32
      %dma_start3A_298 = tpu.memref_slice %arg6[%arg0, %run_scoped3A_164, %add3A_163, %dma_start3A_297] : memref<1x2x10240x128xf32, #tpu.memory_space<hbm>> -> memref<1x1x40x128xf32, #tpu.memory_space<hbm>>
      %dma_start3A_299 = tpu.memref_squeeze %dma_start3A_298 : memref<1x1x40x128xf32, #tpu.memory_space<hbm>> -> memref<40x128xf32, #tpu.memory_space<hbm>>
      %dma_start3A_300 = arith.constant 0 : i32
      %dma_start3A_301 = tpu.memref_slice %arg6[%arg0, %run_scoped3A_164, %add3A_163, %dma_start3A_300] : memref<1x2x10240x128xf32, #tpu.memory_space<hbm>> -> memref<1x1x40x128xf32, #tpu.memory_space<hbm>>
      %dma_start3A_302 = tpu.memref_squeeze %dma_start3A_301 : memref<1x1x40x128xf32, #tpu.memory_space<hbm>> -> memref<40x128xf32, #tpu.memory_space<hbm>>
      tpu.enqueue_dma source(%arg12 : memref<40x128xf32, #tpu.memory_space<vmem>>) target(%dma_start3A_302 : memref<40x128xf32, #tpu.memory_space<hbm>>) target_semaphore(%run_scoped3A_296 : memref<!tpu.dma_semaphore, #tpu.memory_space<semaphore_mem>>)
      %dma_wait3A_303 = arith.constant 0 : i32
      %dma_wait3A_304 = tpu.memref_slice %arg6[%arg0, %run_scoped3A_164, %add3A_163, %dma_wait3A_303] : memref<1x2x10240x128xf32, #tpu.memory_space<hbm>> -> memref<1x1x40x128xf32, #tpu.memory_space<hbm>>
      %dma_wait3A_305 = tpu.memref_squeeze %dma_wait3A_304 : memref<1x1x40x128xf32, #tpu.memory_space<hbm>> -> memref<40x128xf32, #tpu.memory_space<hbm>>
      %dma_wait3A_306 = arith.constant 0 : i32
      %dma_wait3A_307 = tpu.memref_slice %arg6[%arg0, %run_scoped3A_164, %add3A_163, %dma_wait3A_306] : memref<1x2x10240x128xf32, #tpu.memory_space<hbm>> -> memref<1x1x40x128xf32, #tpu.memory_space<hbm>>
      %dma_wait3A_308 = tpu.memref_squeeze %dma_wait3A_307 : memref<1x1x40x128xf32, #tpu.memory_space<hbm>> -> memref<40x128xf32, #tpu.memory_space<hbm>>
      tpu.wait_dma2 semaphore(%run_scoped3A_296 : memref<!tpu.dma_semaphore, #tpu.memory_space<semaphore_mem>>) src(%arg12 : memref<40x128xf32, #tpu.memory_space<vmem>>) dst(%dma_wait3A_308 : memref<40x128xf32, #tpu.memory_space<hbm>>)
      tpu.yield
    }) : () -> ()
    "tpu.region"() ({
      %run_scoped3A_296 = tpu.sem_alloc : memref<!tpu.dma_semaphore, #tpu.memory_space<semaphore_mem>>
      %dma_start3A_297 = arith.constant 0 : i32
      %dma_start3A_298 = tpu.memref_slice %arg18[%add3A_163, %dma_start3A_297] : memref<10240x128xf32, #tpu.memory_space<vmem_shared>> -> memref<40x128xf32, #tpu.memory_space<vmem_shared>>
      %dma_start3A_299 = arith.constant 0 : i32
      %dma_start3A_300 = tpu.memref_slice %arg18[%add3A_163, %dma_start3A_299] : memref<10240x128xf32, #tpu.memory_space<vmem_shared>> -> memref<40x128xf32, #tpu.memory_space<vmem_shared>>
      tpu.enqueue_dma source(%arg13 : memref<40x128xf32, #tpu.memory_space<vmem>>) target(%dma_start3A_300 : memref<40x128xf32, #tpu.memory_space<vmem_shared>>) target_semaphore(%run_scoped3A_296 : memref<!tpu.dma_semaphore, #tpu.memory_space<semaphore_mem>>)
      %dma_wait3A_301 = arith.constant 0 : i32
      %dma_wait3A_302 = tpu.memref_slice %arg18[%add3A_163, %dma_wait3A_301] : memref<10240x128xf32, #tpu.memory_space<vmem_shared>> -> memref<40x128xf32, #tpu.memory_space<vmem_shared>>
      %dma_wait3A_303 = arith.constant 0 : i32
      %dma_wait3A_304 = tpu.memref_slice %arg18[%add3A_163, %dma_wait3A_303] : memref<10240x128xf32, #tpu.memory_space<vmem_shared>> -> memref<40x128xf32, #tpu.memory_space<vmem_shared>>
      tpu.wait_dma2 semaphore(%run_scoped3A_296 : memref<!tpu.dma_semaphore, #tpu.memory_space<semaphore_mem>>) src(%arg13 : memref<40x128xf32, #tpu.memory_space<vmem>>) dst(%dma_wait3A_304 : memref<40x128xf32, #tpu.memory_space<vmem_shared>>)
      tpu.yield
    }) : () -> ()
    %mul3A_165 = arith.constant 640 : i32
    %mul3A_166 = arith.muli %arg1, %mul3A_165 : i32
    %add3A_167 = arith.constant 480 : i32
    %add3A_168 = arith.addi %mul3A_166, %add3A_167 : i32
    "tpu.region"() ({
      %run_scoped3A_296 = tpu.sem_alloc : memref<!tpu.dma_semaphore, #tpu.memory_space<semaphore_mem>>
      %dma_start3A_297 = arith.constant 0 : i32
      %dma_start3A_298 = tpu.memref_slice %arg18[%add3A_168, %dma_start3A_297] : memref<10240x128xf32, #tpu.memory_space<vmem_shared>> -> memref<40x128xf32, #tpu.memory_space<vmem_shared>>
      %dma_start3A_299 = arith.constant 0 : i32
      %dma_start3A_300 = tpu.memref_slice %arg18[%add3A_168, %dma_start3A_299] : memref<10240x128xf32, #tpu.memory_space<vmem_shared>> -> memref<40x128xf32, #tpu.memory_space<vmem_shared>>
      tpu.enqueue_dma source(%dma_start3A_300 : memref<40x128xf32, #tpu.memory_space<vmem_shared>>) target(%arg12 : memref<40x128xf32, #tpu.memory_space<vmem>>) target_semaphore(%run_scoped3A_296 : memref<!tpu.dma_semaphore, #tpu.memory_space<semaphore_mem>>)
      %dma_wait3A_301 = arith.constant 0 : i32
      %dma_wait3A_302 = tpu.memref_slice %arg18[%add3A_168, %dma_wait3A_301] : memref<10240x128xf32, #tpu.memory_space<vmem_shared>> -> memref<40x128xf32, #tpu.memory_space<vmem_shared>>
      %dma_wait3A_303 = arith.constant 0 : i32
      %dma_wait3A_304 = tpu.memref_slice %arg18[%add3A_168, %dma_wait3A_303] : memref<10240x128xf32, #tpu.memory_space<vmem_shared>> -> memref<40x128xf32, #tpu.memory_space<vmem_shared>>
      tpu.wait_dma2 semaphore(%run_scoped3A_296 : memref<!tpu.dma_semaphore, #tpu.memory_space<semaphore_mem>>) src(%dma_wait3A_304 : memref<40x128xf32, #tpu.memory_space<vmem_shared>>) dst(%arg12 : memref<40x128xf32, #tpu.memory_space<vmem>>)
      tpu.yield
    }) : () -> ()
    %run_scoped3A_169 = arith.constant 0 : i32
    "tpu.region"() ({
      %run_scoped3A_296 = tpu.sem_alloc : memref<!tpu.dma_semaphore, #tpu.memory_space<semaphore_mem>>
      %dma_start3A_297 = arith.constant 0 : i32
      %dma_start3A_298 = tpu.memref_slice %arg6[%arg0, %run_scoped3A_169, %add3A_168, %dma_start3A_297] : memref<1x2x10240x128xf32, #tpu.memory_space<hbm>> -> memref<1x1x40x128xf32, #tpu.memory_space<hbm>>
      %dma_start3A_299 = tpu.memref_squeeze %dma_start3A_298 : memref<1x1x40x128xf32, #tpu.memory_space<hbm>> -> memref<40x128xf32, #tpu.memory_space<hbm>>
      %dma_start3A_300 = arith.constant 0 : i32
      %dma_start3A_301 = tpu.memref_slice %arg6[%arg0, %run_scoped3A_169, %add3A_168, %dma_start3A_300] : memref<1x2x10240x128xf32, #tpu.memory_space<hbm>> -> memref<1x1x40x128xf32, #tpu.memory_space<hbm>>
      %dma_start3A_302 = tpu.memref_squeeze %dma_start3A_301 : memref<1x1x40x128xf32, #tpu.memory_space<hbm>> -> memref<40x128xf32, #tpu.memory_space<hbm>>
      tpu.enqueue_dma source(%arg12 : memref<40x128xf32, #tpu.memory_space<vmem>>) target(%dma_start3A_302 : memref<40x128xf32, #tpu.memory_space<hbm>>) target_semaphore(%run_scoped3A_296 : memref<!tpu.dma_semaphore, #tpu.memory_space<semaphore_mem>>)
      %dma_wait3A_303 = arith.constant 0 : i32
      %dma_wait3A_304 = tpu.memref_slice %arg6[%arg0, %run_scoped3A_169, %add3A_168, %dma_wait3A_303] : memref<1x2x10240x128xf32, #tpu.memory_space<hbm>> -> memref<1x1x40x128xf32, #tpu.memory_space<hbm>>
      %dma_wait3A_305 = tpu.memref_squeeze %dma_wait3A_304 : memref<1x1x40x128xf32, #tpu.memory_space<hbm>> -> memref<40x128xf32, #tpu.memory_space<hbm>>
      %dma_wait3A_306 = arith.constant 0 : i32
      %dma_wait3A_307 = tpu.memref_slice %arg6[%arg0, %run_scoped3A_169, %add3A_168, %dma_wait3A_306] : memref<1x2x10240x128xf32, #tpu.memory_space<hbm>> -> memref<1x1x40x128xf32, #tpu.memory_space<hbm>>
      %dma_wait3A_308 = tpu.memref_squeeze %dma_wait3A_307 : memref<1x1x40x128xf32, #tpu.memory_space<hbm>> -> memref<40x128xf32, #tpu.memory_space<hbm>>
      tpu.wait_dma2 semaphore(%run_scoped3A_296 : memref<!tpu.dma_semaphore, #tpu.memory_space<semaphore_mem>>) src(%arg12 : memref<40x128xf32, #tpu.memory_space<vmem>>) dst(%dma_wait3A_308 : memref<40x128xf32, #tpu.memory_space<hbm>>)
      tpu.yield
    }) : () -> ()
    "tpu.region"() ({
      %run_scoped3A_296 = tpu.sem_alloc : memref<!tpu.dma_semaphore, #tpu.memory_space<semaphore_mem>>
      %dma_start3A_297 = arith.constant 0 : i32
      %dma_start3A_298 = tpu.memref_slice %arg18[%add3A_168, %dma_start3A_297] : memref<10240x128xf32, #tpu.memory_space<vmem_shared>> -> memref<40x128xf32, #tpu.memory_space<vmem_shared>>
      %dma_start3A_299 = arith.constant 0 : i32
      %dma_start3A_300 = tpu.memref_slice %arg18[%add3A_168, %dma_start3A_299] : memref<10240x128xf32, #tpu.memory_space<vmem_shared>> -> memref<40x128xf32, #tpu.memory_space<vmem_shared>>
      tpu.enqueue_dma source(%arg13 : memref<40x128xf32, #tpu.memory_space<vmem>>) target(%dma_start3A_300 : memref<40x128xf32, #tpu.memory_space<vmem_shared>>) target_semaphore(%run_scoped3A_296 : memref<!tpu.dma_semaphore, #tpu.memory_space<semaphore_mem>>)
      %dma_wait3A_301 = arith.constant 0 : i32
      %dma_wait3A_302 = tpu.memref_slice %arg18[%add3A_168, %dma_wait3A_301] : memref<10240x128xf32, #tpu.memory_space<vmem_shared>> -> memref<40x128xf32, #tpu.memory_space<vmem_shared>>
      %dma_wait3A_303 = arith.constant 0 : i32
      %dma_wait3A_304 = tpu.memref_slice %arg18[%add3A_168, %dma_wait3A_303] : memref<10240x128xf32, #tpu.memory_space<vmem_shared>> -> memref<40x128xf32, #tpu.memory_space<vmem_shared>>
      tpu.wait_dma2 semaphore(%run_scoped3A_296 : memref<!tpu.dma_semaphore, #tpu.memory_space<semaphore_mem>>) src(%arg13 : memref<40x128xf32, #tpu.memory_space<vmem>>) dst(%dma_wait3A_304 : memref<40x128xf32, #tpu.memory_space<vmem_shared>>)
      tpu.yield
    }) : () -> ()
    %mul3A_170 = arith.constant 640 : i32
    %mul3A_171 = arith.muli %arg1, %mul3A_170 : i32
    %add3A_172 = arith.constant 520 : i32
    %add3A_173 = arith.addi %mul3A_171, %add3A_172 : i32
    "tpu.region"() ({
      %run_scoped3A_296 = tpu.sem_alloc : memref<!tpu.dma_semaphore, #tpu.memory_space<semaphore_mem>>
      %dma_start3A_297 = arith.constant 0 : i32
      %dma_start3A_298 = tpu.memref_slice %arg18[%add3A_173, %dma_start3A_297] : memref<10240x128xf32, #tpu.memory_space<vmem_shared>> -> memref<40x128xf32, #tpu.memory_space<vmem_shared>>
      %dma_start3A_299 = arith.constant 0 : i32
      %dma_start3A_300 = tpu.memref_slice %arg18[%add3A_173, %dma_start3A_299] : memref<10240x128xf32, #tpu.memory_space<vmem_shared>> -> memref<40x128xf32, #tpu.memory_space<vmem_shared>>
      tpu.enqueue_dma source(%dma_start3A_300 : memref<40x128xf32, #tpu.memory_space<vmem_shared>>) target(%arg12 : memref<40x128xf32, #tpu.memory_space<vmem>>) target_semaphore(%run_scoped3A_296 : memref<!tpu.dma_semaphore, #tpu.memory_space<semaphore_mem>>)
      %dma_wait3A_301 = arith.constant 0 : i32
      %dma_wait3A_302 = tpu.memref_slice %arg18[%add3A_173, %dma_wait3A_301] : memref<10240x128xf32, #tpu.memory_space<vmem_shared>> -> memref<40x128xf32, #tpu.memory_space<vmem_shared>>
      %dma_wait3A_303 = arith.constant 0 : i32
      %dma_wait3A_304 = tpu.memref_slice %arg18[%add3A_173, %dma_wait3A_303] : memref<10240x128xf32, #tpu.memory_space<vmem_shared>> -> memref<40x128xf32, #tpu.memory_space<vmem_shared>>
      tpu.wait_dma2 semaphore(%run_scoped3A_296 : memref<!tpu.dma_semaphore, #tpu.memory_space<semaphore_mem>>) src(%dma_wait3A_304 : memref<40x128xf32, #tpu.memory_space<vmem_shared>>) dst(%arg12 : memref<40x128xf32, #tpu.memory_space<vmem>>)
      tpu.yield
    }) : () -> ()
    %run_scoped3A_174 = arith.constant 0 : i32
    "tpu.region"() ({
      %run_scoped3A_296 = tpu.sem_alloc : memref<!tpu.dma_semaphore, #tpu.memory_space<semaphore_mem>>
      %dma_start3A_297 = arith.constant 0 : i32
      %dma_start3A_298 = tpu.memref_slice %arg6[%arg0, %run_scoped3A_174, %add3A_173, %dma_start3A_297] : memref<1x2x10240x128xf32, #tpu.memory_space<hbm>> -> memref<1x1x40x128xf32, #tpu.memory_space<hbm>>
      %dma_start3A_299 = tpu.memref_squeeze %dma_start3A_298 : memref<1x1x40x128xf32, #tpu.memory_space<hbm>> -> memref<40x128xf32, #tpu.memory_space<hbm>>
      %dma_start3A_300 = arith.constant 0 : i32
      %dma_start3A_301 = tpu.memref_slice %arg6[%arg0, %run_scoped3A_174, %add3A_173, %dma_start3A_300] : memref<1x2x10240x128xf32, #tpu.memory_space<hbm>> -> memref<1x1x40x128xf32, #tpu.memory_space<hbm>>
      %dma_start3A_302 = tpu.memref_squeeze %dma_start3A_301 : memref<1x1x40x128xf32, #tpu.memory_space<hbm>> -> memref<40x128xf32, #tpu.memory_space<hbm>>
      tpu.enqueue_dma source(%arg12 : memref<40x128xf32, #tpu.memory_space<vmem>>) target(%dma_start3A_302 : memref<40x128xf32, #tpu.memory_space<hbm>>) target_semaphore(%run_scoped3A_296 : memref<!tpu.dma_semaphore, #tpu.memory_space<semaphore_mem>>)
      %dma_wait3A_303 = arith.constant 0 : i32
      %dma_wait3A_304 = tpu.memref_slice %arg6[%arg0, %run_scoped3A_174, %add3A_173, %dma_wait3A_303] : memref<1x2x10240x128xf32, #tpu.memory_space<hbm>> -> memref<1x1x40x128xf32, #tpu.memory_space<hbm>>
      %dma_wait3A_305 = tpu.memref_squeeze %dma_wait3A_304 : memref<1x1x40x128xf32, #tpu.memory_space<hbm>> -> memref<40x128xf32, #tpu.memory_space<hbm>>
      %dma_wait3A_306 = arith.constant 0 : i32
      %dma_wait3A_307 = tpu.memref_slice %arg6[%arg0, %run_scoped3A_174, %add3A_173, %dma_wait3A_306] : memref<1x2x10240x128xf32, #tpu.memory_space<hbm>> -> memref<1x1x40x128xf32, #tpu.memory_space<hbm>>
      %dma_wait3A_308 = tpu.memref_squeeze %dma_wait3A_307 : memref<1x1x40x128xf32, #tpu.memory_space<hbm>> -> memref<40x128xf32, #tpu.memory_space<hbm>>
      tpu.wait_dma2 semaphore(%run_scoped3A_296 : memref<!tpu.dma_semaphore, #tpu.memory_space<semaphore_mem>>) src(%arg12 : memref<40x128xf32, #tpu.memory_space<vmem>>) dst(%dma_wait3A_308 : memref<40x128xf32, #tpu.memory_space<hbm>>)
      tpu.yield
    }) : () -> ()
    "tpu.region"() ({
      %run_scoped3A_296 = tpu.sem_alloc : memref<!tpu.dma_semaphore, #tpu.memory_space<semaphore_mem>>
      %dma_start3A_297 = arith.constant 0 : i32
      %dma_start3A_298 = tpu.memref_slice %arg18[%add3A_173, %dma_start3A_297] : memref<10240x128xf32, #tpu.memory_space<vmem_shared>> -> memref<40x128xf32, #tpu.memory_space<vmem_shared>>
      %dma_start3A_299 = arith.constant 0 : i32
      %dma_start3A_300 = tpu.memref_slice %arg18[%add3A_173, %dma_start3A_299] : memref<10240x128xf32, #tpu.memory_space<vmem_shared>> -> memref<40x128xf32, #tpu.memory_space<vmem_shared>>
      tpu.enqueue_dma source(%arg13 : memref<40x128xf32, #tpu.memory_space<vmem>>) target(%dma_start3A_300 : memref<40x128xf32, #tpu.memory_space<vmem_shared>>) target_semaphore(%run_scoped3A_296 : memref<!tpu.dma_semaphore, #tpu.memory_space<semaphore_mem>>)
      %dma_wait3A_301 = arith.constant 0 : i32
      %dma_wait3A_302 = tpu.memref_slice %arg18[%add3A_173, %dma_wait3A_301] : memref<10240x128xf32, #tpu.memory_space<vmem_shared>> -> memref<40x128xf32, #tpu.memory_space<vmem_shared>>
      %dma_wait3A_303 = arith.constant 0 : i32
      %dma_wait3A_304 = tpu.memref_slice %arg18[%add3A_173, %dma_wait3A_303] : memref<10240x128xf32, #tpu.memory_space<vmem_shared>> -> memref<40x128xf32, #tpu.memory_space<vmem_shared>>
      tpu.wait_dma2 semaphore(%run_scoped3A_296 : memref<!tpu.dma_semaphore, #tpu.memory_space<semaphore_mem>>) src(%arg13 : memref<40x128xf32, #tpu.memory_space<vmem>>) dst(%dma_wait3A_304 : memref<40x128xf32, #tpu.memory_space<vmem_shared>>)
      tpu.yield
    }) : () -> ()
    %mul3A_175 = arith.constant 640 : i32
    %mul3A_176 = arith.muli %arg1, %mul3A_175 : i32
    %add3A_177 = arith.constant 560 : i32
    %add3A_178 = arith.addi %mul3A_176, %add3A_177 : i32
    "tpu.region"() ({
      %run_scoped3A_296 = tpu.sem_alloc : memref<!tpu.dma_semaphore, #tpu.memory_space<semaphore_mem>>
      %dma_start3A_297 = arith.constant 0 : i32
      %dma_start3A_298 = tpu.memref_slice %arg18[%add3A_178, %dma_start3A_297] : memref<10240x128xf32, #tpu.memory_space<vmem_shared>> -> memref<40x128xf32, #tpu.memory_space<vmem_shared>>
      %dma_start3A_299 = arith.constant 0 : i32
      %dma_start3A_300 = tpu.memref_slice %arg18[%add3A_178, %dma_start3A_299] : memref<10240x128xf32, #tpu.memory_space<vmem_shared>> -> memref<40x128xf32, #tpu.memory_space<vmem_shared>>
      tpu.enqueue_dma source(%dma_start3A_300 : memref<40x128xf32, #tpu.memory_space<vmem_shared>>) target(%arg12 : memref<40x128xf32, #tpu.memory_space<vmem>>) target_semaphore(%run_scoped3A_296 : memref<!tpu.dma_semaphore, #tpu.memory_space<semaphore_mem>>)
      %dma_wait3A_301 = arith.constant 0 : i32
      %dma_wait3A_302 = tpu.memref_slice %arg18[%add3A_178, %dma_wait3A_301] : memref<10240x128xf32, #tpu.memory_space<vmem_shared>> -> memref<40x128xf32, #tpu.memory_space<vmem_shared>>
      %dma_wait3A_303 = arith.constant 0 : i32
      %dma_wait3A_304 = tpu.memref_slice %arg18[%add3A_178, %dma_wait3A_303] : memref<10240x128xf32, #tpu.memory_space<vmem_shared>> -> memref<40x128xf32, #tpu.memory_space<vmem_shared>>
      tpu.wait_dma2 semaphore(%run_scoped3A_296 : memref<!tpu.dma_semaphore, #tpu.memory_space<semaphore_mem>>) src(%dma_wait3A_304 : memref<40x128xf32, #tpu.memory_space<vmem_shared>>) dst(%arg12 : memref<40x128xf32, #tpu.memory_space<vmem>>)
      tpu.yield
    }) : () -> ()
    %run_scoped3A_179 = arith.constant 0 : i32
    "tpu.region"() ({
      %run_scoped3A_296 = tpu.sem_alloc : memref<!tpu.dma_semaphore, #tpu.memory_space<semaphore_mem>>
      %dma_start3A_297 = arith.constant 0 : i32
      %dma_start3A_298 = tpu.memref_slice %arg6[%arg0, %run_scoped3A_179, %add3A_178, %dma_start3A_297] : memref<1x2x10240x128xf32, #tpu.memory_space<hbm>> -> memref<1x1x40x128xf32, #tpu.memory_space<hbm>>
      %dma_start3A_299 = tpu.memref_squeeze %dma_start3A_298 : memref<1x1x40x128xf32, #tpu.memory_space<hbm>> -> memref<40x128xf32, #tpu.memory_space<hbm>>
      %dma_start3A_300 = arith.constant 0 : i32
      %dma_start3A_301 = tpu.memref_slice %arg6[%arg0, %run_scoped3A_179, %add3A_178, %dma_start3A_300] : memref<1x2x10240x128xf32, #tpu.memory_space<hbm>> -> memref<1x1x40x128xf32, #tpu.memory_space<hbm>>
      %dma_start3A_302 = tpu.memref_squeeze %dma_start3A_301 : memref<1x1x40x128xf32, #tpu.memory_space<hbm>> -> memref<40x128xf32, #tpu.memory_space<hbm>>
      tpu.enqueue_dma source(%arg12 : memref<40x128xf32, #tpu.memory_space<vmem>>) target(%dma_start3A_302 : memref<40x128xf32, #tpu.memory_space<hbm>>) target_semaphore(%run_scoped3A_296 : memref<!tpu.dma_semaphore, #tpu.memory_space<semaphore_mem>>)
      %dma_wait3A_303 = arith.constant 0 : i32
      %dma_wait3A_304 = tpu.memref_slice %arg6[%arg0, %run_scoped3A_179, %add3A_178, %dma_wait3A_303] : memref<1x2x10240x128xf32, #tpu.memory_space<hbm>> -> memref<1x1x40x128xf32, #tpu.memory_space<hbm>>
      %dma_wait3A_305 = tpu.memref_squeeze %dma_wait3A_304 : memref<1x1x40x128xf32, #tpu.memory_space<hbm>> -> memref<40x128xf32, #tpu.memory_space<hbm>>
      %dma_wait3A_306 = arith.constant 0 : i32
      %dma_wait3A_307 = tpu.memref_slice %arg6[%arg0, %run_scoped3A_179, %add3A_178, %dma_wait3A_306] : memref<1x2x10240x128xf32, #tpu.memory_space<hbm>> -> memref<1x1x40x128xf32, #tpu.memory_space<hbm>>
      %dma_wait3A_308 = tpu.memref_squeeze %dma_wait3A_307 : memref<1x1x40x128xf32, #tpu.memory_space<hbm>> -> memref<40x128xf32, #tpu.memory_space<hbm>>
      tpu.wait_dma2 semaphore(%run_scoped3A_296 : memref<!tpu.dma_semaphore, #tpu.memory_space<semaphore_mem>>) src(%arg12 : memref<40x128xf32, #tpu.memory_space<vmem>>) dst(%dma_wait3A_308 : memref<40x128xf32, #tpu.memory_space<hbm>>)
      tpu.yield
    }) : () -> ()
    "tpu.region"() ({
      %run_scoped3A_296 = tpu.sem_alloc : memref<!tpu.dma_semaphore, #tpu.memory_space<semaphore_mem>>
      %dma_start3A_297 = arith.constant 0 : i32
      %dma_start3A_298 = tpu.memref_slice %arg18[%add3A_178, %dma_start3A_297] : memref<10240x128xf32, #tpu.memory_space<vmem_shared>> -> memref<40x128xf32, #tpu.memory_space<vmem_shared>>
      %dma_start3A_299 = arith.constant 0 : i32
      %dma_start3A_300 = tpu.memref_slice %arg18[%add3A_178, %dma_start3A_299] : memref<10240x128xf32, #tpu.memory_space<vmem_shared>> -> memref<40x128xf32, #tpu.memory_space<vmem_shared>>
      tpu.enqueue_dma source(%arg13 : memref<40x128xf32, #tpu.memory_space<vmem>>) target(%dma_start3A_300 : memref<40x128xf32, #tpu.memory_space<vmem_shared>>) target_semaphore(%run_scoped3A_296 : memref<!tpu.dma_semaphore, #tpu.memory_space<semaphore_mem>>)
      %dma_wait3A_301 = arith.constant 0 : i32
      %dma_wait3A_302 = tpu.memref_slice %arg18[%add3A_178, %dma_wait3A_301] : memref<10240x128xf32, #tpu.memory_space<vmem_shared>> -> memref<40x128xf32, #tpu.memory_space<vmem_shared>>
      %dma_wait3A_303 = arith.constant 0 : i32
      %dma_wait3A_304 = tpu.memref_slice %arg18[%add3A_178, %dma_wait3A_303] : memref<10240x128xf32, #tpu.memory_space<vmem_shared>> -> memref<40x128xf32, #tpu.memory_space<vmem_shared>>
      tpu.wait_dma2 semaphore(%run_scoped3A_296 : memref<!tpu.dma_semaphore, #tpu.memory_space<semaphore_mem>>) src(%arg13 : memref<40x128xf32, #tpu.memory_space<vmem>>) dst(%dma_wait3A_304 : memref<40x128xf32, #tpu.memory_space<vmem_shared>>)
      tpu.yield
    }) : () -> ()
    %mul3A_180 = arith.constant 640 : i32
    %mul3A_181 = arith.muli %arg1, %mul3A_180 : i32
    %add3A_182 = arith.constant 600 : i32
    %add3A_183 = arith.addi %mul3A_181, %add3A_182 : i32
    "tpu.region"() ({
      %run_scoped3A_296 = tpu.sem_alloc : memref<!tpu.dma_semaphore, #tpu.memory_space<semaphore_mem>>
      %dma_start3A_297 = arith.constant 0 : i32
      %dma_start3A_298 = tpu.memref_slice %arg18[%add3A_183, %dma_start3A_297] : memref<10240x128xf32, #tpu.memory_space<vmem_shared>> -> memref<40x128xf32, #tpu.memory_space<vmem_shared>>
      %dma_start3A_299 = arith.constant 0 : i32
      %dma_start3A_300 = tpu.memref_slice %arg18[%add3A_183, %dma_start3A_299] : memref<10240x128xf32, #tpu.memory_space<vmem_shared>> -> memref<40x128xf32, #tpu.memory_space<vmem_shared>>
      tpu.enqueue_dma source(%dma_start3A_300 : memref<40x128xf32, #tpu.memory_space<vmem_shared>>) target(%arg12 : memref<40x128xf32, #tpu.memory_space<vmem>>) target_semaphore(%run_scoped3A_296 : memref<!tpu.dma_semaphore, #tpu.memory_space<semaphore_mem>>)
      %dma_wait3A_301 = arith.constant 0 : i32
      %dma_wait3A_302 = tpu.memref_slice %arg18[%add3A_183, %dma_wait3A_301] : memref<10240x128xf32, #tpu.memory_space<vmem_shared>> -> memref<40x128xf32, #tpu.memory_space<vmem_shared>>
      %dma_wait3A_303 = arith.constant 0 : i32
      %dma_wait3A_304 = tpu.memref_slice %arg18[%add3A_183, %dma_wait3A_303] : memref<10240x128xf32, #tpu.memory_space<vmem_shared>> -> memref<40x128xf32, #tpu.memory_space<vmem_shared>>
      tpu.wait_dma2 semaphore(%run_scoped3A_296 : memref<!tpu.dma_semaphore, #tpu.memory_space<semaphore_mem>>) src(%dma_wait3A_304 : memref<40x128xf32, #tpu.memory_space<vmem_shared>>) dst(%arg12 : memref<40x128xf32, #tpu.memory_space<vmem>>)
      tpu.yield
    }) : () -> ()
    %run_scoped3A_184 = arith.constant 0 : i32
    "tpu.region"() ({
      %run_scoped3A_296 = tpu.sem_alloc : memref<!tpu.dma_semaphore, #tpu.memory_space<semaphore_mem>>
      %dma_start3A_297 = arith.constant 0 : i32
      %dma_start3A_298 = tpu.memref_slice %arg6[%arg0, %run_scoped3A_184, %add3A_183, %dma_start3A_297] : memref<1x2x10240x128xf32, #tpu.memory_space<hbm>> -> memref<1x1x40x128xf32, #tpu.memory_space<hbm>>
      %dma_start3A_299 = tpu.memref_squeeze %dma_start3A_298 : memref<1x1x40x128xf32, #tpu.memory_space<hbm>> -> memref<40x128xf32, #tpu.memory_space<hbm>>
      %dma_start3A_300 = arith.constant 0 : i32
      %dma_start3A_301 = tpu.memref_slice %arg6[%arg0, %run_scoped3A_184, %add3A_183, %dma_start3A_300] : memref<1x2x10240x128xf32, #tpu.memory_space<hbm>> -> memref<1x1x40x128xf32, #tpu.memory_space<hbm>>
      %dma_start3A_302 = tpu.memref_squeeze %dma_start3A_301 : memref<1x1x40x128xf32, #tpu.memory_space<hbm>> -> memref<40x128xf32, #tpu.memory_space<hbm>>
      tpu.enqueue_dma source(%arg12 : memref<40x128xf32, #tpu.memory_space<vmem>>) target(%dma_start3A_302 : memref<40x128xf32, #tpu.memory_space<hbm>>) target_semaphore(%run_scoped3A_296 : memref<!tpu.dma_semaphore, #tpu.memory_space<semaphore_mem>>)
      %dma_wait3A_303 = arith.constant 0 : i32
      %dma_wait3A_304 = tpu.memref_slice %arg6[%arg0, %run_scoped3A_184, %add3A_183, %dma_wait3A_303] : memref<1x2x10240x128xf32, #tpu.memory_space<hbm>> -> memref<1x1x40x128xf32, #tpu.memory_space<hbm>>
      %dma_wait3A_305 = tpu.memref_squeeze %dma_wait3A_304 : memref<1x1x40x128xf32, #tpu.memory_space<hbm>> -> memref<40x128xf32, #tpu.memory_space<hbm>>
      %dma_wait3A_306 = arith.constant 0 : i32
      %dma_wait3A_307 = tpu.memref_slice %arg6[%arg0, %run_scoped3A_184, %add3A_183, %dma_wait3A_306] : memref<1x2x10240x128xf32, #tpu.memory_space<hbm>> -> memref<1x1x40x128xf32, #tpu.memory_space<hbm>>
      %dma_wait3A_308 = tpu.memref_squeeze %dma_wait3A_307 : memref<1x1x40x128xf32, #tpu.memory_space<hbm>> -> memref<40x128xf32, #tpu.memory_space<hbm>>
      tpu.wait_dma2 semaphore(%run_scoped3A_296 : memref<!tpu.dma_semaphore, #tpu.memory_space<semaphore_mem>>) src(%arg12 : memref<40x128xf32, #tpu.memory_space<vmem>>) dst(%dma_wait3A_308 : memref<40x128xf32, #tpu.memory_space<hbm>>)
      tpu.yield
    }) : () -> ()
    "tpu.region"() ({
      %run_scoped3A_296 = tpu.sem_alloc : memref<!tpu.dma_semaphore, #tpu.memory_space<semaphore_mem>>
      %dma_start3A_297 = arith.constant 0 : i32
      %dma_start3A_298 = tpu.memref_slice %arg18[%add3A_183, %dma_start3A_297] : memref<10240x128xf32, #tpu.memory_space<vmem_shared>> -> memref<40x128xf32, #tpu.memory_space<vmem_shared>>
      %dma_start3A_299 = arith.constant 0 : i32
      %dma_start3A_300 = tpu.memref_slice %arg18[%add3A_183, %dma_start3A_299] : memref<10240x128xf32, #tpu.memory_space<vmem_shared>> -> memref<40x128xf32, #tpu.memory_space<vmem_shared>>
      tpu.enqueue_dma source(%arg13 : memref<40x128xf32, #tpu.memory_space<vmem>>) target(%dma_start3A_300 : memref<40x128xf32, #tpu.memory_space<vmem_shared>>) target_semaphore(%run_scoped3A_296 : memref<!tpu.dma_semaphore, #tpu.memory_space<semaphore_mem>>)
      %dma_wait3A_301 = arith.constant 0 : i32
      %dma_wait3A_302 = tpu.memref_slice %arg18[%add3A_183, %dma_wait3A_301] : memref<10240x128xf32, #tpu.memory_space<vmem_shared>> -> memref<40x128xf32, #tpu.memory_space<vmem_shared>>
      %dma_wait3A_303 = arith.constant 0 : i32
      %dma_wait3A_304 = tpu.memref_slice %arg18[%add3A_183, %dma_wait3A_303] : memref<10240x128xf32, #tpu.memory_space<vmem_shared>> -> memref<40x128xf32, #tpu.memory_space<vmem_shared>>
      tpu.wait_dma2 semaphore(%run_scoped3A_296 : memref<!tpu.dma_semaphore, #tpu.memory_space<semaphore_mem>>) src(%arg13 : memref<40x128xf32, #tpu.memory_space<vmem>>) dst(%dma_wait3A_304 : memref<40x128xf32, #tpu.memory_space<vmem_shared>>)
      tpu.yield
    }) : () -> ()
    %barrier3A_185 = arith.constant 0 : index
    tpu.barrier barrier_id(%barrier3A_185)
    %add3A_186 = arith.constant 0 : i32
    %add3A_187 = arith.addi %mul3A_2, %add3A_186 : i32
    %dma_start3A_188 = tpu.memref_slice %arg3[%add3A_187] : memref<320000xi32, #tpu.memory_space<hbm>> -> memref<40xi32, #tpu.memory_space<hbm>>
    %dma_start3A_189 = tpu.memref_slice %arg3[%add3A_187] : memref<320000xi32, #tpu.memory_space<hbm>> -> memref<40xi32, #tpu.memory_space<hbm>>
    tpu.enqueue_dma source(%dma_start3A_189 : memref<40xi32, #tpu.memory_space<hbm>>) target(%arg7 : memref<40xi32, #tpu.memory_space<vmem>>) target_semaphore(%arg19 : memref<!tpu.dma_semaphore, #tpu.memory_space<semaphore_mem>>)
    %add3A_190 = arith.constant 40 : i32
    %add3A_191 = arith.addi %mul3A_2, %add3A_190 : i32
    %dma_start3A_192 = tpu.memref_slice %arg3[%add3A_191] : memref<320000xi32, #tpu.memory_space<hbm>> -> memref<40xi32, #tpu.memory_space<hbm>>
    %dma_start3A_193 = tpu.memref_slice %arg3[%add3A_191] : memref<320000xi32, #tpu.memory_space<hbm>> -> memref<40xi32, #tpu.memory_space<hbm>>
    tpu.enqueue_dma source(%dma_start3A_193 : memref<40xi32, #tpu.memory_space<hbm>>) target(%arg8 : memref<40xi32, #tpu.memory_space<vmem>>) target_semaphore(%arg20 : memref<!tpu.dma_semaphore, #tpu.memory_space<semaphore_mem>>)
    %scan3A_194 = arith.constant 0 : i32
    %scan3A_195 = arith.constant 0 : i32
    %scan3A_196 = arith.constant 100 : i32
    %scan3A_197 = arith.addi %scan3A_195, %scan3A_196 : i32
    %scan3A_198 = arith.constant 1 : i32
    scf.for %scan3A_296 = %scan3A_195 to %scan3A_197 step %scan3A_198  : i32 {
      %mul3A_297 = arith.constant 5 : i32
      %mul3A_298 = arith.muli %scan3A_296, %mul3A_297 : i32
      %gt3A = arith.constant 0 : i32
      %gt3A_299 = arith.cmpi sgt, %scan3A_296, %gt3A : i32
      %convert_element_type3A = arith.extui %gt3A_299 : i1 to i32
      %cond3A = arith.constant 0 : i32
      %cond3A_300 = arith.cmpi ne, %convert_element_type3A, %cond3A : i32
      scf.if %cond3A_300 {
        %dma_wait3A_391 = arith.constant 0 : i32
        %dma_wait3A_392 = arith.constant 0 : i32
        %dma_wait3A_393 = tpu.memref_slice %arg18[%dma_wait3A_391, %dma_wait3A_392] : memref<10240x128xf32, #tpu.memory_space<vmem_shared>> -> memref<10240x128xf32, #tpu.memory_space<vmem_shared>>
        tpu.wait_indirect_dma semaphore(%arg26 : memref<!tpu.dma_semaphore, #tpu.memory_space<semaphore_mem>>) src(%arg17 : memref<40x128xf32, #tpu.memory_space<vmem>>) dst(%dma_wait3A_393 : memref<10240x128xf32, #tpu.memory_space<vmem_shared>>)
      } else {
      }
      %add3A_301 = arith.constant 2 : i32
      %add3A_302 = arith.addi %mul3A_298, %add3A_301 : i32
      %mul3A_303 = arith.constant 40 : i32
      %mul3A_304 = arith.muli %add3A_302, %mul3A_303 : i32
      %add3A_305 = arith.addi %mul3A_2, %mul3A_304 : i32
      %dma_start3A_306 = tpu.memref_slice %arg3[%add3A_305] : memref<320000xi32, #tpu.memory_space<hbm>> -> memref<40xi32, #tpu.memory_space<hbm>>
      %dma_start3A_307 = tpu.memref_slice %arg3[%add3A_305] : memref<320000xi32, #tpu.memory_space<hbm>> -> memref<40xi32, #tpu.memory_space<hbm>>
      tpu.enqueue_dma source(%dma_start3A_307 : memref<40xi32, #tpu.memory_space<hbm>>) target(%arg9 : memref<40xi32, #tpu.memory_space<vmem>>) target_semaphore(%arg21 : memref<!tpu.dma_semaphore, #tpu.memory_space<semaphore_mem>>)
      %gt3A_308 = arith.constant 0 : i32
      %gt3A_309 = arith.cmpi sgt, %scan3A_296, %gt3A_308 : i32
      %convert_element_type3A_310 = arith.extui %gt3A_309 : i1 to i32
      %cond3A_311 = arith.constant 0 : i32
      %cond3A_312 = arith.cmpi ne, %convert_element_type3A_310, %cond3A_311 : i32
      scf.if %cond3A_312 {
        %dma_wait3A_391 = arith.constant 0 : i32
        %dma_wait3A_392 = arith.constant 0 : i32
        %dma_wait3A_393 = tpu.memref_slice %arg18[%dma_wait3A_391, %dma_wait3A_392] : memref<10240x128xf32, #tpu.memory_space<vmem_shared>> -> memref<10240x128xf32, #tpu.memory_space<vmem_shared>>
        tpu.wait_indirect_dma semaphore(%arg27 : memref<!tpu.dma_semaphore, #tpu.memory_space<semaphore_mem>>) src(%arg17 : memref<40x128xf32, #tpu.memory_space<vmem>>) dst(%dma_wait3A_393 : memref<10240x128xf32, #tpu.memory_space<vmem_shared>>)
      } else {
      }
      %add3A_313 = arith.constant 3 : i32
      %add3A_314 = arith.addi %mul3A_298, %add3A_313 : i32
      %mul3A_315 = arith.constant 40 : i32
      %mul3A_316 = arith.muli %add3A_314, %mul3A_315 : i32
      %add3A_317 = arith.addi %mul3A_2, %mul3A_316 : i32
      %dma_start3A_318 = tpu.memref_slice %arg3[%add3A_317] : memref<320000xi32, #tpu.memory_space<hbm>> -> memref<40xi32, #tpu.memory_space<hbm>>
      %dma_start3A_319 = tpu.memref_slice %arg3[%add3A_317] : memref<320000xi32, #tpu.memory_space<hbm>> -> memref<40xi32, #tpu.memory_space<hbm>>
      tpu.enqueue_dma source(%dma_start3A_319 : memref<40xi32, #tpu.memory_space<hbm>>) target(%arg10 : memref<40xi32, #tpu.memory_space<vmem>>) target_semaphore(%arg22 : memref<!tpu.dma_semaphore, #tpu.memory_space<semaphore_mem>>)
      %gt3A_320 = arith.constant 0 : i32
      %gt3A_321 = arith.cmpi sgt, %scan3A_296, %gt3A_320 : i32
      %convert_element_type3A_322 = arith.extui %gt3A_321 : i1 to i32
      %cond3A_323 = arith.constant 0 : i32
      %cond3A_324 = arith.cmpi ne, %convert_element_type3A_322, %cond3A_323 : i32
      scf.if %cond3A_324 {
        %dma_wait3A_391 = arith.constant 0 : i32
        %dma_wait3A_392 = arith.constant 0 : i32
        %dma_wait3A_393 = tpu.memref_slice %arg18[%dma_wait3A_391, %dma_wait3A_392] : memref<10240x128xf32, #tpu.memory_space<vmem_shared>> -> memref<10240x128xf32, #tpu.memory_space<vmem_shared>>
        tpu.wait_indirect_dma semaphore(%arg28 : memref<!tpu.dma_semaphore, #tpu.memory_space<semaphore_mem>>) src(%arg17 : memref<40x128xf32, #tpu.memory_space<vmem>>) dst(%dma_wait3A_393 : memref<10240x128xf32, #tpu.memory_space<vmem_shared>>)
      } else {
      }
      %add3A_325 = arith.constant 4 : i32
      %add3A_326 = arith.addi %mul3A_298, %add3A_325 : i32
      %mul3A_327 = arith.constant 40 : i32
      %mul3A_328 = arith.muli %add3A_326, %mul3A_327 : i32
      %add3A_329 = arith.addi %mul3A_2, %mul3A_328 : i32
      %dma_start3A_330 = tpu.memref_slice %arg3[%add3A_329] : memref<320000xi32, #tpu.memory_space<hbm>> -> memref<40xi32, #tpu.memory_space<hbm>>
      %dma_start3A_331 = tpu.memref_slice %arg3[%add3A_329] : memref<320000xi32, #tpu.memory_space<hbm>> -> memref<40xi32, #tpu.memory_space<hbm>>
      tpu.enqueue_dma source(%dma_start3A_331 : memref<40xi32, #tpu.memory_space<hbm>>) target(%arg11 : memref<40xi32, #tpu.memory_space<vmem>>) target_semaphore(%arg23 : memref<!tpu.dma_semaphore, #tpu.memory_space<semaphore_mem>>)
      %add3A_332 = arith.constant 0 : i32
      %add3A_333 = arith.addi %mul3A_298, %add3A_332 : i32
      %mul3A_334 = arith.constant 40 : i32
      %mul3A_335 = arith.muli %add3A_333, %mul3A_334 : i32
      %add3A_336 = arith.addi %mul3A_2, %mul3A_335 : i32
      %dma_wait3A_337 = tpu.memref_slice %arg3[%add3A_336] : memref<320000xi32, #tpu.memory_space<hbm>> -> memref<40xi32, #tpu.memory_space<hbm>>
      %dma_wait3A_338 = tpu.memref_slice %arg3[%add3A_336] : memref<320000xi32, #tpu.memory_space<hbm>> -> memref<40xi32, #tpu.memory_space<hbm>>
      tpu.wait_dma2 semaphore(%arg19 : memref<!tpu.dma_semaphore, #tpu.memory_space<semaphore_mem>>) src(%dma_wait3A_338 : memref<40xi32, #tpu.memory_space<hbm>>) dst(%arg7 : memref<40xi32, #tpu.memory_space<vmem>>)
      %dma_start3A_339 = arith.constant 0 : i32
      %dma_start3A_340 = arith.constant 0 : i32
      %dma_start3A_341 = tpu.memref_slice %arg18[%dma_start3A_339, %dma_start3A_340] : memref<10240x128xf32, #tpu.memory_space<vmem_shared>> -> memref<10240x128xf32, #tpu.memory_space<vmem_shared>>
      tpu.enqueue_indirect_dma source(%arg17 : memref<40x128xf32, #tpu.memory_space<vmem>>) target(%dma_start3A_341 : memref<10240x128xf32, #tpu.memory_space<vmem_shared>>) offsets(%arg7 : memref<40xi32, #tpu.memory_space<vmem>>) semaphore(%arg24 : memref<!tpu.dma_semaphore, #tpu.memory_space<semaphore_mem>>) {add = true}
      %add3A_342 = arith.constant 1 : i32
      %add3A_343 = arith.addi %mul3A_298, %add3A_342 : i32
      %mul3A_344 = arith.constant 40 : i32
      %mul3A_345 = arith.muli %add3A_343, %mul3A_344 : i32
      %add3A_346 = arith.addi %mul3A_2, %mul3A_345 : i32
      %dma_wait3A_347 = tpu.memref_slice %arg3[%add3A_346] : memref<320000xi32, #tpu.memory_space<hbm>> -> memref<40xi32, #tpu.memory_space<hbm>>
      %dma_wait3A_348 = tpu.memref_slice %arg3[%add3A_346] : memref<320000xi32, #tpu.memory_space<hbm>> -> memref<40xi32, #tpu.memory_space<hbm>>
      tpu.wait_dma2 semaphore(%arg20 : memref<!tpu.dma_semaphore, #tpu.memory_space<semaphore_mem>>) src(%dma_wait3A_348 : memref<40xi32, #tpu.memory_space<hbm>>) dst(%arg8 : memref<40xi32, #tpu.memory_space<vmem>>)
      %dma_start3A_349 = arith.constant 0 : i32
      %dma_start3A_350 = arith.constant 0 : i32
      %dma_start3A_351 = tpu.memref_slice %arg18[%dma_start3A_349, %dma_start3A_350] : memref<10240x128xf32, #tpu.memory_space<vmem_shared>> -> memref<10240x128xf32, #tpu.memory_space<vmem_shared>>
      tpu.enqueue_indirect_dma source(%arg17 : memref<40x128xf32, #tpu.memory_space<vmem>>) target(%dma_start3A_351 : memref<10240x128xf32, #tpu.memory_space<vmem_shared>>) offsets(%arg8 : memref<40xi32, #tpu.memory_space<vmem>>) semaphore(%arg25 : memref<!tpu.dma_semaphore, #tpu.memory_space<semaphore_mem>>) {add = true}
      %add3A_352 = arith.constant 2 : i32
      %add3A_353 = arith.addi %mul3A_298, %add3A_352 : i32
      %mul3A_354 = arith.constant 40 : i32
      %mul3A_355 = arith.muli %add3A_353, %mul3A_354 : i32
      %add3A_356 = arith.addi %mul3A_2, %mul3A_355 : i32
      %dma_wait3A_357 = tpu.memref_slice %arg3[%add3A_356] : memref<320000xi32, #tpu.memory_space<hbm>> -> memref<40xi32, #tpu.memory_space<hbm>>
      %dma_wait3A_358 = tpu.memref_slice %arg3[%add3A_356] : memref<320000xi32, #tpu.memory_space<hbm>> -> memref<40xi32, #tpu.memory_space<hbm>>
      tpu.wait_dma2 semaphore(%arg21 : memref<!tpu.dma_semaphore, #tpu.memory_space<semaphore_mem>>) src(%dma_wait3A_358 : memref<40xi32, #tpu.memory_space<hbm>>) dst(%arg9 : memref<40xi32, #tpu.memory_space<vmem>>)
      %dma_start3A_359 = arith.constant 0 : i32
      %dma_start3A_360 = arith.constant 0 : i32
      %dma_start3A_361 = tpu.memref_slice %arg18[%dma_start3A_359, %dma_start3A_360] : memref<10240x128xf32, #tpu.memory_space<vmem_shared>> -> memref<10240x128xf32, #tpu.memory_space<vmem_shared>>
      tpu.enqueue_indirect_dma source(%arg17 : memref<40x128xf32, #tpu.memory_space<vmem>>) target(%dma_start3A_361 : memref<10240x128xf32, #tpu.memory_space<vmem_shared>>) offsets(%arg9 : memref<40xi32, #tpu.memory_space<vmem>>) semaphore(%arg26 : memref<!tpu.dma_semaphore, #tpu.memory_space<semaphore_mem>>) {add = true}
      %add3A_362 = arith.constant 3 : i32
      %add3A_363 = arith.addi %mul3A_298, %add3A_362 : i32
      %mul3A_364 = arith.constant 40 : i32
      %mul3A_365 = arith.muli %add3A_363, %mul3A_364 : i32
      %add3A_366 = arith.addi %mul3A_2, %mul3A_365 : i32
      %dma_wait3A_367 = tpu.memref_slice %arg3[%add3A_366] : memref<320000xi32, #tpu.memory_space<hbm>> -> memref<40xi32, #tpu.memory_space<hbm>>
      %dma_wait3A_368 = tpu.memref_slice %arg3[%add3A_366] : memref<320000xi32, #tpu.memory_space<hbm>> -> memref<40xi32, #tpu.memory_space<hbm>>
      tpu.wait_dma2 semaphore(%arg22 : memref<!tpu.dma_semaphore, #tpu.memory_space<semaphore_mem>>) src(%dma_wait3A_368 : memref<40xi32, #tpu.memory_space<hbm>>) dst(%arg10 : memref<40xi32, #tpu.memory_space<vmem>>)
      %dma_start3A_369 = arith.constant 0 : i32
      %dma_start3A_370 = arith.constant 0 : i32
      %dma_start3A_371 = tpu.memref_slice %arg18[%dma_start3A_369, %dma_start3A_370] : memref<10240x128xf32, #tpu.memory_space<vmem_shared>> -> memref<10240x128xf32, #tpu.memory_space<vmem_shared>>
      tpu.enqueue_indirect_dma source(%arg17 : memref<40x128xf32, #tpu.memory_space<vmem>>) target(%dma_start3A_371 : memref<10240x128xf32, #tpu.memory_space<vmem_shared>>) offsets(%arg10 : memref<40xi32, #tpu.memory_space<vmem>>) semaphore(%arg27 : memref<!tpu.dma_semaphore, #tpu.memory_space<semaphore_mem>>) {add = true}
      %add3A_372 = arith.constant 4 : i32
      %add3A_373 = arith.addi %mul3A_298, %add3A_372 : i32
      %mul3A_374 = arith.constant 40 : i32
      %mul3A_375 = arith.muli %add3A_373, %mul3A_374 : i32
      %add3A_376 = arith.addi %mul3A_2, %mul3A_375 : i32
      %dma_wait3A_377 = tpu.memref_slice %arg3[%add3A_376] : memref<320000xi32, #tpu.memory_space<hbm>> -> memref<40xi32, #tpu.memory_space<hbm>>
      %dma_wait3A_378 = tpu.memref_slice %arg3[%add3A_376] : memref<320000xi32, #tpu.memory_space<hbm>> -> memref<40xi32, #tpu.memory_space<hbm>>
      tpu.wait_dma2 semaphore(%arg23 : memref<!tpu.dma_semaphore, #tpu.memory_space<semaphore_mem>>) src(%dma_wait3A_378 : memref<40xi32, #tpu.memory_space<hbm>>) dst(%arg11 : memref<40xi32, #tpu.memory_space<vmem>>)
      %dma_start3A_379 = arith.constant 0 : i32
      %dma_start3A_380 = arith.constant 0 : i32
      %dma_start3A_381 = tpu.memref_slice %arg18[%dma_start3A_379, %dma_start3A_380] : memref<10240x128xf32, #tpu.memory_space<vmem_shared>> -> memref<10240x128xf32, #tpu.memory_space<vmem_shared>>
      tpu.enqueue_indirect_dma source(%arg17 : memref<40x128xf32, #tpu.memory_space<vmem>>) target(%dma_start3A_381 : memref<10240x128xf32, #tpu.memory_space<vmem_shared>>) offsets(%arg11 : memref<40xi32, #tpu.memory_space<vmem>>) semaphore(%arg28 : memref<!tpu.dma_semaphore, #tpu.memory_space<semaphore_mem>>) {add = true}
      %lt3A = arith.constant 99 : i32
      %lt3A_382 = arith.cmpi slt, %scan3A_296, %lt3A : i32
      %convert_element_type3A_383 = arith.extui %lt3A_382 : i1 to i32
      %cond3A_384 = arith.constant 0 : i32
      %cond3A_385 = arith.cmpi ne, %convert_element_type3A_383, %cond3A_384 : i32
      scf.if %cond3A_385 {
        %dma_wait3A_391 = arith.constant 0 : i32
        %dma_wait3A_392 = arith.constant 0 : i32
        %dma_wait3A_393 = tpu.memref_slice %arg18[%dma_wait3A_391, %dma_wait3A_392] : memref<10240x128xf32, #tpu.memory_space<vmem_shared>> -> memref<10240x128xf32, #tpu.memory_space<vmem_shared>>
        tpu.wait_indirect_dma semaphore(%arg24 : memref<!tpu.dma_semaphore, #tpu.memory_space<semaphore_mem>>) src(%arg17 : memref<40x128xf32, #tpu.memory_space<vmem>>) dst(%dma_wait3A_393 : memref<10240x128xf32, #tpu.memory_space<vmem_shared>>)
        %add3A_394 = arith.constant 5 : i32
        %add3A_395 = arith.addi %mul3A_298, %add3A_394 : i32
        %add3A_396 = arith.constant 0 : i32
        %add3A_397 = arith.addi %add3A_395, %add3A_396 : i32
        %mul3A_398 = arith.constant 40 : i32
        %mul3A_399 = arith.muli %add3A_397, %mul3A_398 : i32
        %add3A_400 = arith.addi %mul3A_2, %mul3A_399 : i32
        %dma_start3A_401 = tpu.memref_slice %arg3[%add3A_400] : memref<320000xi32, #tpu.memory_space<hbm>> -> memref<40xi32, #tpu.memory_space<hbm>>
        %dma_start3A_402 = tpu.memref_slice %arg3[%add3A_400] : memref<320000xi32, #tpu.memory_space<hbm>> -> memref<40xi32, #tpu.memory_space<hbm>>
        tpu.enqueue_dma source(%dma_start3A_402 : memref<40xi32, #tpu.memory_space<hbm>>) target(%arg7 : memref<40xi32, #tpu.memory_space<vmem>>) target_semaphore(%arg19 : memref<!tpu.dma_semaphore, #tpu.memory_space<semaphore_mem>>)
      } else {
      }
      %lt3A_386 = arith.constant 99 : i32
      %lt3A_387 = arith.cmpi slt, %scan3A_296, %lt3A_386 : i32
      %convert_element_type3A_388 = arith.extui %lt3A_387 : i1 to i32
      %cond3A_389 = arith.constant 0 : i32
      %cond3A_390 = arith.cmpi ne, %convert_element_type3A_388, %cond3A_389 : i32
      scf.if %cond3A_390 {
        %dma_wait3A_391 = arith.constant 0 : i32
        %dma_wait3A_392 = arith.constant 0 : i32
        %dma_wait3A_393 = tpu.memref_slice %arg18[%dma_wait3A_391, %dma_wait3A_392] : memref<10240x128xf32, #tpu.memory_space<vmem_shared>> -> memref<10240x128xf32, #tpu.memory_space<vmem_shared>>
        tpu.wait_indirect_dma semaphore(%arg25 : memref<!tpu.dma_semaphore, #tpu.memory_space<semaphore_mem>>) src(%arg17 : memref<40x128xf32, #tpu.memory_space<vmem>>) dst(%dma_wait3A_393 : memref<10240x128xf32, #tpu.memory_space<vmem_shared>>)
        %add3A_394 = arith.constant 5 : i32
        %add3A_395 = arith.addi %mul3A_298, %add3A_394 : i32
        %add3A_396 = arith.constant 1 : i32
        %add3A_397 = arith.addi %add3A_395, %add3A_396 : i32
        %mul3A_398 = arith.constant 40 : i32
        %mul3A_399 = arith.muli %add3A_397, %mul3A_398 : i32
        %add3A_400 = arith.addi %mul3A_2, %mul3A_399 : i32
        %dma_start3A_401 = tpu.memref_slice %arg3[%add3A_400] : memref<320000xi32, #tpu.memory_space<hbm>> -> memref<40xi32, #tpu.memory_space<hbm>>
        %dma_start3A_402 = tpu.memref_slice %arg3[%add3A_400] : memref<320000xi32, #tpu.memory_space<hbm>> -> memref<40xi32, #tpu.memory_space<hbm>>
        tpu.enqueue_dma source(%dma_start3A_402 : memref<40xi32, #tpu.memory_space<hbm>>) target(%arg8 : memref<40xi32, #tpu.memory_space<vmem>>) target_semaphore(%arg20 : memref<!tpu.dma_semaphore, #tpu.memory_space<semaphore_mem>>)
      } else {
      }
    }
    %scan3A_199 = arith.constant 100 : i32
    %dma_wait3A_200 = arith.constant 0 : i32
    %dma_wait3A_201 = arith.constant 0 : i32
    %dma_wait3A_202 = tpu.memref_slice %arg18[%dma_wait3A_200, %dma_wait3A_201] : memref<10240x128xf32, #tpu.memory_space<vmem_shared>> -> memref<10240x128xf32, #tpu.memory_space<vmem_shared>>
    tpu.wait_indirect_dma semaphore(%arg24 : memref<!tpu.dma_semaphore, #tpu.memory_space<semaphore_mem>>) src(%arg17 : memref<40x128xf32, #tpu.memory_space<vmem>>) dst(%dma_wait3A_202 : memref<10240x128xf32, #tpu.memory_space<vmem_shared>>)
    %dma_wait3A_203 = arith.constant 0 : i32
    %dma_wait3A_204 = arith.constant 0 : i32
    %dma_wait3A_205 = tpu.memref_slice %arg18[%dma_wait3A_203, %dma_wait3A_204] : memref<10240x128xf32, #tpu.memory_space<vmem_shared>> -> memref<10240x128xf32, #tpu.memory_space<vmem_shared>>
    tpu.wait_indirect_dma semaphore(%arg25 : memref<!tpu.dma_semaphore, #tpu.memory_space<semaphore_mem>>) src(%arg17 : memref<40x128xf32, #tpu.memory_space<vmem>>) dst(%dma_wait3A_205 : memref<10240x128xf32, #tpu.memory_space<vmem_shared>>)
    %dma_wait3A_206 = arith.constant 0 : i32
    %dma_wait3A_207 = arith.constant 0 : i32
    %dma_wait3A_208 = tpu.memref_slice %arg18[%dma_wait3A_206, %dma_wait3A_207] : memref<10240x128xf32, #tpu.memory_space<vmem_shared>> -> memref<10240x128xf32, #tpu.memory_space<vmem_shared>>
    tpu.wait_indirect_dma semaphore(%arg26 : memref<!tpu.dma_semaphore, #tpu.memory_space<semaphore_mem>>) src(%arg17 : memref<40x128xf32, #tpu.memory_space<vmem>>) dst(%dma_wait3A_208 : memref<10240x128xf32, #tpu.memory_space<vmem_shared>>)
    %dma_wait3A_209 = arith.constant 0 : i32
    %dma_wait3A_210 = arith.constant 0 : i32
    %dma_wait3A_211 = tpu.memref_slice %arg18[%dma_wait3A_209, %dma_wait3A_210] : memref<10240x128xf32, #tpu.memory_space<vmem_shared>> -> memref<10240x128xf32, #tpu.memory_space<vmem_shared>>
    tpu.wait_indirect_dma semaphore(%arg27 : memref<!tpu.dma_semaphore, #tpu.memory_space<semaphore_mem>>) src(%arg17 : memref<40x128xf32, #tpu.memory_space<vmem>>) dst(%dma_wait3A_211 : memref<10240x128xf32, #tpu.memory_space<vmem_shared>>)
    %dma_wait3A_212 = arith.constant 0 : i32
    %dma_wait3A_213 = arith.constant 0 : i32
    %dma_wait3A_214 = tpu.memref_slice %arg18[%dma_wait3A_212, %dma_wait3A_213] : memref<10240x128xf32, #tpu.memory_space<vmem_shared>> -> memref<10240x128xf32, #tpu.memory_space<vmem_shared>>
    tpu.wait_indirect_dma semaphore(%arg28 : memref<!tpu.dma_semaphore, #tpu.memory_space<semaphore_mem>>) src(%arg17 : memref<40x128xf32, #tpu.memory_space<vmem>>) dst(%dma_wait3A_214 : memref<10240x128xf32, #tpu.memory_space<vmem_shared>>)
    %barrier3A_215 = arith.constant 0 : index
    tpu.barrier barrier_id(%barrier3A_215)
    %mul3A_216 = arith.constant 640 : i32
    %mul3A_217 = arith.muli %arg1, %mul3A_216 : i32
    %add3A_218 = arith.constant 0 : i32
    %add3A_219 = arith.addi %mul3A_217, %add3A_218 : i32
    "tpu.region"() ({
      %run_scoped3A_296 = tpu.sem_alloc : memref<!tpu.dma_semaphore, #tpu.memory_space<semaphore_mem>>
      %dma_start3A_297 = arith.constant 0 : i32
      %dma_start3A_298 = tpu.memref_slice %arg18[%add3A_219, %dma_start3A_297] : memref<10240x128xf32, #tpu.memory_space<vmem_shared>> -> memref<40x128xf32, #tpu.memory_space<vmem_shared>>
      %dma_start3A_299 = arith.constant 0 : i32
      %dma_start3A_300 = tpu.memref_slice %arg18[%add3A_219, %dma_start3A_299] : memref<10240x128xf32, #tpu.memory_space<vmem_shared>> -> memref<40x128xf32, #tpu.memory_space<vmem_shared>>
      tpu.enqueue_dma source(%dma_start3A_300 : memref<40x128xf32, #tpu.memory_space<vmem_shared>>) target(%arg12 : memref<40x128xf32, #tpu.memory_space<vmem>>) target_semaphore(%run_scoped3A_296 : memref<!tpu.dma_semaphore, #tpu.memory_space<semaphore_mem>>)
      %dma_wait3A_301 = arith.constant 0 : i32
      %dma_wait3A_302 = tpu.memref_slice %arg18[%add3A_219, %dma_wait3A_301] : memref<10240x128xf32, #tpu.memory_space<vmem_shared>> -> memref<40x128xf32, #tpu.memory_space<vmem_shared>>
      %dma_wait3A_303 = arith.constant 0 : i32
      %dma_wait3A_304 = tpu.memref_slice %arg18[%add3A_219, %dma_wait3A_303] : memref<10240x128xf32, #tpu.memory_space<vmem_shared>> -> memref<40x128xf32, #tpu.memory_space<vmem_shared>>
      tpu.wait_dma2 semaphore(%run_scoped3A_296 : memref<!tpu.dma_semaphore, #tpu.memory_space<semaphore_mem>>) src(%dma_wait3A_304 : memref<40x128xf32, #tpu.memory_space<vmem_shared>>) dst(%arg12 : memref<40x128xf32, #tpu.memory_space<vmem>>)
      tpu.yield
    }) : () -> ()
    %run_scoped3A_220 = arith.constant 1 : i32
    "tpu.region"() ({
      %run_scoped3A_296 = tpu.sem_alloc : memref<!tpu.dma_semaphore, #tpu.memory_space<semaphore_mem>>
      %dma_start3A_297 = arith.constant 0 : i32
      %dma_start3A_298 = tpu.memref_slice %arg6[%arg0, %run_scoped3A_220, %add3A_219, %dma_start3A_297] : memref<1x2x10240x128xf32, #tpu.memory_space<hbm>> -> memref<1x1x40x128xf32, #tpu.memory_space<hbm>>
      %dma_start3A_299 = tpu.memref_squeeze %dma_start3A_298 : memref<1x1x40x128xf32, #tpu.memory_space<hbm>> -> memref<40x128xf32, #tpu.memory_space<hbm>>
      %dma_start3A_300 = arith.constant 0 : i32
      %dma_start3A_301 = tpu.memref_slice %arg6[%arg0, %run_scoped3A_220, %add3A_219, %dma_start3A_300] : memref<1x2x10240x128xf32, #tpu.memory_space<hbm>> -> memref<1x1x40x128xf32, #tpu.memory_space<hbm>>
      %dma_start3A_302 = tpu.memref_squeeze %dma_start3A_301 : memref<1x1x40x128xf32, #tpu.memory_space<hbm>> -> memref<40x128xf32, #tpu.memory_space<hbm>>
      tpu.enqueue_dma source(%arg12 : memref<40x128xf32, #tpu.memory_space<vmem>>) target(%dma_start3A_302 : memref<40x128xf32, #tpu.memory_space<hbm>>) target_semaphore(%run_scoped3A_296 : memref<!tpu.dma_semaphore, #tpu.memory_space<semaphore_mem>>)
      %dma_wait3A_303 = arith.constant 0 : i32
      %dma_wait3A_304 = tpu.memref_slice %arg6[%arg0, %run_scoped3A_220, %add3A_219, %dma_wait3A_303] : memref<1x2x10240x128xf32, #tpu.memory_space<hbm>> -> memref<1x1x40x128xf32, #tpu.memory_space<hbm>>
      %dma_wait3A_305 = tpu.memref_squeeze %dma_wait3A_304 : memref<1x1x40x128xf32, #tpu.memory_space<hbm>> -> memref<40x128xf32, #tpu.memory_space<hbm>>
      %dma_wait3A_306 = arith.constant 0 : i32
      %dma_wait3A_307 = tpu.memref_slice %arg6[%arg0, %run_scoped3A_220, %add3A_219, %dma_wait3A_306] : memref<1x2x10240x128xf32, #tpu.memory_space<hbm>> -> memref<1x1x40x128xf32, #tpu.memory_space<hbm>>
      %dma_wait3A_308 = tpu.memref_squeeze %dma_wait3A_307 : memref<1x1x40x128xf32, #tpu.memory_space<hbm>> -> memref<40x128xf32, #tpu.memory_space<hbm>>
      tpu.wait_dma2 semaphore(%run_scoped3A_296 : memref<!tpu.dma_semaphore, #tpu.memory_space<semaphore_mem>>) src(%arg12 : memref<40x128xf32, #tpu.memory_space<vmem>>) dst(%dma_wait3A_308 : memref<40x128xf32, #tpu.memory_space<hbm>>)
      tpu.yield
    }) : () -> ()
    %mul3A_221 = arith.constant 640 : i32
    %mul3A_222 = arith.muli %arg1, %mul3A_221 : i32
    %add3A_223 = arith.constant 40 : i32
    %add3A_224 = arith.addi %mul3A_222, %add3A_223 : i32
    "tpu.region"() ({
      %run_scoped3A_296 = tpu.sem_alloc : memref<!tpu.dma_semaphore, #tpu.memory_space<semaphore_mem>>
      %dma_start3A_297 = arith.constant 0 : i32
      %dma_start3A_298 = tpu.memref_slice %arg18[%add3A_224, %dma_start3A_297] : memref<10240x128xf32, #tpu.memory_space<vmem_shared>> -> memref<40x128xf32, #tpu.memory_space<vmem_shared>>
      %dma_start3A_299 = arith.constant 0 : i32
      %dma_start3A_300 = tpu.memref_slice %arg18[%add3A_224, %dma_start3A_299] : memref<10240x128xf32, #tpu.memory_space<vmem_shared>> -> memref<40x128xf32, #tpu.memory_space<vmem_shared>>
      tpu.enqueue_dma source(%dma_start3A_300 : memref<40x128xf32, #tpu.memory_space<vmem_shared>>) target(%arg12 : memref<40x128xf32, #tpu.memory_space<vmem>>) target_semaphore(%run_scoped3A_296 : memref<!tpu.dma_semaphore, #tpu.memory_space<semaphore_mem>>)
      %dma_wait3A_301 = arith.constant 0 : i32
      %dma_wait3A_302 = tpu.memref_slice %arg18[%add3A_224, %dma_wait3A_301] : memref<10240x128xf32, #tpu.memory_space<vmem_shared>> -> memref<40x128xf32, #tpu.memory_space<vmem_shared>>
      %dma_wait3A_303 = arith.constant 0 : i32
      %dma_wait3A_304 = tpu.memref_slice %arg18[%add3A_224, %dma_wait3A_303] : memref<10240x128xf32, #tpu.memory_space<vmem_shared>> -> memref<40x128xf32, #tpu.memory_space<vmem_shared>>
      tpu.wait_dma2 semaphore(%run_scoped3A_296 : memref<!tpu.dma_semaphore, #tpu.memory_space<semaphore_mem>>) src(%dma_wait3A_304 : memref<40x128xf32, #tpu.memory_space<vmem_shared>>) dst(%arg12 : memref<40x128xf32, #tpu.memory_space<vmem>>)
      tpu.yield
    }) : () -> ()
    %run_scoped3A_225 = arith.constant 1 : i32
    "tpu.region"() ({
      %run_scoped3A_296 = tpu.sem_alloc : memref<!tpu.dma_semaphore, #tpu.memory_space<semaphore_mem>>
      %dma_start3A_297 = arith.constant 0 : i32
      %dma_start3A_298 = tpu.memref_slice %arg6[%arg0, %run_scoped3A_225, %add3A_224, %dma_start3A_297] : memref<1x2x10240x128xf32, #tpu.memory_space<hbm>> -> memref<1x1x40x128xf32, #tpu.memory_space<hbm>>
      %dma_start3A_299 = tpu.memref_squeeze %dma_start3A_298 : memref<1x1x40x128xf32, #tpu.memory_space<hbm>> -> memref<40x128xf32, #tpu.memory_space<hbm>>
      %dma_start3A_300 = arith.constant 0 : i32
      %dma_start3A_301 = tpu.memref_slice %arg6[%arg0, %run_scoped3A_225, %add3A_224, %dma_start3A_300] : memref<1x2x10240x128xf32, #tpu.memory_space<hbm>> -> memref<1x1x40x128xf32, #tpu.memory_space<hbm>>
      %dma_start3A_302 = tpu.memref_squeeze %dma_start3A_301 : memref<1x1x40x128xf32, #tpu.memory_space<hbm>> -> memref<40x128xf32, #tpu.memory_space<hbm>>
      tpu.enqueue_dma source(%arg12 : memref<40x128xf32, #tpu.memory_space<vmem>>) target(%dma_start3A_302 : memref<40x128xf32, #tpu.memory_space<hbm>>) target_semaphore(%run_scoped3A_296 : memref<!tpu.dma_semaphore, #tpu.memory_space<semaphore_mem>>)
      %dma_wait3A_303 = arith.constant 0 : i32
      %dma_wait3A_304 = tpu.memref_slice %arg6[%arg0, %run_scoped3A_225, %add3A_224, %dma_wait3A_303] : memref<1x2x10240x128xf32, #tpu.memory_space<hbm>> -> memref<1x1x40x128xf32, #tpu.memory_space<hbm>>
      %dma_wait3A_305 = tpu.memref_squeeze %dma_wait3A_304 : memref<1x1x40x128xf32, #tpu.memory_space<hbm>> -> memref<40x128xf32, #tpu.memory_space<hbm>>
      %dma_wait3A_306 = arith.constant 0 : i32
      %dma_wait3A_307 = tpu.memref_slice %arg6[%arg0, %run_scoped3A_225, %add3A_224, %dma_wait3A_306] : memref<1x2x10240x128xf32, #tpu.memory_space<hbm>> -> memref<1x1x40x128xf32, #tpu.memory_space<hbm>>
      %dma_wait3A_308 = tpu.memref_squeeze %dma_wait3A_307 : memref<1x1x40x128xf32, #tpu.memory_space<hbm>> -> memref<40x128xf32, #tpu.memory_space<hbm>>
      tpu.wait_dma2 semaphore(%run_scoped3A_296 : memref<!tpu.dma_semaphore, #tpu.memory_space<semaphore_mem>>) src(%arg12 : memref<40x128xf32, #tpu.memory_space<vmem>>) dst(%dma_wait3A_308 : memref<40x128xf32, #tpu.memory_space<hbm>>)
      tpu.yield
    }) : () -> ()
    %mul3A_226 = arith.constant 640 : i32
    %mul3A_227 = arith.muli %arg1, %mul3A_226 : i32
    %add3A_228 = arith.constant 80 : i32
    %add3A_229 = arith.addi %mul3A_227, %add3A_228 : i32
    "tpu.region"() ({
      %run_scoped3A_296 = tpu.sem_alloc : memref<!tpu.dma_semaphore, #tpu.memory_space<semaphore_mem>>
      %dma_start3A_297 = arith.constant 0 : i32
      %dma_start3A_298 = tpu.memref_slice %arg18[%add3A_229, %dma_start3A_297] : memref<10240x128xf32, #tpu.memory_space<vmem_shared>> -> memref<40x128xf32, #tpu.memory_space<vmem_shared>>
      %dma_start3A_299 = arith.constant 0 : i32
      %dma_start3A_300 = tpu.memref_slice %arg18[%add3A_229, %dma_start3A_299] : memref<10240x128xf32, #tpu.memory_space<vmem_shared>> -> memref<40x128xf32, #tpu.memory_space<vmem_shared>>
      tpu.enqueue_dma source(%dma_start3A_300 : memref<40x128xf32, #tpu.memory_space<vmem_shared>>) target(%arg12 : memref<40x128xf32, #tpu.memory_space<vmem>>) target_semaphore(%run_scoped3A_296 : memref<!tpu.dma_semaphore, #tpu.memory_space<semaphore_mem>>)
      %dma_wait3A_301 = arith.constant 0 : i32
      %dma_wait3A_302 = tpu.memref_slice %arg18[%add3A_229, %dma_wait3A_301] : memref<10240x128xf32, #tpu.memory_space<vmem_shared>> -> memref<40x128xf32, #tpu.memory_space<vmem_shared>>
      %dma_wait3A_303 = arith.constant 0 : i32
      %dma_wait3A_304 = tpu.memref_slice %arg18[%add3A_229, %dma_wait3A_303] : memref<10240x128xf32, #tpu.memory_space<vmem_shared>> -> memref<40x128xf32, #tpu.memory_space<vmem_shared>>
      tpu.wait_dma2 semaphore(%run_scoped3A_296 : memref<!tpu.dma_semaphore, #tpu.memory_space<semaphore_mem>>) src(%dma_wait3A_304 : memref<40x128xf32, #tpu.memory_space<vmem_shared>>) dst(%arg12 : memref<40x128xf32, #tpu.memory_space<vmem>>)
      tpu.yield
    }) : () -> ()
    %run_scoped3A_230 = arith.constant 1 : i32
    "tpu.region"() ({
      %run_scoped3A_296 = tpu.sem_alloc : memref<!tpu.dma_semaphore, #tpu.memory_space<semaphore_mem>>
      %dma_start3A_297 = arith.constant 0 : i32
      %dma_start3A_298 = tpu.memref_slice %arg6[%arg0, %run_scoped3A_230, %add3A_229, %dma_start3A_297] : memref<1x2x10240x128xf32, #tpu.memory_space<hbm>> -> memref<1x1x40x128xf32, #tpu.memory_space<hbm>>
      %dma_start3A_299 = tpu.memref_squeeze %dma_start3A_298 : memref<1x1x40x128xf32, #tpu.memory_space<hbm>> -> memref<40x128xf32, #tpu.memory_space<hbm>>
      %dma_start3A_300 = arith.constant 0 : i32
      %dma_start3A_301 = tpu.memref_slice %arg6[%arg0, %run_scoped3A_230, %add3A_229, %dma_start3A_300] : memref<1x2x10240x128xf32, #tpu.memory_space<hbm>> -> memref<1x1x40x128xf32, #tpu.memory_space<hbm>>
      %dma_start3A_302 = tpu.memref_squeeze %dma_start3A_301 : memref<1x1x40x128xf32, #tpu.memory_space<hbm>> -> memref<40x128xf32, #tpu.memory_space<hbm>>
      tpu.enqueue_dma source(%arg12 : memref<40x128xf32, #tpu.memory_space<vmem>>) target(%dma_start3A_302 : memref<40x128xf32, #tpu.memory_space<hbm>>) target_semaphore(%run_scoped3A_296 : memref<!tpu.dma_semaphore, #tpu.memory_space<semaphore_mem>>)
      %dma_wait3A_303 = arith.constant 0 : i32
      %dma_wait3A_304 = tpu.memref_slice %arg6[%arg0, %run_scoped3A_230, %add3A_229, %dma_wait3A_303] : memref<1x2x10240x128xf32, #tpu.memory_space<hbm>> -> memref<1x1x40x128xf32, #tpu.memory_space<hbm>>
      %dma_wait3A_305 = tpu.memref_squeeze %dma_wait3A_304 : memref<1x1x40x128xf32, #tpu.memory_space<hbm>> -> memref<40x128xf32, #tpu.memory_space<hbm>>
      %dma_wait3A_306 = arith.constant 0 : i32
      %dma_wait3A_307 = tpu.memref_slice %arg6[%arg0, %run_scoped3A_230, %add3A_229, %dma_wait3A_306] : memref<1x2x10240x128xf32, #tpu.memory_space<hbm>> -> memref<1x1x40x128xf32, #tpu.memory_space<hbm>>
      %dma_wait3A_308 = tpu.memref_squeeze %dma_wait3A_307 : memref<1x1x40x128xf32, #tpu.memory_space<hbm>> -> memref<40x128xf32, #tpu.memory_space<hbm>>
      tpu.wait_dma2 semaphore(%run_scoped3A_296 : memref<!tpu.dma_semaphore, #tpu.memory_space<semaphore_mem>>) src(%arg12 : memref<40x128xf32, #tpu.memory_space<vmem>>) dst(%dma_wait3A_308 : memref<40x128xf32, #tpu.memory_space<hbm>>)
      tpu.yield
    }) : () -> ()
    %mul3A_231 = arith.constant 640 : i32
    %mul3A_232 = arith.muli %arg1, %mul3A_231 : i32
    %add3A_233 = arith.constant 120 : i32
    %add3A_234 = arith.addi %mul3A_232, %add3A_233 : i32
    "tpu.region"() ({
      %run_scoped3A_296 = tpu.sem_alloc : memref<!tpu.dma_semaphore, #tpu.memory_space<semaphore_mem>>
      %dma_start3A_297 = arith.constant 0 : i32
      %dma_start3A_298 = tpu.memref_slice %arg18[%add3A_234, %dma_start3A_297] : memref<10240x128xf32, #tpu.memory_space<vmem_shared>> -> memref<40x128xf32, #tpu.memory_space<vmem_shared>>
      %dma_start3A_299 = arith.constant 0 : i32
      %dma_start3A_300 = tpu.memref_slice %arg18[%add3A_234, %dma_start3A_299] : memref<10240x128xf32, #tpu.memory_space<vmem_shared>> -> memref<40x128xf32, #tpu.memory_space<vmem_shared>>
      tpu.enqueue_dma source(%dma_start3A_300 : memref<40x128xf32, #tpu.memory_space<vmem_shared>>) target(%arg12 : memref<40x128xf32, #tpu.memory_space<vmem>>) target_semaphore(%run_scoped3A_296 : memref<!tpu.dma_semaphore, #tpu.memory_space<semaphore_mem>>)
      %dma_wait3A_301 = arith.constant 0 : i32
      %dma_wait3A_302 = tpu.memref_slice %arg18[%add3A_234, %dma_wait3A_301] : memref<10240x128xf32, #tpu.memory_space<vmem_shared>> -> memref<40x128xf32, #tpu.memory_space<vmem_shared>>
      %dma_wait3A_303 = arith.constant 0 : i32
      %dma_wait3A_304 = tpu.memref_slice %arg18[%add3A_234, %dma_wait3A_303] : memref<10240x128xf32, #tpu.memory_space<vmem_shared>> -> memref<40x128xf32, #tpu.memory_space<vmem_shared>>
      tpu.wait_dma2 semaphore(%run_scoped3A_296 : memref<!tpu.dma_semaphore, #tpu.memory_space<semaphore_mem>>) src(%dma_wait3A_304 : memref<40x128xf32, #tpu.memory_space<vmem_shared>>) dst(%arg12 : memref<40x128xf32, #tpu.memory_space<vmem>>)
      tpu.yield
    }) : () -> ()
    %run_scoped3A_235 = arith.constant 1 : i32
    "tpu.region"() ({
      %run_scoped3A_296 = tpu.sem_alloc : memref<!tpu.dma_semaphore, #tpu.memory_space<semaphore_mem>>
      %dma_start3A_297 = arith.constant 0 : i32
      %dma_start3A_298 = tpu.memref_slice %arg6[%arg0, %run_scoped3A_235, %add3A_234, %dma_start3A_297] : memref<1x2x10240x128xf32, #tpu.memory_space<hbm>> -> memref<1x1x40x128xf32, #tpu.memory_space<hbm>>
      %dma_start3A_299 = tpu.memref_squeeze %dma_start3A_298 : memref<1x1x40x128xf32, #tpu.memory_space<hbm>> -> memref<40x128xf32, #tpu.memory_space<hbm>>
      %dma_start3A_300 = arith.constant 0 : i32
      %dma_start3A_301 = tpu.memref_slice %arg6[%arg0, %run_scoped3A_235, %add3A_234, %dma_start3A_300] : memref<1x2x10240x128xf32, #tpu.memory_space<hbm>> -> memref<1x1x40x128xf32, #tpu.memory_space<hbm>>
      %dma_start3A_302 = tpu.memref_squeeze %dma_start3A_301 : memref<1x1x40x128xf32, #tpu.memory_space<hbm>> -> memref<40x128xf32, #tpu.memory_space<hbm>>
      tpu.enqueue_dma source(%arg12 : memref<40x128xf32, #tpu.memory_space<vmem>>) target(%dma_start3A_302 : memref<40x128xf32, #tpu.memory_space<hbm>>) target_semaphore(%run_scoped3A_296 : memref<!tpu.dma_semaphore, #tpu.memory_space<semaphore_mem>>)
      %dma_wait3A_303 = arith.constant 0 : i32
      %dma_wait3A_304 = tpu.memref_slice %arg6[%arg0, %run_scoped3A_235, %add3A_234, %dma_wait3A_303] : memref<1x2x10240x128xf32, #tpu.memory_space<hbm>> -> memref<1x1x40x128xf32, #tpu.memory_space<hbm>>
      %dma_wait3A_305 = tpu.memref_squeeze %dma_wait3A_304 : memref<1x1x40x128xf32, #tpu.memory_space<hbm>> -> memref<40x128xf32, #tpu.memory_space<hbm>>
      %dma_wait3A_306 = arith.constant 0 : i32
      %dma_wait3A_307 = tpu.memref_slice %arg6[%arg0, %run_scoped3A_235, %add3A_234, %dma_wait3A_306] : memref<1x2x10240x128xf32, #tpu.memory_space<hbm>> -> memref<1x1x40x128xf32, #tpu.memory_space<hbm>>
      %dma_wait3A_308 = tpu.memref_squeeze %dma_wait3A_307 : memref<1x1x40x128xf32, #tpu.memory_space<hbm>> -> memref<40x128xf32, #tpu.memory_space<hbm>>
      tpu.wait_dma2 semaphore(%run_scoped3A_296 : memref<!tpu.dma_semaphore, #tpu.memory_space<semaphore_mem>>) src(%arg12 : memref<40x128xf32, #tpu.memory_space<vmem>>) dst(%dma_wait3A_308 : memref<40x128xf32, #tpu.memory_space<hbm>>)
      tpu.yield
    }) : () -> ()
    %mul3A_236 = arith.constant 640 : i32
    %mul3A_237 = arith.muli %arg1, %mul3A_236 : i32
    %add3A_238 = arith.constant 160 : i32
    %add3A_239 = arith.addi %mul3A_237, %add3A_238 : i32
    "tpu.region"() ({
      %run_scoped3A_296 = tpu.sem_alloc : memref<!tpu.dma_semaphore, #tpu.memory_space<semaphore_mem>>
      %dma_start3A_297 = arith.constant 0 : i32
      %dma_start3A_298 = tpu.memref_slice %arg18[%add3A_239, %dma_start3A_297] : memref<10240x128xf32, #tpu.memory_space<vmem_shared>> -> memref<40x128xf32, #tpu.memory_space<vmem_shared>>
      %dma_start3A_299 = arith.constant 0 : i32
      %dma_start3A_300 = tpu.memref_slice %arg18[%add3A_239, %dma_start3A_299] : memref<10240x128xf32, #tpu.memory_space<vmem_shared>> -> memref<40x128xf32, #tpu.memory_space<vmem_shared>>
      tpu.enqueue_dma source(%dma_start3A_300 : memref<40x128xf32, #tpu.memory_space<vmem_shared>>) target(%arg12 : memref<40x128xf32, #tpu.memory_space<vmem>>) target_semaphore(%run_scoped3A_296 : memref<!tpu.dma_semaphore, #tpu.memory_space<semaphore_mem>>)
      %dma_wait3A_301 = arith.constant 0 : i32
      %dma_wait3A_302 = tpu.memref_slice %arg18[%add3A_239, %dma_wait3A_301] : memref<10240x128xf32, #tpu.memory_space<vmem_shared>> -> memref<40x128xf32, #tpu.memory_space<vmem_shared>>
      %dma_wait3A_303 = arith.constant 0 : i32
      %dma_wait3A_304 = tpu.memref_slice %arg18[%add3A_239, %dma_wait3A_303] : memref<10240x128xf32, #tpu.memory_space<vmem_shared>> -> memref<40x128xf32, #tpu.memory_space<vmem_shared>>
      tpu.wait_dma2 semaphore(%run_scoped3A_296 : memref<!tpu.dma_semaphore, #tpu.memory_space<semaphore_mem>>) src(%dma_wait3A_304 : memref<40x128xf32, #tpu.memory_space<vmem_shared>>) dst(%arg12 : memref<40x128xf32, #tpu.memory_space<vmem>>)
      tpu.yield
    }) : () -> ()
    %run_scoped3A_240 = arith.constant 1 : i32
    "tpu.region"() ({
      %run_scoped3A_296 = tpu.sem_alloc : memref<!tpu.dma_semaphore, #tpu.memory_space<semaphore_mem>>
      %dma_start3A_297 = arith.constant 0 : i32
      %dma_start3A_298 = tpu.memref_slice %arg6[%arg0, %run_scoped3A_240, %add3A_239, %dma_start3A_297] : memref<1x2x10240x128xf32, #tpu.memory_space<hbm>> -> memref<1x1x40x128xf32, #tpu.memory_space<hbm>>
      %dma_start3A_299 = tpu.memref_squeeze %dma_start3A_298 : memref<1x1x40x128xf32, #tpu.memory_space<hbm>> -> memref<40x128xf32, #tpu.memory_space<hbm>>
      %dma_start3A_300 = arith.constant 0 : i32
      %dma_start3A_301 = tpu.memref_slice %arg6[%arg0, %run_scoped3A_240, %add3A_239, %dma_start3A_300] : memref<1x2x10240x128xf32, #tpu.memory_space<hbm>> -> memref<1x1x40x128xf32, #tpu.memory_space<hbm>>
      %dma_start3A_302 = tpu.memref_squeeze %dma_start3A_301 : memref<1x1x40x128xf32, #tpu.memory_space<hbm>> -> memref<40x128xf32, #tpu.memory_space<hbm>>
      tpu.enqueue_dma source(%arg12 : memref<40x128xf32, #tpu.memory_space<vmem>>) target(%dma_start3A_302 : memref<40x128xf32, #tpu.memory_space<hbm>>) target_semaphore(%run_scoped3A_296 : memref<!tpu.dma_semaphore, #tpu.memory_space<semaphore_mem>>)
      %dma_wait3A_303 = arith.constant 0 : i32
      %dma_wait3A_304 = tpu.memref_slice %arg6[%arg0, %run_scoped3A_240, %add3A_239, %dma_wait3A_303] : memref<1x2x10240x128xf32, #tpu.memory_space<hbm>> -> memref<1x1x40x128xf32, #tpu.memory_space<hbm>>
      %dma_wait3A_305 = tpu.memref_squeeze %dma_wait3A_304 : memref<1x1x40x128xf32, #tpu.memory_space<hbm>> -> memref<40x128xf32, #tpu.memory_space<hbm>>
      %dma_wait3A_306 = arith.constant 0 : i32
      %dma_wait3A_307 = tpu.memref_slice %arg6[%arg0, %run_scoped3A_240, %add3A_239, %dma_wait3A_306] : memref<1x2x10240x128xf32, #tpu.memory_space<hbm>> -> memref<1x1x40x128xf32, #tpu.memory_space<hbm>>
      %dma_wait3A_308 = tpu.memref_squeeze %dma_wait3A_307 : memref<1x1x40x128xf32, #tpu.memory_space<hbm>> -> memref<40x128xf32, #tpu.memory_space<hbm>>
      tpu.wait_dma2 semaphore(%run_scoped3A_296 : memref<!tpu.dma_semaphore, #tpu.memory_space<semaphore_mem>>) src(%arg12 : memref<40x128xf32, #tpu.memory_space<vmem>>) dst(%dma_wait3A_308 : memref<40x128xf32, #tpu.memory_space<hbm>>)
      tpu.yield
    }) : () -> ()
    %mul3A_241 = arith.constant 640 : i32
    %mul3A_242 = arith.muli %arg1, %mul3A_241 : i32
    %add3A_243 = arith.constant 200 : i32
    %add3A_244 = arith.addi %mul3A_242, %add3A_243 : i32
    "tpu.region"() ({
      %run_scoped3A_296 = tpu.sem_alloc : memref<!tpu.dma_semaphore, #tpu.memory_space<semaphore_mem>>
      %dma_start3A_297 = arith.constant 0 : i32
      %dma_start3A_298 = tpu.memref_slice %arg18[%add3A_244, %dma_start3A_297] : memref<10240x128xf32, #tpu.memory_space<vmem_shared>> -> memref<40x128xf32, #tpu.memory_space<vmem_shared>>
      %dma_start3A_299 = arith.constant 0 : i32
      %dma_start3A_300 = tpu.memref_slice %arg18[%add3A_244, %dma_start3A_299] : memref<10240x128xf32, #tpu.memory_space<vmem_shared>> -> memref<40x128xf32, #tpu.memory_space<vmem_shared>>
      tpu.enqueue_dma source(%dma_start3A_300 : memref<40x128xf32, #tpu.memory_space<vmem_shared>>) target(%arg12 : memref<40x128xf32, #tpu.memory_space<vmem>>) target_semaphore(%run_scoped3A_296 : memref<!tpu.dma_semaphore, #tpu.memory_space<semaphore_mem>>)
      %dma_wait3A_301 = arith.constant 0 : i32
      %dma_wait3A_302 = tpu.memref_slice %arg18[%add3A_244, %dma_wait3A_301] : memref<10240x128xf32, #tpu.memory_space<vmem_shared>> -> memref<40x128xf32, #tpu.memory_space<vmem_shared>>
      %dma_wait3A_303 = arith.constant 0 : i32
      %dma_wait3A_304 = tpu.memref_slice %arg18[%add3A_244, %dma_wait3A_303] : memref<10240x128xf32, #tpu.memory_space<vmem_shared>> -> memref<40x128xf32, #tpu.memory_space<vmem_shared>>
      tpu.wait_dma2 semaphore(%run_scoped3A_296 : memref<!tpu.dma_semaphore, #tpu.memory_space<semaphore_mem>>) src(%dma_wait3A_304 : memref<40x128xf32, #tpu.memory_space<vmem_shared>>) dst(%arg12 : memref<40x128xf32, #tpu.memory_space<vmem>>)
      tpu.yield
    }) : () -> ()
    %run_scoped3A_245 = arith.constant 1 : i32
    "tpu.region"() ({
      %run_scoped3A_296 = tpu.sem_alloc : memref<!tpu.dma_semaphore, #tpu.memory_space<semaphore_mem>>
      %dma_start3A_297 = arith.constant 0 : i32
      %dma_start3A_298 = tpu.memref_slice %arg6[%arg0, %run_scoped3A_245, %add3A_244, %dma_start3A_297] : memref<1x2x10240x128xf32, #tpu.memory_space<hbm>> -> memref<1x1x40x128xf32, #tpu.memory_space<hbm>>
      %dma_start3A_299 = tpu.memref_squeeze %dma_start3A_298 : memref<1x1x40x128xf32, #tpu.memory_space<hbm>> -> memref<40x128xf32, #tpu.memory_space<hbm>>
      %dma_start3A_300 = arith.constant 0 : i32
      %dma_start3A_301 = tpu.memref_slice %arg6[%arg0, %run_scoped3A_245, %add3A_244, %dma_start3A_300] : memref<1x2x10240x128xf32, #tpu.memory_space<hbm>> -> memref<1x1x40x128xf32, #tpu.memory_space<hbm>>
      %dma_start3A_302 = tpu.memref_squeeze %dma_start3A_301 : memref<1x1x40x128xf32, #tpu.memory_space<hbm>> -> memref<40x128xf32, #tpu.memory_space<hbm>>
      tpu.enqueue_dma source(%arg12 : memref<40x128xf32, #tpu.memory_space<vmem>>) target(%dma_start3A_302 : memref<40x128xf32, #tpu.memory_space<hbm>>) target_semaphore(%run_scoped3A_296 : memref<!tpu.dma_semaphore, #tpu.memory_space<semaphore_mem>>)
      %dma_wait3A_303 = arith.constant 0 : i32
      %dma_wait3A_304 = tpu.memref_slice %arg6[%arg0, %run_scoped3A_245, %add3A_244, %dma_wait3A_303] : memref<1x2x10240x128xf32, #tpu.memory_space<hbm>> -> memref<1x1x40x128xf32, #tpu.memory_space<hbm>>
      %dma_wait3A_305 = tpu.memref_squeeze %dma_wait3A_304 : memref<1x1x40x128xf32, #tpu.memory_space<hbm>> -> memref<40x128xf32, #tpu.memory_space<hbm>>
      %dma_wait3A_306 = arith.constant 0 : i32
      %dma_wait3A_307 = tpu.memref_slice %arg6[%arg0, %run_scoped3A_245, %add3A_244, %dma_wait3A_306] : memref<1x2x10240x128xf32, #tpu.memory_space<hbm>> -> memref<1x1x40x128xf32, #tpu.memory_space<hbm>>
      %dma_wait3A_308 = tpu.memref_squeeze %dma_wait3A_307 : memref<1x1x40x128xf32, #tpu.memory_space<hbm>> -> memref<40x128xf32, #tpu.memory_space<hbm>>
      tpu.wait_dma2 semaphore(%run_scoped3A_296 : memref<!tpu.dma_semaphore, #tpu.memory_space<semaphore_mem>>) src(%arg12 : memref<40x128xf32, #tpu.memory_space<vmem>>) dst(%dma_wait3A_308 : memref<40x128xf32, #tpu.memory_space<hbm>>)
      tpu.yield
    }) : () -> ()
    %mul3A_246 = arith.constant 640 : i32
    %mul3A_247 = arith.muli %arg1, %mul3A_246 : i32
    %add3A_248 = arith.constant 240 : i32
    %add3A_249 = arith.addi %mul3A_247, %add3A_248 : i32
    "tpu.region"() ({
      %run_scoped3A_296 = tpu.sem_alloc : memref<!tpu.dma_semaphore, #tpu.memory_space<semaphore_mem>>
      %dma_start3A_297 = arith.constant 0 : i32
      %dma_start3A_298 = tpu.memref_slice %arg18[%add3A_249, %dma_start3A_297] : memref<10240x128xf32, #tpu.memory_space<vmem_shared>> -> memref<40x128xf32, #tpu.memory_space<vmem_shared>>
      %dma_start3A_299 = arith.constant 0 : i32
      %dma_start3A_300 = tpu.memref_slice %arg18[%add3A_249, %dma_start3A_299] : memref<10240x128xf32, #tpu.memory_space<vmem_shared>> -> memref<40x128xf32, #tpu.memory_space<vmem_shared>>
      tpu.enqueue_dma source(%dma_start3A_300 : memref<40x128xf32, #tpu.memory_space<vmem_shared>>) target(%arg12 : memref<40x128xf32, #tpu.memory_space<vmem>>) target_semaphore(%run_scoped3A_296 : memref<!tpu.dma_semaphore, #tpu.memory_space<semaphore_mem>>)
      %dma_wait3A_301 = arith.constant 0 : i32
      %dma_wait3A_302 = tpu.memref_slice %arg18[%add3A_249, %dma_wait3A_301] : memref<10240x128xf32, #tpu.memory_space<vmem_shared>> -> memref<40x128xf32, #tpu.memory_space<vmem_shared>>
      %dma_wait3A_303 = arith.constant 0 : i32
      %dma_wait3A_304 = tpu.memref_slice %arg18[%add3A_249, %dma_wait3A_303] : memref<10240x128xf32, #tpu.memory_space<vmem_shared>> -> memref<40x128xf32, #tpu.memory_space<vmem_shared>>
      tpu.wait_dma2 semaphore(%run_scoped3A_296 : memref<!tpu.dma_semaphore, #tpu.memory_space<semaphore_mem>>) src(%dma_wait3A_304 : memref<40x128xf32, #tpu.memory_space<vmem_shared>>) dst(%arg12 : memref<40x128xf32, #tpu.memory_space<vmem>>)
      tpu.yield
    }) : () -> ()
    %run_scoped3A_250 = arith.constant 1 : i32
    "tpu.region"() ({
      %run_scoped3A_296 = tpu.sem_alloc : memref<!tpu.dma_semaphore, #tpu.memory_space<semaphore_mem>>
      %dma_start3A_297 = arith.constant 0 : i32
      %dma_start3A_298 = tpu.memref_slice %arg6[%arg0, %run_scoped3A_250, %add3A_249, %dma_start3A_297] : memref<1x2x10240x128xf32, #tpu.memory_space<hbm>> -> memref<1x1x40x128xf32, #tpu.memory_space<hbm>>
      %dma_start3A_299 = tpu.memref_squeeze %dma_start3A_298 : memref<1x1x40x128xf32, #tpu.memory_space<hbm>> -> memref<40x128xf32, #tpu.memory_space<hbm>>
      %dma_start3A_300 = arith.constant 0 : i32
      %dma_start3A_301 = tpu.memref_slice %arg6[%arg0, %run_scoped3A_250, %add3A_249, %dma_start3A_300] : memref<1x2x10240x128xf32, #tpu.memory_space<hbm>> -> memref<1x1x40x128xf32, #tpu.memory_space<hbm>>
      %dma_start3A_302 = tpu.memref_squeeze %dma_start3A_301 : memref<1x1x40x128xf32, #tpu.memory_space<hbm>> -> memref<40x128xf32, #tpu.memory_space<hbm>>
      tpu.enqueue_dma source(%arg12 : memref<40x128xf32, #tpu.memory_space<vmem>>) target(%dma_start3A_302 : memref<40x128xf32, #tpu.memory_space<hbm>>) target_semaphore(%run_scoped3A_296 : memref<!tpu.dma_semaphore, #tpu.memory_space<semaphore_mem>>)
      %dma_wait3A_303 = arith.constant 0 : i32
      %dma_wait3A_304 = tpu.memref_slice %arg6[%arg0, %run_scoped3A_250, %add3A_249, %dma_wait3A_303] : memref<1x2x10240x128xf32, #tpu.memory_space<hbm>> -> memref<1x1x40x128xf32, #tpu.memory_space<hbm>>
      %dma_wait3A_305 = tpu.memref_squeeze %dma_wait3A_304 : memref<1x1x40x128xf32, #tpu.memory_space<hbm>> -> memref<40x128xf32, #tpu.memory_space<hbm>>
      %dma_wait3A_306 = arith.constant 0 : i32
      %dma_wait3A_307 = tpu.memref_slice %arg6[%arg0, %run_scoped3A_250, %add3A_249, %dma_wait3A_306] : memref<1x2x10240x128xf32, #tpu.memory_space<hbm>> -> memref<1x1x40x128xf32, #tpu.memory_space<hbm>>
      %dma_wait3A_308 = tpu.memref_squeeze %dma_wait3A_307 : memref<1x1x40x128xf32, #tpu.memory_space<hbm>> -> memref<40x128xf32, #tpu.memory_space<hbm>>
      tpu.wait_dma2 semaphore(%run_scoped3A_296 : memref<!tpu.dma_semaphore, #tpu.memory_space<semaphore_mem>>) src(%arg12 : memref<40x128xf32, #tpu.memory_space<vmem>>) dst(%dma_wait3A_308 : memref<40x128xf32, #tpu.memory_space<hbm>>)
      tpu.yield
    }) : () -> ()
    %mul3A_251 = arith.constant 640 : i32
    %mul3A_252 = arith.muli %arg1, %mul3A_251 : i32
    %add3A_253 = arith.constant 280 : i32
    %add3A_254 = arith.addi %mul3A_252, %add3A_253 : i32
    "tpu.region"() ({
      %run_scoped3A_296 = tpu.sem_alloc : memref<!tpu.dma_semaphore, #tpu.memory_space<semaphore_mem>>
      %dma_start3A_297 = arith.constant 0 : i32
      %dma_start3A_298 = tpu.memref_slice %arg18[%add3A_254, %dma_start3A_297] : memref<10240x128xf32, #tpu.memory_space<vmem_shared>> -> memref<40x128xf32, #tpu.memory_space<vmem_shared>>
      %dma_start3A_299 = arith.constant 0 : i32
      %dma_start3A_300 = tpu.memref_slice %arg18[%add3A_254, %dma_start3A_299] : memref<10240x128xf32, #tpu.memory_space<vmem_shared>> -> memref<40x128xf32, #tpu.memory_space<vmem_shared>>
      tpu.enqueue_dma source(%dma_start3A_300 : memref<40x128xf32, #tpu.memory_space<vmem_shared>>) target(%arg12 : memref<40x128xf32, #tpu.memory_space<vmem>>) target_semaphore(%run_scoped3A_296 : memref<!tpu.dma_semaphore, #tpu.memory_space<semaphore_mem>>)
      %dma_wait3A_301 = arith.constant 0 : i32
      %dma_wait3A_302 = tpu.memref_slice %arg18[%add3A_254, %dma_wait3A_301] : memref<10240x128xf32, #tpu.memory_space<vmem_shared>> -> memref<40x128xf32, #tpu.memory_space<vmem_shared>>
      %dma_wait3A_303 = arith.constant 0 : i32
      %dma_wait3A_304 = tpu.memref_slice %arg18[%add3A_254, %dma_wait3A_303] : memref<10240x128xf32, #tpu.memory_space<vmem_shared>> -> memref<40x128xf32, #tpu.memory_space<vmem_shared>>
      tpu.wait_dma2 semaphore(%run_scoped3A_296 : memref<!tpu.dma_semaphore, #tpu.memory_space<semaphore_mem>>) src(%dma_wait3A_304 : memref<40x128xf32, #tpu.memory_space<vmem_shared>>) dst(%arg12 : memref<40x128xf32, #tpu.memory_space<vmem>>)
      tpu.yield
    }) : () -> ()
    %run_scoped3A_255 = arith.constant 1 : i32
    "tpu.region"() ({
      %run_scoped3A_296 = tpu.sem_alloc : memref<!tpu.dma_semaphore, #tpu.memory_space<semaphore_mem>>
      %dma_start3A_297 = arith.constant 0 : i32
      %dma_start3A_298 = tpu.memref_slice %arg6[%arg0, %run_scoped3A_255, %add3A_254, %dma_start3A_297] : memref<1x2x10240x128xf32, #tpu.memory_space<hbm>> -> memref<1x1x40x128xf32, #tpu.memory_space<hbm>>
      %dma_start3A_299 = tpu.memref_squeeze %dma_start3A_298 : memref<1x1x40x128xf32, #tpu.memory_space<hbm>> -> memref<40x128xf32, #tpu.memory_space<hbm>>
      %dma_start3A_300 = arith.constant 0 : i32
      %dma_start3A_301 = tpu.memref_slice %arg6[%arg0, %run_scoped3A_255, %add3A_254, %dma_start3A_300] : memref<1x2x10240x128xf32, #tpu.memory_space<hbm>> -> memref<1x1x40x128xf32, #tpu.memory_space<hbm>>
      %dma_start3A_302 = tpu.memref_squeeze %dma_start3A_301 : memref<1x1x40x128xf32, #tpu.memory_space<hbm>> -> memref<40x128xf32, #tpu.memory_space<hbm>>
      tpu.enqueue_dma source(%arg12 : memref<40x128xf32, #tpu.memory_space<vmem>>) target(%dma_start3A_302 : memref<40x128xf32, #tpu.memory_space<hbm>>) target_semaphore(%run_scoped3A_296 : memref<!tpu.dma_semaphore, #tpu.memory_space<semaphore_mem>>)
      %dma_wait3A_303 = arith.constant 0 : i32
      %dma_wait3A_304 = tpu.memref_slice %arg6[%arg0, %run_scoped3A_255, %add3A_254, %dma_wait3A_303] : memref<1x2x10240x128xf32, #tpu.memory_space<hbm>> -> memref<1x1x40x128xf32, #tpu.memory_space<hbm>>
      %dma_wait3A_305 = tpu.memref_squeeze %dma_wait3A_304 : memref<1x1x40x128xf32, #tpu.memory_space<hbm>> -> memref<40x128xf32, #tpu.memory_space<hbm>>
      %dma_wait3A_306 = arith.constant 0 : i32
      %dma_wait3A_307 = tpu.memref_slice %arg6[%arg0, %run_scoped3A_255, %add3A_254, %dma_wait3A_306] : memref<1x2x10240x128xf32, #tpu.memory_space<hbm>> -> memref<1x1x40x128xf32, #tpu.memory_space<hbm>>
      %dma_wait3A_308 = tpu.memref_squeeze %dma_wait3A_307 : memref<1x1x40x128xf32, #tpu.memory_space<hbm>> -> memref<40x128xf32, #tpu.memory_space<hbm>>
      tpu.wait_dma2 semaphore(%run_scoped3A_296 : memref<!tpu.dma_semaphore, #tpu.memory_space<semaphore_mem>>) src(%arg12 : memref<40x128xf32, #tpu.memory_space<vmem>>) dst(%dma_wait3A_308 : memref<40x128xf32, #tpu.memory_space<hbm>>)
      tpu.yield
    }) : () -> ()
    %mul3A_256 = arith.constant 640 : i32
    %mul3A_257 = arith.muli %arg1, %mul3A_256 : i32
    %add3A_258 = arith.constant 320 : i32
    %add3A_259 = arith.addi %mul3A_257, %add3A_258 : i32
    "tpu.region"() ({
      %run_scoped3A_296 = tpu.sem_alloc : memref<!tpu.dma_semaphore, #tpu.memory_space<semaphore_mem>>
      %dma_start3A_297 = arith.constant 0 : i32
      %dma_start3A_298 = tpu.memref_slice %arg18[%add3A_259, %dma_start3A_297] : memref<10240x128xf32, #tpu.memory_space<vmem_shared>> -> memref<40x128xf32, #tpu.memory_space<vmem_shared>>
      %dma_start3A_299 = arith.constant 0 : i32
      %dma_start3A_300 = tpu.memref_slice %arg18[%add3A_259, %dma_start3A_299] : memref<10240x128xf32, #tpu.memory_space<vmem_shared>> -> memref<40x128xf32, #tpu.memory_space<vmem_shared>>
      tpu.enqueue_dma source(%dma_start3A_300 : memref<40x128xf32, #tpu.memory_space<vmem_shared>>) target(%arg12 : memref<40x128xf32, #tpu.memory_space<vmem>>) target_semaphore(%run_scoped3A_296 : memref<!tpu.dma_semaphore, #tpu.memory_space<semaphore_mem>>)
      %dma_wait3A_301 = arith.constant 0 : i32
      %dma_wait3A_302 = tpu.memref_slice %arg18[%add3A_259, %dma_wait3A_301] : memref<10240x128xf32, #tpu.memory_space<vmem_shared>> -> memref<40x128xf32, #tpu.memory_space<vmem_shared>>
      %dma_wait3A_303 = arith.constant 0 : i32
      %dma_wait3A_304 = tpu.memref_slice %arg18[%add3A_259, %dma_wait3A_303] : memref<10240x128xf32, #tpu.memory_space<vmem_shared>> -> memref<40x128xf32, #tpu.memory_space<vmem_shared>>
      tpu.wait_dma2 semaphore(%run_scoped3A_296 : memref<!tpu.dma_semaphore, #tpu.memory_space<semaphore_mem>>) src(%dma_wait3A_304 : memref<40x128xf32, #tpu.memory_space<vmem_shared>>) dst(%arg12 : memref<40x128xf32, #tpu.memory_space<vmem>>)
      tpu.yield
    }) : () -> ()
    %run_scoped3A_260 = arith.constant 1 : i32
    "tpu.region"() ({
      %run_scoped3A_296 = tpu.sem_alloc : memref<!tpu.dma_semaphore, #tpu.memory_space<semaphore_mem>>
      %dma_start3A_297 = arith.constant 0 : i32
      %dma_start3A_298 = tpu.memref_slice %arg6[%arg0, %run_scoped3A_260, %add3A_259, %dma_start3A_297] : memref<1x2x10240x128xf32, #tpu.memory_space<hbm>> -> memref<1x1x40x128xf32, #tpu.memory_space<hbm>>
      %dma_start3A_299 = tpu.memref_squeeze %dma_start3A_298 : memref<1x1x40x128xf32, #tpu.memory_space<hbm>> -> memref<40x128xf32, #tpu.memory_space<hbm>>
      %dma_start3A_300 = arith.constant 0 : i32
      %dma_start3A_301 = tpu.memref_slice %arg6[%arg0, %run_scoped3A_260, %add3A_259, %dma_start3A_300] : memref<1x2x10240x128xf32, #tpu.memory_space<hbm>> -> memref<1x1x40x128xf32, #tpu.memory_space<hbm>>
      %dma_start3A_302 = tpu.memref_squeeze %dma_start3A_301 : memref<1x1x40x128xf32, #tpu.memory_space<hbm>> -> memref<40x128xf32, #tpu.memory_space<hbm>>
      tpu.enqueue_dma source(%arg12 : memref<40x128xf32, #tpu.memory_space<vmem>>) target(%dma_start3A_302 : memref<40x128xf32, #tpu.memory_space<hbm>>) target_semaphore(%run_scoped3A_296 : memref<!tpu.dma_semaphore, #tpu.memory_space<semaphore_mem>>)
      %dma_wait3A_303 = arith.constant 0 : i32
      %dma_wait3A_304 = tpu.memref_slice %arg6[%arg0, %run_scoped3A_260, %add3A_259, %dma_wait3A_303] : memref<1x2x10240x128xf32, #tpu.memory_space<hbm>> -> memref<1x1x40x128xf32, #tpu.memory_space<hbm>>
      %dma_wait3A_305 = tpu.memref_squeeze %dma_wait3A_304 : memref<1x1x40x128xf32, #tpu.memory_space<hbm>> -> memref<40x128xf32, #tpu.memory_space<hbm>>
      %dma_wait3A_306 = arith.constant 0 : i32
      %dma_wait3A_307 = tpu.memref_slice %arg6[%arg0, %run_scoped3A_260, %add3A_259, %dma_wait3A_306] : memref<1x2x10240x128xf32, #tpu.memory_space<hbm>> -> memref<1x1x40x128xf32, #tpu.memory_space<hbm>>
      %dma_wait3A_308 = tpu.memref_squeeze %dma_wait3A_307 : memref<1x1x40x128xf32, #tpu.memory_space<hbm>> -> memref<40x128xf32, #tpu.memory_space<hbm>>
      tpu.wait_dma2 semaphore(%run_scoped3A_296 : memref<!tpu.dma_semaphore, #tpu.memory_space<semaphore_mem>>) src(%arg12 : memref<40x128xf32, #tpu.memory_space<vmem>>) dst(%dma_wait3A_308 : memref<40x128xf32, #tpu.memory_space<hbm>>)
      tpu.yield
    }) : () -> ()
    %mul3A_261 = arith.constant 640 : i32
    %mul3A_262 = arith.muli %arg1, %mul3A_261 : i32
    %add3A_263 = arith.constant 360 : i32
    %add3A_264 = arith.addi %mul3A_262, %add3A_263 : i32
    "tpu.region"() ({
      %run_scoped3A_296 = tpu.sem_alloc : memref<!tpu.dma_semaphore, #tpu.memory_space<semaphore_mem>>
      %dma_start3A_297 = arith.constant 0 : i32
      %dma_start3A_298 = tpu.memref_slice %arg18[%add3A_264, %dma_start3A_297] : memref<10240x128xf32, #tpu.memory_space<vmem_shared>> -> memref<40x128xf32, #tpu.memory_space<vmem_shared>>
      %dma_start3A_299 = arith.constant 0 : i32
      %dma_start3A_300 = tpu.memref_slice %arg18[%add3A_264, %dma_start3A_299] : memref<10240x128xf32, #tpu.memory_space<vmem_shared>> -> memref<40x128xf32, #tpu.memory_space<vmem_shared>>
      tpu.enqueue_dma source(%dma_start3A_300 : memref<40x128xf32, #tpu.memory_space<vmem_shared>>) target(%arg12 : memref<40x128xf32, #tpu.memory_space<vmem>>) target_semaphore(%run_scoped3A_296 : memref<!tpu.dma_semaphore, #tpu.memory_space<semaphore_mem>>)
      %dma_wait3A_301 = arith.constant 0 : i32
      %dma_wait3A_302 = tpu.memref_slice %arg18[%add3A_264, %dma_wait3A_301] : memref<10240x128xf32, #tpu.memory_space<vmem_shared>> -> memref<40x128xf32, #tpu.memory_space<vmem_shared>>
      %dma_wait3A_303 = arith.constant 0 : i32
      %dma_wait3A_304 = tpu.memref_slice %arg18[%add3A_264, %dma_wait3A_303] : memref<10240x128xf32, #tpu.memory_space<vmem_shared>> -> memref<40x128xf32, #tpu.memory_space<vmem_shared>>
      tpu.wait_dma2 semaphore(%run_scoped3A_296 : memref<!tpu.dma_semaphore, #tpu.memory_space<semaphore_mem>>) src(%dma_wait3A_304 : memref<40x128xf32, #tpu.memory_space<vmem_shared>>) dst(%arg12 : memref<40x128xf32, #tpu.memory_space<vmem>>)
      tpu.yield
    }) : () -> ()
    %run_scoped3A_265 = arith.constant 1 : i32
    "tpu.region"() ({
      %run_scoped3A_296 = tpu.sem_alloc : memref<!tpu.dma_semaphore, #tpu.memory_space<semaphore_mem>>
      %dma_start3A_297 = arith.constant 0 : i32
      %dma_start3A_298 = tpu.memref_slice %arg6[%arg0, %run_scoped3A_265, %add3A_264, %dma_start3A_297] : memref<1x2x10240x128xf32, #tpu.memory_space<hbm>> -> memref<1x1x40x128xf32, #tpu.memory_space<hbm>>
      %dma_start3A_299 = tpu.memref_squeeze %dma_start3A_298 : memref<1x1x40x128xf32, #tpu.memory_space<hbm>> -> memref<40x128xf32, #tpu.memory_space<hbm>>
      %dma_start3A_300 = arith.constant 0 : i32
      %dma_start3A_301 = tpu.memref_slice %arg6[%arg0, %run_scoped3A_265, %add3A_264, %dma_start3A_300] : memref<1x2x10240x128xf32, #tpu.memory_space<hbm>> -> memref<1x1x40x128xf32, #tpu.memory_space<hbm>>
      %dma_start3A_302 = tpu.memref_squeeze %dma_start3A_301 : memref<1x1x40x128xf32, #tpu.memory_space<hbm>> -> memref<40x128xf32, #tpu.memory_space<hbm>>
      tpu.enqueue_dma source(%arg12 : memref<40x128xf32, #tpu.memory_space<vmem>>) target(%dma_start3A_302 : memref<40x128xf32, #tpu.memory_space<hbm>>) target_semaphore(%run_scoped3A_296 : memref<!tpu.dma_semaphore, #tpu.memory_space<semaphore_mem>>)
      %dma_wait3A_303 = arith.constant 0 : i32
      %dma_wait3A_304 = tpu.memref_slice %arg6[%arg0, %run_scoped3A_265, %add3A_264, %dma_wait3A_303] : memref<1x2x10240x128xf32, #tpu.memory_space<hbm>> -> memref<1x1x40x128xf32, #tpu.memory_space<hbm>>
      %dma_wait3A_305 = tpu.memref_squeeze %dma_wait3A_304 : memref<1x1x40x128xf32, #tpu.memory_space<hbm>> -> memref<40x128xf32, #tpu.memory_space<hbm>>
      %dma_wait3A_306 = arith.constant 0 : i32
      %dma_wait3A_307 = tpu.memref_slice %arg6[%arg0, %run_scoped3A_265, %add3A_264, %dma_wait3A_306] : memref<1x2x10240x128xf32, #tpu.memory_space<hbm>> -> memref<1x1x40x128xf32, #tpu.memory_space<hbm>>
      %dma_wait3A_308 = tpu.memref_squeeze %dma_wait3A_307 : memref<1x1x40x128xf32, #tpu.memory_space<hbm>> -> memref<40x128xf32, #tpu.memory_space<hbm>>
      tpu.wait_dma2 semaphore(%run_scoped3A_296 : memref<!tpu.dma_semaphore, #tpu.memory_space<semaphore_mem>>) src(%arg12 : memref<40x128xf32, #tpu.memory_space<vmem>>) dst(%dma_wait3A_308 : memref<40x128xf32, #tpu.memory_space<hbm>>)
      tpu.yield
    }) : () -> ()
    %mul3A_266 = arith.constant 640 : i32
    %mul3A_267 = arith.muli %arg1, %mul3A_266 : i32
    %add3A_268 = arith.constant 400 : i32
    %add3A_269 = arith.addi %mul3A_267, %add3A_268 : i32
    "tpu.region"() ({
      %run_scoped3A_296 = tpu.sem_alloc : memref<!tpu.dma_semaphore, #tpu.memory_space<semaphore_mem>>
      %dma_start3A_297 = arith.constant 0 : i32
      %dma_start3A_298 = tpu.memref_slice %arg18[%add3A_269, %dma_start3A_297] : memref<10240x128xf32, #tpu.memory_space<vmem_shared>> -> memref<40x128xf32, #tpu.memory_space<vmem_shared>>
      %dma_start3A_299 = arith.constant 0 : i32
      %dma_start3A_300 = tpu.memref_slice %arg18[%add3A_269, %dma_start3A_299] : memref<10240x128xf32, #tpu.memory_space<vmem_shared>> -> memref<40x128xf32, #tpu.memory_space<vmem_shared>>
      tpu.enqueue_dma source(%dma_start3A_300 : memref<40x128xf32, #tpu.memory_space<vmem_shared>>) target(%arg12 : memref<40x128xf32, #tpu.memory_space<vmem>>) target_semaphore(%run_scoped3A_296 : memref<!tpu.dma_semaphore, #tpu.memory_space<semaphore_mem>>)
      %dma_wait3A_301 = arith.constant 0 : i32
      %dma_wait3A_302 = tpu.memref_slice %arg18[%add3A_269, %dma_wait3A_301] : memref<10240x128xf32, #tpu.memory_space<vmem_shared>> -> memref<40x128xf32, #tpu.memory_space<vmem_shared>>
      %dma_wait3A_303 = arith.constant 0 : i32
      %dma_wait3A_304 = tpu.memref_slice %arg18[%add3A_269, %dma_wait3A_303] : memref<10240x128xf32, #tpu.memory_space<vmem_shared>> -> memref<40x128xf32, #tpu.memory_space<vmem_shared>>
      tpu.wait_dma2 semaphore(%run_scoped3A_296 : memref<!tpu.dma_semaphore, #tpu.memory_space<semaphore_mem>>) src(%dma_wait3A_304 : memref<40x128xf32, #tpu.memory_space<vmem_shared>>) dst(%arg12 : memref<40x128xf32, #tpu.memory_space<vmem>>)
      tpu.yield
    }) : () -> ()
    %run_scoped3A_270 = arith.constant 1 : i32
    "tpu.region"() ({
      %run_scoped3A_296 = tpu.sem_alloc : memref<!tpu.dma_semaphore, #tpu.memory_space<semaphore_mem>>
      %dma_start3A_297 = arith.constant 0 : i32
      %dma_start3A_298 = tpu.memref_slice %arg6[%arg0, %run_scoped3A_270, %add3A_269, %dma_start3A_297] : memref<1x2x10240x128xf32, #tpu.memory_space<hbm>> -> memref<1x1x40x128xf32, #tpu.memory_space<hbm>>
      %dma_start3A_299 = tpu.memref_squeeze %dma_start3A_298 : memref<1x1x40x128xf32, #tpu.memory_space<hbm>> -> memref<40x128xf32, #tpu.memory_space<hbm>>
      %dma_start3A_300 = arith.constant 0 : i32
      %dma_start3A_301 = tpu.memref_slice %arg6[%arg0, %run_scoped3A_270, %add3A_269, %dma_start3A_300] : memref<1x2x10240x128xf32, #tpu.memory_space<hbm>> -> memref<1x1x40x128xf32, #tpu.memory_space<hbm>>
      %dma_start3A_302 = tpu.memref_squeeze %dma_start3A_301 : memref<1x1x40x128xf32, #tpu.memory_space<hbm>> -> memref<40x128xf32, #tpu.memory_space<hbm>>
      tpu.enqueue_dma source(%arg12 : memref<40x128xf32, #tpu.memory_space<vmem>>) target(%dma_start3A_302 : memref<40x128xf32, #tpu.memory_space<hbm>>) target_semaphore(%run_scoped3A_296 : memref<!tpu.dma_semaphore, #tpu.memory_space<semaphore_mem>>)
      %dma_wait3A_303 = arith.constant 0 : i32
      %dma_wait3A_304 = tpu.memref_slice %arg6[%arg0, %run_scoped3A_270, %add3A_269, %dma_wait3A_303] : memref<1x2x10240x128xf32, #tpu.memory_space<hbm>> -> memref<1x1x40x128xf32, #tpu.memory_space<hbm>>
      %dma_wait3A_305 = tpu.memref_squeeze %dma_wait3A_304 : memref<1x1x40x128xf32, #tpu.memory_space<hbm>> -> memref<40x128xf32, #tpu.memory_space<hbm>>
      %dma_wait3A_306 = arith.constant 0 : i32
      %dma_wait3A_307 = tpu.memref_slice %arg6[%arg0, %run_scoped3A_270, %add3A_269, %dma_wait3A_306] : memref<1x2x10240x128xf32, #tpu.memory_space<hbm>> -> memref<1x1x40x128xf32, #tpu.memory_space<hbm>>
      %dma_wait3A_308 = tpu.memref_squeeze %dma_wait3A_307 : memref<1x1x40x128xf32, #tpu.memory_space<hbm>> -> memref<40x128xf32, #tpu.memory_space<hbm>>
      tpu.wait_dma2 semaphore(%run_scoped3A_296 : memref<!tpu.dma_semaphore, #tpu.memory_space<semaphore_mem>>) src(%arg12 : memref<40x128xf32, #tpu.memory_space<vmem>>) dst(%dma_wait3A_308 : memref<40x128xf32, #tpu.memory_space<hbm>>)
      tpu.yield
    }) : () -> ()
    %mul3A_271 = arith.constant 640 : i32
    %mul3A_272 = arith.muli %arg1, %mul3A_271 : i32
    %add3A_273 = arith.constant 440 : i32
    %add3A_274 = arith.addi %mul3A_272, %add3A_273 : i32
    "tpu.region"() ({
      %run_scoped3A_296 = tpu.sem_alloc : memref<!tpu.dma_semaphore, #tpu.memory_space<semaphore_mem>>
      %dma_start3A_297 = arith.constant 0 : i32
      %dma_start3A_298 = tpu.memref_slice %arg18[%add3A_274, %dma_start3A_297] : memref<10240x128xf32, #tpu.memory_space<vmem_shared>> -> memref<40x128xf32, #tpu.memory_space<vmem_shared>>
      %dma_start3A_299 = arith.constant 0 : i32
      %dma_start3A_300 = tpu.memref_slice %arg18[%add3A_274, %dma_start3A_299] : memref<10240x128xf32, #tpu.memory_space<vmem_shared>> -> memref<40x128xf32, #tpu.memory_space<vmem_shared>>
      tpu.enqueue_dma source(%dma_start3A_300 : memref<40x128xf32, #tpu.memory_space<vmem_shared>>) target(%arg12 : memref<40x128xf32, #tpu.memory_space<vmem>>) target_semaphore(%run_scoped3A_296 : memref<!tpu.dma_semaphore, #tpu.memory_space<semaphore_mem>>)
      %dma_wait3A_301 = arith.constant 0 : i32
      %dma_wait3A_302 = tpu.memref_slice %arg18[%add3A_274, %dma_wait3A_301] : memref<10240x128xf32, #tpu.memory_space<vmem_shared>> -> memref<40x128xf32, #tpu.memory_space<vmem_shared>>
      %dma_wait3A_303 = arith.constant 0 : i32
      %dma_wait3A_304 = tpu.memref_slice %arg18[%add3A_274, %dma_wait3A_303] : memref<10240x128xf32, #tpu.memory_space<vmem_shared>> -> memref<40x128xf32, #tpu.memory_space<vmem_shared>>
      tpu.wait_dma2 semaphore(%run_scoped3A_296 : memref<!tpu.dma_semaphore, #tpu.memory_space<semaphore_mem>>) src(%dma_wait3A_304 : memref<40x128xf32, #tpu.memory_space<vmem_shared>>) dst(%arg12 : memref<40x128xf32, #tpu.memory_space<vmem>>)
      tpu.yield
    }) : () -> ()
    %run_scoped3A_275 = arith.constant 1 : i32
    "tpu.region"() ({
      %run_scoped3A_296 = tpu.sem_alloc : memref<!tpu.dma_semaphore, #tpu.memory_space<semaphore_mem>>
      %dma_start3A_297 = arith.constant 0 : i32
      %dma_start3A_298 = tpu.memref_slice %arg6[%arg0, %run_scoped3A_275, %add3A_274, %dma_start3A_297] : memref<1x2x10240x128xf32, #tpu.memory_space<hbm>> -> memref<1x1x40x128xf32, #tpu.memory_space<hbm>>
      %dma_start3A_299 = tpu.memref_squeeze %dma_start3A_298 : memref<1x1x40x128xf32, #tpu.memory_space<hbm>> -> memref<40x128xf32, #tpu.memory_space<hbm>>
      %dma_start3A_300 = arith.constant 0 : i32
      %dma_start3A_301 = tpu.memref_slice %arg6[%arg0, %run_scoped3A_275, %add3A_274, %dma_start3A_300] : memref<1x2x10240x128xf32, #tpu.memory_space<hbm>> -> memref<1x1x40x128xf32, #tpu.memory_space<hbm>>
      %dma_start3A_302 = tpu.memref_squeeze %dma_start3A_301 : memref<1x1x40x128xf32, #tpu.memory_space<hbm>> -> memref<40x128xf32, #tpu.memory_space<hbm>>
      tpu.enqueue_dma source(%arg12 : memref<40x128xf32, #tpu.memory_space<vmem>>) target(%dma_start3A_302 : memref<40x128xf32, #tpu.memory_space<hbm>>) target_semaphore(%run_scoped3A_296 : memref<!tpu.dma_semaphore, #tpu.memory_space<semaphore_mem>>)
      %dma_wait3A_303 = arith.constant 0 : i32
      %dma_wait3A_304 = tpu.memref_slice %arg6[%arg0, %run_scoped3A_275, %add3A_274, %dma_wait3A_303] : memref<1x2x10240x128xf32, #tpu.memory_space<hbm>> -> memref<1x1x40x128xf32, #tpu.memory_space<hbm>>
      %dma_wait3A_305 = tpu.memref_squeeze %dma_wait3A_304 : memref<1x1x40x128xf32, #tpu.memory_space<hbm>> -> memref<40x128xf32, #tpu.memory_space<hbm>>
      %dma_wait3A_306 = arith.constant 0 : i32
      %dma_wait3A_307 = tpu.memref_slice %arg6[%arg0, %run_scoped3A_275, %add3A_274, %dma_wait3A_306] : memref<1x2x10240x128xf32, #tpu.memory_space<hbm>> -> memref<1x1x40x128xf32, #tpu.memory_space<hbm>>
      %dma_wait3A_308 = tpu.memref_squeeze %dma_wait3A_307 : memref<1x1x40x128xf32, #tpu.memory_space<hbm>> -> memref<40x128xf32, #tpu.memory_space<hbm>>
      tpu.wait_dma2 semaphore(%run_scoped3A_296 : memref<!tpu.dma_semaphore, #tpu.memory_space<semaphore_mem>>) src(%arg12 : memref<40x128xf32, #tpu.memory_space<vmem>>) dst(%dma_wait3A_308 : memref<40x128xf32, #tpu.memory_space<hbm>>)
      tpu.yield
    }) : () -> ()
    %mul3A_276 = arith.constant 640 : i32
    %mul3A_277 = arith.muli %arg1, %mul3A_276 : i32
    %add3A_278 = arith.constant 480 : i32
    %add3A_279 = arith.addi %mul3A_277, %add3A_278 : i32
    "tpu.region"() ({
      %run_scoped3A_296 = tpu.sem_alloc : memref<!tpu.dma_semaphore, #tpu.memory_space<semaphore_mem>>
      %dma_start3A_297 = arith.constant 0 : i32
      %dma_start3A_298 = tpu.memref_slice %arg18[%add3A_279, %dma_start3A_297] : memref<10240x128xf32, #tpu.memory_space<vmem_shared>> -> memref<40x128xf32, #tpu.memory_space<vmem_shared>>
      %dma_start3A_299 = arith.constant 0 : i32
      %dma_start3A_300 = tpu.memref_slice %arg18[%add3A_279, %dma_start3A_299] : memref<10240x128xf32, #tpu.memory_space<vmem_shared>> -> memref<40x128xf32, #tpu.memory_space<vmem_shared>>
      tpu.enqueue_dma source(%dma_start3A_300 : memref<40x128xf32, #tpu.memory_space<vmem_shared>>) target(%arg12 : memref<40x128xf32, #tpu.memory_space<vmem>>) target_semaphore(%run_scoped3A_296 : memref<!tpu.dma_semaphore, #tpu.memory_space<semaphore_mem>>)
      %dma_wait3A_301 = arith.constant 0 : i32
      %dma_wait3A_302 = tpu.memref_slice %arg18[%add3A_279, %dma_wait3A_301] : memref<10240x128xf32, #tpu.memory_space<vmem_shared>> -> memref<40x128xf32, #tpu.memory_space<vmem_shared>>
      %dma_wait3A_303 = arith.constant 0 : i32
      %dma_wait3A_304 = tpu.memref_slice %arg18[%add3A_279, %dma_wait3A_303] : memref<10240x128xf32, #tpu.memory_space<vmem_shared>> -> memref<40x128xf32, #tpu.memory_space<vmem_shared>>
      tpu.wait_dma2 semaphore(%run_scoped3A_296 : memref<!tpu.dma_semaphore, #tpu.memory_space<semaphore_mem>>) src(%dma_wait3A_304 : memref<40x128xf32, #tpu.memory_space<vmem_shared>>) dst(%arg12 : memref<40x128xf32, #tpu.memory_space<vmem>>)
      tpu.yield
    }) : () -> ()
    %run_scoped3A_280 = arith.constant 1 : i32
    "tpu.region"() ({
      %run_scoped3A_296 = tpu.sem_alloc : memref<!tpu.dma_semaphore, #tpu.memory_space<semaphore_mem>>
      %dma_start3A_297 = arith.constant 0 : i32
      %dma_start3A_298 = tpu.memref_slice %arg6[%arg0, %run_scoped3A_280, %add3A_279, %dma_start3A_297] : memref<1x2x10240x128xf32, #tpu.memory_space<hbm>> -> memref<1x1x40x128xf32, #tpu.memory_space<hbm>>
      %dma_start3A_299 = tpu.memref_squeeze %dma_start3A_298 : memref<1x1x40x128xf32, #tpu.memory_space<hbm>> -> memref<40x128xf32, #tpu.memory_space<hbm>>
      %dma_start3A_300 = arith.constant 0 : i32
      %dma_start3A_301 = tpu.memref_slice %arg6[%arg0, %run_scoped3A_280, %add3A_279, %dma_start3A_300] : memref<1x2x10240x128xf32, #tpu.memory_space<hbm>> -> memref<1x1x40x128xf32, #tpu.memory_space<hbm>>
      %dma_start3A_302 = tpu.memref_squeeze %dma_start3A_301 : memref<1x1x40x128xf32, #tpu.memory_space<hbm>> -> memref<40x128xf32, #tpu.memory_space<hbm>>
      tpu.enqueue_dma source(%arg12 : memref<40x128xf32, #tpu.memory_space<vmem>>) target(%dma_start3A_302 : memref<40x128xf32, #tpu.memory_space<hbm>>) target_semaphore(%run_scoped3A_296 : memref<!tpu.dma_semaphore, #tpu.memory_space<semaphore_mem>>)
      %dma_wait3A_303 = arith.constant 0 : i32
      %dma_wait3A_304 = tpu.memref_slice %arg6[%arg0, %run_scoped3A_280, %add3A_279, %dma_wait3A_303] : memref<1x2x10240x128xf32, #tpu.memory_space<hbm>> -> memref<1x1x40x128xf32, #tpu.memory_space<hbm>>
      %dma_wait3A_305 = tpu.memref_squeeze %dma_wait3A_304 : memref<1x1x40x128xf32, #tpu.memory_space<hbm>> -> memref<40x128xf32, #tpu.memory_space<hbm>>
      %dma_wait3A_306 = arith.constant 0 : i32
      %dma_wait3A_307 = tpu.memref_slice %arg6[%arg0, %run_scoped3A_280, %add3A_279, %dma_wait3A_306] : memref<1x2x10240x128xf32, #tpu.memory_space<hbm>> -> memref<1x1x40x128xf32, #tpu.memory_space<hbm>>
      %dma_wait3A_308 = tpu.memref_squeeze %dma_wait3A_307 : memref<1x1x40x128xf32, #tpu.memory_space<hbm>> -> memref<40x128xf32, #tpu.memory_space<hbm>>
      tpu.wait_dma2 semaphore(%run_scoped3A_296 : memref<!tpu.dma_semaphore, #tpu.memory_space<semaphore_mem>>) src(%arg12 : memref<40x128xf32, #tpu.memory_space<vmem>>) dst(%dma_wait3A_308 : memref<40x128xf32, #tpu.memory_space<hbm>>)
      tpu.yield
    }) : () -> ()
    %mul3A_281 = arith.constant 640 : i32
    %mul3A_282 = arith.muli %arg1, %mul3A_281 : i32
    %add3A_283 = arith.constant 520 : i32
    %add3A_284 = arith.addi %mul3A_282, %add3A_283 : i32
    "tpu.region"() ({
      %run_scoped3A_296 = tpu.sem_alloc : memref<!tpu.dma_semaphore, #tpu.memory_space<semaphore_mem>>
      %dma_start3A_297 = arith.constant 0 : i32
      %dma_start3A_298 = tpu.memref_slice %arg18[%add3A_284, %dma_start3A_297] : memref<10240x128xf32, #tpu.memory_space<vmem_shared>> -> memref<40x128xf32, #tpu.memory_space<vmem_shared>>
      %dma_start3A_299 = arith.constant 0 : i32
      %dma_start3A_300 = tpu.memref_slice %arg18[%add3A_284, %dma_start3A_299] : memref<10240x128xf32, #tpu.memory_space<vmem_shared>> -> memref<40x128xf32, #tpu.memory_space<vmem_shared>>
      tpu.enqueue_dma source(%dma_start3A_300 : memref<40x128xf32, #tpu.memory_space<vmem_shared>>) target(%arg12 : memref<40x128xf32, #tpu.memory_space<vmem>>) target_semaphore(%run_scoped3A_296 : memref<!tpu.dma_semaphore, #tpu.memory_space<semaphore_mem>>)
      %dma_wait3A_301 = arith.constant 0 : i32
      %dma_wait3A_302 = tpu.memref_slice %arg18[%add3A_284, %dma_wait3A_301] : memref<10240x128xf32, #tpu.memory_space<vmem_shared>> -> memref<40x128xf32, #tpu.memory_space<vmem_shared>>
      %dma_wait3A_303 = arith.constant 0 : i32
      %dma_wait3A_304 = tpu.memref_slice %arg18[%add3A_284, %dma_wait3A_303] : memref<10240x128xf32, #tpu.memory_space<vmem_shared>> -> memref<40x128xf32, #tpu.memory_space<vmem_shared>>
      tpu.wait_dma2 semaphore(%run_scoped3A_296 : memref<!tpu.dma_semaphore, #tpu.memory_space<semaphore_mem>>) src(%dma_wait3A_304 : memref<40x128xf32, #tpu.memory_space<vmem_shared>>) dst(%arg12 : memref<40x128xf32, #tpu.memory_space<vmem>>)
      tpu.yield
    }) : () -> ()
    %run_scoped3A_285 = arith.constant 1 : i32
    "tpu.region"() ({
      %run_scoped3A_296 = tpu.sem_alloc : memref<!tpu.dma_semaphore, #tpu.memory_space<semaphore_mem>>
      %dma_start3A_297 = arith.constant 0 : i32
      %dma_start3A_298 = tpu.memref_slice %arg6[%arg0, %run_scoped3A_285, %add3A_284, %dma_start3A_297] : memref<1x2x10240x128xf32, #tpu.memory_space<hbm>> -> memref<1x1x40x128xf32, #tpu.memory_space<hbm>>
      %dma_start3A_299 = tpu.memref_squeeze %dma_start3A_298 : memref<1x1x40x128xf32, #tpu.memory_space<hbm>> -> memref<40x128xf32, #tpu.memory_space<hbm>>
      %dma_start3A_300 = arith.constant 0 : i32
      %dma_start3A_301 = tpu.memref_slice %arg6[%arg0, %run_scoped3A_285, %add3A_284, %dma_start3A_300] : memref<1x2x10240x128xf32, #tpu.memory_space<hbm>> -> memref<1x1x40x128xf32, #tpu.memory_space<hbm>>
      %dma_start3A_302 = tpu.memref_squeeze %dma_start3A_301 : memref<1x1x40x128xf32, #tpu.memory_space<hbm>> -> memref<40x128xf32, #tpu.memory_space<hbm>>
      tpu.enqueue_dma source(%arg12 : memref<40x128xf32, #tpu.memory_space<vmem>>) target(%dma_start3A_302 : memref<40x128xf32, #tpu.memory_space<hbm>>) target_semaphore(%run_scoped3A_296 : memref<!tpu.dma_semaphore, #tpu.memory_space<semaphore_mem>>)
      %dma_wait3A_303 = arith.constant 0 : i32
      %dma_wait3A_304 = tpu.memref_slice %arg6[%arg0, %run_scoped3A_285, %add3A_284, %dma_wait3A_303] : memref<1x2x10240x128xf32, #tpu.memory_space<hbm>> -> memref<1x1x40x128xf32, #tpu.memory_space<hbm>>
      %dma_wait3A_305 = tpu.memref_squeeze %dma_wait3A_304 : memref<1x1x40x128xf32, #tpu.memory_space<hbm>> -> memref<40x128xf32, #tpu.memory_space<hbm>>
      %dma_wait3A_306 = arith.constant 0 : i32
      %dma_wait3A_307 = tpu.memref_slice %arg6[%arg0, %run_scoped3A_285, %add3A_284, %dma_wait3A_306] : memref<1x2x10240x128xf32, #tpu.memory_space<hbm>> -> memref<1x1x40x128xf32, #tpu.memory_space<hbm>>
      %dma_wait3A_308 = tpu.memref_squeeze %dma_wait3A_307 : memref<1x1x40x128xf32, #tpu.memory_space<hbm>> -> memref<40x128xf32, #tpu.memory_space<hbm>>
      tpu.wait_dma2 semaphore(%run_scoped3A_296 : memref<!tpu.dma_semaphore, #tpu.memory_space<semaphore_mem>>) src(%arg12 : memref<40x128xf32, #tpu.memory_space<vmem>>) dst(%dma_wait3A_308 : memref<40x128xf32, #tpu.memory_space<hbm>>)
      tpu.yield
    }) : () -> ()
    %mul3A_286 = arith.constant 640 : i32
    %mul3A_287 = arith.muli %arg1, %mul3A_286 : i32
    %add3A_288 = arith.constant 560 : i32
    %add3A_289 = arith.addi %mul3A_287, %add3A_288 : i32
    "tpu.region"() ({
      %run_scoped3A_296 = tpu.sem_alloc : memref<!tpu.dma_semaphore, #tpu.memory_space<semaphore_mem>>
      %dma_start3A_297 = arith.constant 0 : i32
      %dma_start3A_298 = tpu.memref_slice %arg18[%add3A_289, %dma_start3A_297] : memref<10240x128xf32, #tpu.memory_space<vmem_shared>> -> memref<40x128xf32, #tpu.memory_space<vmem_shared>>
      %dma_start3A_299 = arith.constant 0 : i32
      %dma_start3A_300 = tpu.memref_slice %arg18[%add3A_289, %dma_start3A_299] : memref<10240x128xf32, #tpu.memory_space<vmem_shared>> -> memref<40x128xf32, #tpu.memory_space<vmem_shared>>
      tpu.enqueue_dma source(%dma_start3A_300 : memref<40x128xf32, #tpu.memory_space<vmem_shared>>) target(%arg12 : memref<40x128xf32, #tpu.memory_space<vmem>>) target_semaphore(%run_scoped3A_296 : memref<!tpu.dma_semaphore, #tpu.memory_space<semaphore_mem>>)
      %dma_wait3A_301 = arith.constant 0 : i32
      %dma_wait3A_302 = tpu.memref_slice %arg18[%add3A_289, %dma_wait3A_301] : memref<10240x128xf32, #tpu.memory_space<vmem_shared>> -> memref<40x128xf32, #tpu.memory_space<vmem_shared>>
      %dma_wait3A_303 = arith.constant 0 : i32
      %dma_wait3A_304 = tpu.memref_slice %arg18[%add3A_289, %dma_wait3A_303] : memref<10240x128xf32, #tpu.memory_space<vmem_shared>> -> memref<40x128xf32, #tpu.memory_space<vmem_shared>>
      tpu.wait_dma2 semaphore(%run_scoped3A_296 : memref<!tpu.dma_semaphore, #tpu.memory_space<semaphore_mem>>) src(%dma_wait3A_304 : memref<40x128xf32, #tpu.memory_space<vmem_shared>>) dst(%arg12 : memref<40x128xf32, #tpu.memory_space<vmem>>)
      tpu.yield
    }) : () -> ()
    %run_scoped3A_290 = arith.constant 1 : i32
    "tpu.region"() ({
      %run_scoped3A_296 = tpu.sem_alloc : memref<!tpu.dma_semaphore, #tpu.memory_space<semaphore_mem>>
      %dma_start3A_297 = arith.constant 0 : i32
      %dma_start3A_298 = tpu.memref_slice %arg6[%arg0, %run_scoped3A_290, %add3A_289, %dma_start3A_297] : memref<1x2x10240x128xf32, #tpu.memory_space<hbm>> -> memref<1x1x40x128xf32, #tpu.memory_space<hbm>>
      %dma_start3A_299 = tpu.memref_squeeze %dma_start3A_298 : memref<1x1x40x128xf32, #tpu.memory_space<hbm>> -> memref<40x128xf32, #tpu.memory_space<hbm>>
      %dma_start3A_300 = arith.constant 0 : i32
      %dma_start3A_301 = tpu.memref_slice %arg6[%arg0, %run_scoped3A_290, %add3A_289, %dma_start3A_300] : memref<1x2x10240x128xf32, #tpu.memory_space<hbm>> -> memref<1x1x40x128xf32, #tpu.memory_space<hbm>>
      %dma_start3A_302 = tpu.memref_squeeze %dma_start3A_301 : memref<1x1x40x128xf32, #tpu.memory_space<hbm>> -> memref<40x128xf32, #tpu.memory_space<hbm>>
      tpu.enqueue_dma source(%arg12 : memref<40x128xf32, #tpu.memory_space<vmem>>) target(%dma_start3A_302 : memref<40x128xf32, #tpu.memory_space<hbm>>) target_semaphore(%run_scoped3A_296 : memref<!tpu.dma_semaphore, #tpu.memory_space<semaphore_mem>>)
      %dma_wait3A_303 = arith.constant 0 : i32
      %dma_wait3A_304 = tpu.memref_slice %arg6[%arg0, %run_scoped3A_290, %add3A_289, %dma_wait3A_303] : memref<1x2x10240x128xf32, #tpu.memory_space<hbm>> -> memref<1x1x40x128xf32, #tpu.memory_space<hbm>>
      %dma_wait3A_305 = tpu.memref_squeeze %dma_wait3A_304 : memref<1x1x40x128xf32, #tpu.memory_space<hbm>> -> memref<40x128xf32, #tpu.memory_space<hbm>>
      %dma_wait3A_306 = arith.constant 0 : i32
      %dma_wait3A_307 = tpu.memref_slice %arg6[%arg0, %run_scoped3A_290, %add3A_289, %dma_wait3A_306] : memref<1x2x10240x128xf32, #tpu.memory_space<hbm>> -> memref<1x1x40x128xf32, #tpu.memory_space<hbm>>
      %dma_wait3A_308 = tpu.memref_squeeze %dma_wait3A_307 : memref<1x1x40x128xf32, #tpu.memory_space<hbm>> -> memref<40x128xf32, #tpu.memory_space<hbm>>
      tpu.wait_dma2 semaphore(%run_scoped3A_296 : memref<!tpu.dma_semaphore, #tpu.memory_space<semaphore_mem>>) src(%arg12 : memref<40x128xf32, #tpu.memory_space<vmem>>) dst(%dma_wait3A_308 : memref<40x128xf32, #tpu.memory_space<hbm>>)
      tpu.yield
    }) : () -> ()
    %mul3A_291 = arith.constant 640 : i32
    %mul3A_292 = arith.muli %arg1, %mul3A_291 : i32
    %add3A_293 = arith.constant 600 : i32
    %add3A_294 = arith.addi %mul3A_292, %add3A_293 : i32
    "tpu.region"() ({
      %run_scoped3A_296 = tpu.sem_alloc : memref<!tpu.dma_semaphore, #tpu.memory_space<semaphore_mem>>
      %dma_start3A_297 = arith.constant 0 : i32
      %dma_start3A_298 = tpu.memref_slice %arg18[%add3A_294, %dma_start3A_297] : memref<10240x128xf32, #tpu.memory_space<vmem_shared>> -> memref<40x128xf32, #tpu.memory_space<vmem_shared>>
      %dma_start3A_299 = arith.constant 0 : i32
      %dma_start3A_300 = tpu.memref_slice %arg18[%add3A_294, %dma_start3A_299] : memref<10240x128xf32, #tpu.memory_space<vmem_shared>> -> memref<40x128xf32, #tpu.memory_space<vmem_shared>>
      tpu.enqueue_dma source(%dma_start3A_300 : memref<40x128xf32, #tpu.memory_space<vmem_shared>>) target(%arg12 : memref<40x128xf32, #tpu.memory_space<vmem>>) target_semaphore(%run_scoped3A_296 : memref<!tpu.dma_semaphore, #tpu.memory_space<semaphore_mem>>)
      %dma_wait3A_301 = arith.constant 0 : i32
      %dma_wait3A_302 = tpu.memref_slice %arg18[%add3A_294, %dma_wait3A_301] : memref<10240x128xf32, #tpu.memory_space<vmem_shared>> -> memref<40x128xf32, #tpu.memory_space<vmem_shared>>
      %dma_wait3A_303 = arith.constant 0 : i32
      %dma_wait3A_304 = tpu.memref_slice %arg18[%add3A_294, %dma_wait3A_303] : memref<10240x128xf32, #tpu.memory_space<vmem_shared>> -> memref<40x128xf32, #tpu.memory_space<vmem_shared>>
      tpu.wait_dma2 semaphore(%run_scoped3A_296 : memref<!tpu.dma_semaphore, #tpu.memory_space<semaphore_mem>>) src(%dma_wait3A_304 : memref<40x128xf32, #tpu.memory_space<vmem_shared>>) dst(%arg12 : memref<40x128xf32, #tpu.memory_space<vmem>>)
      tpu.yield
    }) : () -> ()
    %run_scoped3A_295 = arith.constant 1 : i32
    "tpu.region"() ({
      %run_scoped3A_296 = tpu.sem_alloc : memref<!tpu.dma_semaphore, #tpu.memory_space<semaphore_mem>>
      %dma_start3A_297 = arith.constant 0 : i32
      %dma_start3A_298 = tpu.memref_slice %arg6[%arg0, %run_scoped3A_295, %add3A_294, %dma_start3A_297] : memref<1x2x10240x128xf32, #tpu.memory_space<hbm>> -> memref<1x1x40x128xf32, #tpu.memory_space<hbm>>
      %dma_start3A_299 = tpu.memref_squeeze %dma_start3A_298 : memref<1x1x40x128xf32, #tpu.memory_space<hbm>> -> memref<40x128xf32, #tpu.memory_space<hbm>>
      %dma_start3A_300 = arith.constant 0 : i32
      %dma_start3A_301 = tpu.memref_slice %arg6[%arg0, %run_scoped3A_295, %add3A_294, %dma_start3A_300] : memref<1x2x10240x128xf32, #tpu.memory_space<hbm>> -> memref<1x1x40x128xf32, #tpu.memory_space<hbm>>
      %dma_start3A_302 = tpu.memref_squeeze %dma_start3A_301 : memref<1x1x40x128xf32, #tpu.memory_space<hbm>> -> memref<40x128xf32, #tpu.memory_space<hbm>>
      tpu.enqueue_dma source(%arg12 : memref<40x128xf32, #tpu.memory_space<vmem>>) target(%dma_start3A_302 : memref<40x128xf32, #tpu.memory_space<hbm>>) target_semaphore(%run_scoped3A_296 : memref<!tpu.dma_semaphore, #tpu.memory_space<semaphore_mem>>)
      %dma_wait3A_303 = arith.constant 0 : i32
      %dma_wait3A_304 = tpu.memref_slice %arg6[%arg0, %run_scoped3A_295, %add3A_294, %dma_wait3A_303] : memref<1x2x10240x128xf32, #tpu.memory_space<hbm>> -> memref<1x1x40x128xf32, #tpu.memory_space<hbm>>
      %dma_wait3A_305 = tpu.memref_squeeze %dma_wait3A_304 : memref<1x1x40x128xf32, #tpu.memory_space<hbm>> -> memref<40x128xf32, #tpu.memory_space<hbm>>
      %dma_wait3A_306 = arith.constant 0 : i32
      %dma_wait3A_307 = tpu.memref_slice %arg6[%arg0, %run_scoped3A_295, %add3A_294, %dma_wait3A_306] : memref<1x2x10240x128xf32, #tpu.memory_space<hbm>> -> memref<1x1x40x128xf32, #tpu.memory_space<hbm>>
      %dma_wait3A_308 = tpu.memref_squeeze %dma_wait3A_307 : memref<1x1x40x128xf32, #tpu.memory_space<hbm>> -> memref<40x128xf32, #tpu.memory_space<hbm>>
      tpu.wait_dma2 semaphore(%run_scoped3A_296 : memref<!tpu.dma_semaphore, #tpu.memory_space<semaphore_mem>>) src(%arg12 : memref<40x128xf32, #tpu.memory_space<vmem>>) dst(%dma_wait3A_308 : memref<40x128xf32, #tpu.memory_space<hbm>>)
      tpu.yield
    }) : () -> ()
    return
  }
}

module attributes {stable_mosaic.version = 14 : i64} {
  func.func @_combine_body(%arg0: i32, %arg1: memref<1x2x1000x128xf32, #tpu.memory_space<vmem>>, %arg2: memref<1000x128xf32, #tpu.memory_space<vmem>>) attributes {dimension_semantics = [#tpu.dimension_semantics<arbitrary>], iteration_bounds = array<i64: 10>, scalar_prefetch = 0 : i64, scratch_operands = 0 : i64, tpu.core_type = #tpu.core_type<tc>, window_params = [{transform_indices = @transform_0, window_bounds = array<i64: 1, 2, 1000, 128>}, {transform_indices = @transform_1, window_bounds = array<i64: 1000, 128>}]} {
    %get3A = arith.constant 0 : index
    %get3A_0 = arith.constant 0 : index
    %get3A_1 = arith.constant 0 : index
    %get3A_2 = arith.constant 0 : index
    %get3A_3 = vector.load %arg1[%get3A, %get3A_0, %get3A_1, %get3A_2] : memref<1x2x1000x128xf32, #tpu.memory_space<vmem>>, vector<1x1x1000x128xf32>
    %get3A_4 = vector.shape_cast %get3A_3 : vector<1x1x1000x128xf32> to vector<1000x128xf32>
    %get3A_5 = arith.constant 0 : index
    %get3A_6 = arith.constant 1 : index
    %get3A_7 = arith.constant 0 : index
    %get3A_8 = arith.constant 0 : index
    %get3A_9 = vector.load %arg1[%get3A_5, %get3A_6, %get3A_7, %get3A_8] : memref<1x2x1000x128xf32, #tpu.memory_space<vmem>>, vector<1x1x1000x1xf32>
    %get3A_10 = vector.shape_cast %get3A_9 : vector<1x1x1000x1xf32> to vector<1000x1xf32>
    %max3A = arith.constant 1.000000e+00 : f32
    %max3A_11 = vector.broadcast %max3A : f32 to vector<1000x1xf32>
    %max3A_12 = arith.maximumf %get3A_10, %max3A_11 : vector<1000x1xf32>
    %div3A = vector.broadcast %max3A_12 : vector<1000x1xf32> to vector<1000x128xf32>
    %div3A_13 = arith.divf %get3A_4, %div3A : vector<1000x128xf32>
    %swap3A = arith.constant 0 : index
    %swap3A_14 = arith.constant 0 : index
    %swap3A_15 = vector.load %arg2[%swap3A, %swap3A_14] : memref<1000x128xf32, #tpu.memory_space<vmem>>, vector<1000x128xf32>
    tpu.vector_store %arg2[%swap3A, %swap3A_14], %div3A_13 {strides = array<i32>} : memref<1000x128xf32, #tpu.memory_space<vmem>>, vector<1000x128xf32>,
    return
  }
  func.func @transform_0(%arg0: i32) -> (i32, i32, i32, i32) {
    %c0_i32 = arith.constant 0 : i32
    %c0_i32_0 = arith.constant 0 : i32
    %c0_i32_1 = arith.constant 0 : i32
    %c0_i32_2 = arith.constant 0 : i32
    return %c0_i32, %c0_i32_0, %arg0, %c0_i32_1 : i32, i32, i32, i32
  }
  func.func @transform_1(%arg0: i32) -> (i32, i32) {
    %c0_i32 = arith.constant 0 : i32
    %c0_i32_0 = arith.constant 0 : i32
    return %arg0, %c0_i32 : i32, i32
  }
}

</mosaic_0001>

<sc_bundles>
// kernel: kernel.4.cloned.1.call-start
scs
__scs_entry_jumppad:
0x0: {  	(pc) =	sbr.rel $0x88, $3  }
0x1: {  	(tag) =	ssettag $0x0;
	lr =	simm.s32 $0x1  }
0x2: {  	[smem:$0x3F9F] =	sst lr;
	_ =	strace $0xD0000000  }
0x3: {  	_ = 	snop  }
0x4: {  	_ = 	snop  }
0x5: {  	_ = 	snop  }
0x6: {  	_ = 	snop  }
0x7: {  	_ = 	snop  }
__scs_overlays_trampoline_lowered:
0x8: {  	[smem:$0x3FAE] =	sst s0  }
0x9: {  	[smem:$0x3FAF] =	sst s1  }
0xa: {  	[smem:$0x3FB0] =	sst s2  }
0xb: {  	[smem:$0x3FB1] =	sst s3  }
0xc: {  	[smem:$0x3FB2] =	sst s4  }
0xd: {  	[smem:$0x3FB3] =	sst s5  }
0xe: {  	[smem:$0x3FB4] =	sst s6  }
0xf: {  	[smem:$0x3FB5] =	sst s7  }
0x10: {  	[smem:$0x3FB6] =	sst s8  }
0x11: {  	[smem:$0x3FB7] =	sst s9;
	s0 =	simm.s32 @!p0 $0x0  }
0x12: {  	s1 =	sld [smem:$0x3F9D];
	s0 =	simm.s32 @p0 $0x1  }
0x13: {  	[smem:$0x3FB8] =	sst s0;
	s0 =	simm.s32 @!p1 $0x0  }
0x14: {  	s2 =	sld [smem:$0x3F9C];
	s0 =	simm.s32 @p1 $0x1  }
0x15: {  	[smem:$0x3FB9] =	sst s0;
	s0 =	simm.s32 @!p2 $0x0  }
0x16: {  	s3 =	sld [smem:$0x3FDB];
	s0 =	simm.s32 @p2 $0x1  }
0x17: {  	s4 =	simm.s32 $0x1BF5;
	[smem:$0x3FBB] =	sst s0  }
0x18: {  	s0 =	sld [smem:$0x3F9E];
	_ =	swait.ge [sflag:s4], $0x0  }
0x19: {  	s7 =	sld [smem:$0x3F9F]  }
0x1a: {  	s8 =	sadd.s32 $0xFFFFE003, lr  }
0x1b: {  	s9 =	sadd.s32 $0xFFFFFEF7, lr;
	s5 =	simm.s32 $0xFFFFFFFF;
	p2 =	slt.u32 s8, $0xFFFFF086  }
0x1c: {  	p1 =	slt.u32 s9, $0xF7A;
	s5 =	simm.s32 @!p2 $0x0  }
0x1d: {  	s5 =	simm.s32 @p1 $0x1;
	p0 =	seq.s32 s7, s2  }
0x1e: {  	s7 =	smul.u32 @!p0 $0xF7A, s2;
	p2 =	seq.s32 @!p0 s5, $0x0  }
0x1f: {  	s9 =	smul.u32 $0xF7A, s1;
	s8 =	simm.s32 @!p0 $0x1BF5;
	p2 =	por !p2, p0  }
0x20: {  	[sflag:s8] =	ssyncset.s32 @!p0 $0xFFFFF086;
	s6 =	sadd.s32 @!p0 s3, s7;
	s7 =	simm.s32 @!p0 $0x108  }
0x21: {  	s3 =	sadd.s32 s3, s9;
	s6 =	sadd.s32 @!p0 $0x88, s6;
	s7 =	simm.s32 @p2 $0x1082  }
0x22: {  	[simem:s7], [sflag:s8] =	dma.local @!p0 [hbm:s6], $0xF7A  }
0x23: {  	s9 =	sor.u32 $0xD0000000, s2;
	s6 =	simm.s32 $0x108;
	_ =	swait.ge @!p0 [sflag:s8], $0x0  }
0x24: {  	s3 =	sadd.s32 $0x88, s3;
	s6 =	simm.s32 @!p1 $0x1082;
	[sflag:s4] =	ssyncset.s32 $0xFFFFF086  }
0x25: {  	[simem:s6], [sflag:s4] =	dma.local [hbm:s3], $0xF7A  }
0x26: {  	[smem:$0x3F9F] =	sst s1;
	(tag) =	ssettag s2;
	_ =	strace s9  }
0x27: {  	s1 =	sld [smem:$0x3FAF]  }
0x28: {  	s2 =	sld [smem:$0x3FB0]  }
0x29: {  	s4 =	sld [smem:$0x3FB2]  }
0x2a: {  	p0 =	seq.s32 s5, $0x0;
	s5 =	sld [smem:$0x3FB3]  }
0x2b: {  	s6 =	sld [smem:$0x3FB4]  }
0x2c: {  	s7 =	sld [smem:$0x3FB5]  }
0x2d: {  	s3 =	simm.s32 $0x108;
	s8 =	sld [smem:$0x3FB6]  }
0x2e: {  	s3 =	simm.s32 @!p0 $0x1082;
	s9 =	sld [smem:$0x3FB7]  }
0x2f: {  	lr =	sadd.s32 s0, s3;
	s0 =	sld [smem:$0x3FAE]  }
0x30: {  	s3 =	sld [smem:$0x3FB1]  }
0x31: {  	[smem:$0x3FBA] =	sst s10  }
0x32: {  	s10 =	sld [smem:$0x3FB8];
	_ =	sdelay $0x3  }
0x33: {  	p0 =	seq.s32 s10, $0x1;
	s10 =	sld [smem:$0x3FBA];
	_ =	sdelay $0x3  }
0x34: {  	[smem:$0x3FBA] =	sst s10  }
0x35: {  	s10 =	sld [smem:$0x3FB9];
	_ =	sdelay $0x3  }
0x36: {  	p1 =	seq.s32 s10, $0x1;
	s10 =	sld [smem:$0x3FBA];
	_ =	sdelay $0x3  }
0x37: {  	[smem:$0x3FBA] =	sst s10  }
0x38: {  	s10 =	sld [smem:$0x3FBB]  }
0x39: {  	_ = 	snop;
	(pc) =	sbr.ind lr, $3  }
0x3a: {  	_ = 	snop  }
0x3b: {  	_ = 	snop  }
0x3c: {  	p2 =	seq.s32 s10, $0x1;
	s10 =	sld [smem:$0x3FBA]  }
0x3d: {  	_ =	shalt  }
0x3e: {  	_ =	shalt  }
0x3f: {  	_ =	shalt  }
0x40: {  	_ =	shalt  }
0x41: {  	_ =	shalt  }
0x42: {  	_ =	shalt  }
0x43: {  	_ =	shalt  }
0x44: {  	_ =	shalt  }
0x45: {  	_ =	shalt  }
0x46: {  	_ =	shalt  }
0x47: {  	_ =	shalt  }
0x48: {  	_ =	shalt  }
0x49: {  	_ =	shalt  }
0x4a: {  	_ =	shalt  }
0x4b: {  	_ =	shalt  }
0x4c: {  	_ =	shalt  }
0x4d: {  	_ =	shalt  }
0x4e: {  	_ =	shalt  }
0x4f: {  	_ =	shalt  }
0x50: {  	_ =	shalt  }
0x51: {  	_ =	shalt  }
0x52: {  	_ =	shalt  }
0x53: {  	_ =	shalt  }
0x54: {  	_ =	shalt  }
0x55: {  	_ =	shalt  }
0x56: {  	_ =	shalt  }
0x57: {  	_ =	shalt  }
0x58: {  	_ =	shalt  }
0x59: {  	_ =	shalt  }
0x5a: {  	_ =	shalt  }
0x5b: {  	_ =	shalt  }
0x5c: {  	_ =	shalt  }
0x5d: {  	_ =	shalt  }
0x5e: {  	_ =	shalt  }
0x5f: {  	_ =	shalt  }
0x60: {  	_ =	shalt  }
0x61: {  	_ =	shalt  }
0x62: {  	_ =	shalt  }
0x63: {  	_ =	shalt  }
0x64: {  	_ =	shalt  }
0x65: {  	_ =	shalt  }
0x66: {  	_ =	shalt  }
0x67: {  	_ =	shalt  }
0x68: {  	_ =	shalt  }
0x69: {  	_ =	shalt  }
0x6a: {  	_ =	shalt  }
0x6b: {  	_ =	shalt  }
0x6c: {  	_ =	shalt  }
0x6d: {  	_ =	shalt  }
0x6e: {  	_ =	shalt  }
0x6f: {  	_ =	shalt  }
0x70: {  	_ =	shalt  }
0x71: {  	_ =	shalt  }
0x72: {  	_ =	shalt  }
0x73: {  	_ =	shalt  }
0x74: {  	_ =	shalt  }
0x75: {  	_ =	shalt  }
0x76: {  	_ =	shalt  }
0x77: {  	_ =	shalt  }
0x78: {  	_ =	shalt  }
0x79: {  	_ =	shalt  }
0x7a: {  	_ =	shalt  }
0x7b: {  	_ =	shalt  }
0x7c: {  	_ =	shalt  }
0x7d: {  	_ =	shalt  }
0x7e: {  	_ =	shalt  }
0x7f: {  	_ =	shalt  }
0x80: {  	_ =	shalt  }
0x81: {  	_ =	shalt  }
0x82: {  	_ =	shalt  }
0x83: {  	_ =	shalt  }
0x84: {  	_ =	shalt  }
0x85: {  	_ =	shalt  }
0x86: {  	_ =	shalt  }
0x87: {  	_ =	shalt  }
.Lfunc_end0:
.L_simem_size_0:
called_computation_lowered:
.L_overlay_start_0:
0x88: {  	s0 =	sld [smem:$0x3FD9]  }
0x89: {  	s1 =	sld [smem:$0x3FFE];
	_ =	sdelay $0x3  }
0x8a: {  	s0 =	sadd.s32 s1, s0  }
0x8b: {  	[smem:$0x3FC6] =	sst s0  }
0x8c: {  	_ = 	snop  }
0x8d: {  	s0 =	sld [smem:$0x3FC9]  }
0x8e: {  	s16 =	sld [smem:$0x3FC8]  }
0x8f: {  	s2 =	sld [smem:$0x3FD0];
	(tm) =	ssettm $0x1  }
0x90: {  	s3 =	sld [smem:$0x3FFB];
	_ =	sdelay $0x3  }
0x91: {  	_ =	strace s3  }
0x92: {  	s3 =	sld [smem:$0x3FFC];
	_ =	sdelay $0x3  }
0x93: {  	_ =	strace s3  }
0x94: {  	s3 =	sld [smem:$0x3FFD];
	_ =	sdelay $0x3  }
0x95: {  	_ =	strace s3  }
0x96: {  	_ =	strace $0x8FFFFFFF  }
0x97: {  	s17 =	sld [smem:$0x3FDB];
	_ =	sdelay $0x1  }
0x98: {  	s4 =	simm.s32 $_scs_section_size  }
0x99: {  	s5 =	simm.s32 $_size__tile_overlayer_lowered;
	s6 =	simm.s32 $_tile_overlayer_lowered  }
0x9a: {  	s20 =	simm.s32 $0x1BFF;
	s19 =	sshll.u32 s6, $0x1;
	s3 =	sadd.s32 s4, s17  }
0x9b: {  	s7 =	simm.s32 $0x0;
	s18 =	sshll.u32 s5, $0x1;
	s5 =	sadd.s32 s19, s3  }
0x9c: {  	[timem:s7], [sflag:s20] =	dma.local [hbm:s5], s18  }
0x9d: {  	_ =	swait.ge [sflag:s20], s18  }
0x9e: {  	s4 =	ssub.s32 $0x0, s18;
	[sflag:s20] =	ssyncset.done $0x0  }
0x9f: {  	[sflag:s20] =	ssyncadd.s32 s4;
	_ =	sdelay $0x1  }
0xa0: {  	s21 =	simm.s32 $0x1B8B  }
0xa1: {  	_ =	swait.ge [sflag:s21], $0x1  }
0xa2: {  	[sflag:s21] =	ssyncset.done $0x0  }
0xa3: {  	s23 =	simm.s32 $0x1B8E;
	s22 =	sld [smem:$0x3FFE];
	[sflag:s21] =	ssyncadd.s32 $0xFFFFFFFF  }
0xa4: {  	s24 =	simm.s32 $execute0_lowered;
	[smem:$0x3FD2] =	sst s23  }
0xa5: {  	s5 =	sshll.u32 s24, $0x1;
	_ =	strace $0x80000046;
	[dreg:$0x1] =	wrdreg $0xFFFFFFFF  }
0xa6: {  	s25 =	simm.s32 $_size_execute0_lowered;
	s3 =	sadd.s32 s3, s5;
	[dreg:$0x0] =	wrdreg $0x0  }
0xa7: {  	s5 =	sshll.u32 s25, $0x1;
	[dreg:$0x2] =	wrdreg s3  }
0xa8: {  	[dreg:$0x3] =	wrdreg s5  }
0xa9: {  	[dreg:$0x4] =	wrdreg $0xC0  }
0xaa: {  	_ =	task [dreg:s7], $0x5FFFF  }
0xab: {  	[dreg:$0x1] =	wrdreg $0xFFFFFFFF  }
0xac: {  	[dreg:$0x0] =	wrdreg $0x60  }
0xad: {  	[dreg:$0x2] =	wrdreg s0  }
0xae: {  	[dreg:$0x3] =	wrdreg s16  }
0xaf: {  	[dreg:$0x4] =	wrdreg s2  }
0xb0: {  	[dreg:$0x5] =	wrdreg s22  }
0xb1: {  	[dreg:$0x6] =	wrdreg $0x7A800  }
0xb2: {  	[dreg:$0x7] =	wrdreg $0x9  }
0xb3: {  	_ =	task.clear_ibuf [dreg:s7], $0x8FFFF;
	_ =	strace $0x90000046  }
0xb4: {  	s26 =	simm.s32 $0x9;
	_ =	strace $0x80000048  }
0xb5: {  	_ =	swait.ge [sflag:s26], $0x1  }
0xb6: {  	[sflag:s26] =	ssyncadd.s32 $0xFFFFFFFF  }
0xb7: {  	_ =	strace $0x90000048  }
0xb8: {  	_ =	sfence  }
0xb9: {  	s28 =	sld [smem:$0x0];
	_ =	sdelay $0x1  }
0xba: {  	s29 =	srdreg.scid  }
0xbb: {  	s30 =	sshll.u32 s29, $0xD;
	s31 =	sshrl.u32 s29, $0x2  }
0xbc: {  	s1 =	sand.u32 $0x1, s29;
	s2 =	sand.u32 $0x4000, s30;
	s0 =	sadd.s32 s31, s28  }
0xbd: {  	s1 =	sor.u32 s2, s1;
	s0 =	sshll.u32 s0, $0x11  }
0xbe: {  	s0 =	sor.u32 s0, s1  }
0xbf: {  	s0 =	sadd.s32 $0x8F2B, s0  }
0xc0: {  	[sflag:s0] =	ssyncadd.remote.s32 $0x1  }
0xc1: {  	_ =	sfence.sel $0xFFFF  }
0xc2: {  	[dreg:$0x0] =	wrdreg $0xFFFFFFFF;
	(pc) =	sbr.abs _section_cstart, $3  }
0xc3: {  	[dreg:$0x1] =	wrdreg $0xFFFFFFFF  }
0xc4: {  	_ =	task.clear_ibuf [dreg:s7], $0x2FFFF;
	_ =	strace $0x9FFFFFFF  }
0xc5: {  	(tm) =	ssettm $0x7FFFFFFF  }
tec
execute0_lowered:
.L_overlay_start_1:
0x0: {  	(tag) =	ssettag $0x1  }
0x1: {  	s12 =	rddreg [dreg:$0x0]  }
0x2: {  	s18 =	rddreg [dreg:$0x1]  }
0x3: {  	s0 =	rddreg [dreg:$0x2]  }
0x4: {  	s11 =	rddreg [dreg:$0x3]  }
0x5: {  	s19 =	rddreg [dreg:$0x4];
	s2 =	simm.s32 $0x0  }
0x6: {  	[smem:$0x7FF] =	sst s2  }
0x7: {  	s10 =	simm.s32 $0x280;
	s13 =	simm.s32 $0xB;
	_ =	strace $0x80000047  }
0x8: {  	[tilespmem:s10], [sflag:$0xB] =	stream.linear.gather [hbm4b:s0+s2], $0x1400, $0x38;
	[tilespmem:$0x1BA80] =	vst v63  }
0x9: {  	s5 =	stileid.u32;
	s3 =	simm.s32 $0x6680;
	_ =	swait.ge [sflag:s13], $0x1400  }
0xa: {  	s30 =	simm.s32 $0x180;
	s28 =	simm.s32 $0x3E80;
	[sflag:s13] =	ssyncset.done $0x0  }
0xb: {  	s17 =	sadd.s32 $0x600, s11;
	s1 =	smul.u32 $0x50000, s5;
	[sflag:s13] =	ssyncadd.s32 $0xFFFFEC00  }
0xc: {  	[tilespmem:s3], [sflag:$0xB] =	stream.linear.gather [hbm4b:s17+s2], $0x1400, $0x38;
	[tilespmem:$0x1BA80] =	vst v63  }
0xd: {  	s14 =	smul.u32 $0x280, s5;
	s20 =	sshrl.u32 s1, $0x2;
	_ =	swait.ge [sflag:s13], $0x1400  }
0xe: {  	s31 =	simm.s32 $0x6;
	s0 =	sadd.s32 s20, s19;
	[sflag:s13] =	ssyncset.done $0x0  }
0xf: {  	s3 =	sor.u32 $0x28, s14;
	[dreg:$0x15] =	wrdreg s0;
	[sflag:s13] =	ssyncadd.s32 $0xFFFFEC00  }
0x10: {  	[spmem:s0] =	stream.linear.scatter [tilespmem:s10], [sflag:$0xB], $0x1400, $0x38;
	[tilespmem:$0x1BA80] =	vst v63  }
0x11: {  	s22 =	sor.u32 $0x50, s14;
	s21 =	sshll.u32 s3, $0x7;
	_ =	swait.ge [sflag:s13], $0x1400  }
0x12: {  	s23 =	sor.u32 $0x78, s14;
	s0 =	sadd.s32 s21, s19;
	[sflag:s13] =	ssyncset.done $0x0  }
0x13: {  	s24 =	sadd.s32 $0xA0, s14;
	[dreg:$0x14] =	wrdreg s0;
	[sflag:s13] =	ssyncadd.s32 $0xFFFFEC00  }
0x14: {  	[spmem:s0] =	stream.linear.scatter [tilespmem:s10], [sflag:$0xB], $0x1400, $0x38;
	[tilespmem:$0x1BA80] =	vst v63  }
0x15: {  	s25 =	sadd.s32 $0xC8, s14;
	s0 =	sshll.u32 s22, $0x7;
	_ =	swait.ge [sflag:s13], $0x1400  }
0x16: {  	s0 =	sadd.s32 s0, s19;
	[smem:$0x7F6] =	sst s22;
	[sflag:s13] =	ssyncset.done $0x0  }
0x17: {  	s26 =	sadd.s32 $0xF0, s14;
	[dreg:$0x13] =	wrdreg s0;
	[sflag:s13] =	ssyncadd.s32 $0xFFFFEC00  }
0x18: {  	[spmem:s0] =	stream.linear.scatter [tilespmem:s10], [sflag:$0xB], $0x1400, $0x38;
	[tilespmem:$0x1BA80] =	vst v63  }
0x19: {  	s29 =	sadd.s32 $0x118, s14;
	s0 =	sshll.u32 s23, $0x7;
	_ =	swait.ge [sflag:s13], $0x1400  }
0x1a: {  	s0 =	sadd.s32 s0, s19;
	[smem:$0x7F7] =	sst s23;
	[sflag:s13] =	ssyncset.done $0x0  }
0x1b: {  	s1 =	sadd.s32 $0x140, s14;
	[dreg:$0x12] =	wrdreg s0;
	[sflag:s13] =	ssyncadd.s32 $0xFFFFEC00  }
0x1c: {  	[spmem:s0] =	stream.linear.scatter [tilespmem:s10], [sflag:$0xB], $0x1400, $0x38;
	[tilespmem:$0x1BA80] =	vst v63  }
0x1d: {  	s4 =	sadd.s32 $0x168, s14;
	s0 =	sshll.u32 s24, $0x7;
	_ =	swait.ge [sflag:s13], $0x1400  }
0x1e: {  	s0 =	sadd.s32 s0, s19;
	[smem:$0x7F8] =	sst s24;
	[sflag:s13] =	ssyncset.done $0x0  }
0x1f: {  	s6 =	sadd.s32 $0x190, s14;
	[dreg:$0x11] =	wrdreg s0;
	[sflag:s13] =	ssyncadd.s32 $0xFFFFEC00  }
0x20: {  	[spmem:s0] =	stream.linear.scatter [tilespmem:s10], [sflag:$0xB], $0x1400, $0x38;
	[tilespmem:$0x1BA80] =	vst v63  }
0x21: {  	s7 =	sadd.s32 $0x1B8, s14;
	s0 =	sshll.u32 s25, $0x7;
	_ =	swait.ge [sflag:s13], $0x1400  }
0x22: {  	s0 =	sadd.s32 s0, s19;
	[smem:$0x7F9] =	sst s25;
	[sflag:s13] =	ssyncset.done $0x0  }
0x23: {  	s8 =	sadd.s32 $0x1E0, s14;
	[dreg:$0x10] =	wrdreg s0;
	[sflag:s13] =	ssyncadd.s32 $0xFFFFEC00  }
0x24: {  	[spmem:s0] =	stream.linear.scatter [tilespmem:s10], [sflag:$0xB], $0x1400, $0x38;
	[tilespmem:$0x1BA80] =	vst v63  }
0x25: {  	s9 =	sadd.s32 $0x208, s14;
	s0 =	sshll.u32 s26, $0x7;
	_ =	swait.ge [sflag:s13], $0x1400  }
0x26: {  	s0 =	sadd.s32 s0, s19;
	[smem:$0x7FA] =	sst s26;
	[sflag:s13] =	ssyncset.done $0x0  }
0x27: {  	s15 =	sadd.s32 $0x230, s14;
	[dreg:$0xf] =	wrdreg s0;
	[sflag:s13] =	ssyncadd.s32 $0xFFFFEC00  }
0x28: {  	[spmem:s0] =	stream.linear.scatter [tilespmem:s10], [sflag:$0xB], $0x1400, $0x38;
	[tilespmem:$0x1BA80] =	vst v63  }
0x29: {  	s16 =	sadd.s32 $0x258, s14;
	s0 =	sshll.u32 s29, $0x7;
	_ =	swait.ge [sflag:s13], $0x1400  }
0x2a: {  	s0 =	sadd.s32 s0, s19;
	[smem:$0x7FB] =	sst s29;
	[sflag:s13] =	ssyncset.done $0x0  }
0x2b: {  	s20 =	sadd.s32 $0xA00, s11;
	[dreg:$0xe] =	wrdreg s0;
	[sflag:s13] =	ssyncadd.s32 $0xFFFFEC00  }
0x2c: {  	[spmem:s0] =	stream.linear.scatter [tilespmem:s10], [sflag:$0xB], $0x1400, $0x38;
	[tilespmem:$0x1BA80] =	vst v63  }
0x2d: {  	s17 =	smul.u32 $0x4E20, s5;
	s0 =	sshll.u32 s1, $0x7;
	_ =	swait.ge [sflag:s13], $0x1400  }
0x2e: {  	s0 =	sadd.s32 s0, s19;
	[sflag:s13] =	ssyncset.done $0x0;
	[smem:$0x7FC] =	sst s1  }
0x2f: {  	s14 =	simm.s32 $0x80;
	[dreg:$0xd] =	wrdreg s0;
	[sflag:s13] =	ssyncadd.s32 $0xFFFFEC00  }
0x30: {  	[spmem:s0] =	stream.linear.scatter [tilespmem:s10], [sflag:$0xB], $0x1400, $0x38;
	[tilespmem:$0x1BA80] =	vst v63  }
0x31: {  	s21 =	sshrl.u32 s17, $0x3;
	s0 =	sshll.u32 s4, $0x7;
	_ =	swait.ge [sflag:s13], $0x1400  }
0x32: {  	s0 =	sadd.s32 s0, s19;
	[sflag:s13] =	ssyncset.done $0x0;
	[smem:$0x7FD] =	sst s4  }
0x33: {  	s22 =	smul.u32 $0x4E200, s5;
	[dreg:$0xc] =	wrdreg s0;
	[sflag:s13] =	ssyncadd.s32 $0xFFFFEC00  }
0x34: {  	[spmem:s0] =	stream.linear.scatter [tilespmem:s10], [sflag:$0xB], $0x1400, $0x38;
	[tilespmem:$0x1BA80] =	vst v63  }
0x35: {  	s23 =	sadd.s32 $0x28, s17;
	s0 =	sshll.u32 s6, $0x7;
	_ =	swait.ge [sflag:s13], $0x1400  }
0x36: {  	[dreg:$0x1f] =	wrdreg s6;
	s0 =	sadd.s32 s0, s19;
	[sflag:s13] =	ssyncset.done $0x0  }
0x37: {  	s24 =	sshrl.u32 s23, $0x3;
	[dreg:$0xb] =	wrdreg s0;
	[sflag:s13] =	ssyncadd.s32 $0xFFFFEC00  }
0x38: {  	[spmem:s0] =	stream.linear.scatter [tilespmem:s10], [sflag:$0xB], $0x1400, $0x38;
	[tilespmem:$0x1BA80] =	vst v63  }
0x39: {  	s25 =	smul.u32 $0x9C4, s5;
	s0 =	sshll.u32 s7, $0x7;
	_ =	swait.ge [sflag:s13], $0x1400  }
0x3a: {  	[dreg:$0x1e] =	wrdreg s7;
	s0 =	sadd.s32 s0, s19;
	[sflag:s13] =	ssyncset.done $0x0  }
0x3b: {  	s5 =	simm.s32 $0x4;
	[dreg:$0xa] =	wrdreg s0;
	[sflag:s13] =	ssyncadd.s32 $0xFFFFEC00  }
0x3c: {  	[spmem:s0] =	stream.linear.scatter [tilespmem:s10], [sflag:$0xB], $0x1400, $0x38;
	[tilespmem:$0x1BA80] =	vst v63  }
0x3d: {  	s26 =	sadd.s32 s25, s18;
	s0 =	sshll.u32 s8, $0x7;
	_ =	swait.ge [sflag:s13], $0x1400  }
0x3e: {  	[dreg:$0x1d] =	wrdreg s8;
	s0 =	sadd.s32 s0, s19;
	[sflag:s13] =	ssyncset.done $0x0  }
0x3f: {  	s25 =	simm.s32 $0x2A80;
	[dreg:$0x9] =	wrdreg s0;
	[sflag:s13] =	ssyncadd.s32 $0xFFFFEC00  }
0x40: {  	[spmem:s0] =	stream.linear.scatter [tilespmem:s10], [sflag:$0xB], $0x1400, $0x38;
	[tilespmem:$0x1BA80] =	vst v63  }
0x41: {  	s11 =	sadd.s32 $0x1E, s26;
	s0 =	sshll.u32 s9, $0x7;
	_ =	swait.ge [sflag:s13], $0x1400  }
0x42: {  	[dreg:$0x1b] =	wrdreg s9;
	s0 =	sadd.s32 s0, s19;
	[sflag:s13] =	ssyncset.done $0x0  }
0x43: {  	s29 =	sadd.s32 $0x50, s17;
	[dreg:$0x8] =	wrdreg s0;
	[sflag:s13] =	ssyncadd.s32 $0xFFFFEC00  }
0x44: {  	[spmem:s0] =	stream.linear.scatter [tilespmem:s10], [sflag:$0xB], $0x1400, $0x38;
	[tilespmem:$0x1BA80] =	vst v63  }
0x45: {  	s1 =	sshll.u32 s23, $0x4;
	s0 =	sshll.u32 s15, $0x7;
	_ =	swait.ge [sflag:s13], $0x1400  }
0x46: {  	[dreg:$0x19] =	wrdreg s15;
	s0 =	sadd.s32 s0, s19;
	[sflag:s13] =	ssyncset.done $0x0  }
0x47: {  	s23 =	sadd.s32 $0xC8, s17;
	[dreg:$0x7] =	wrdreg s0;
	[sflag:s13] =	ssyncadd.s32 $0xFFFFEC00  }
0x48: {  	[spmem:s0] =	stream.linear.scatter [tilespmem:s10], [sflag:$0xB], $0x1400, $0x38;
	[tilespmem:$0x1BA80] =	vst v63  }
0x49: {  	s1 =	sadd.s32 s12, s1;
	s0 =	sshll.u32 s16, $0x7;
	_ =	swait.ge [sflag:s13], $0x1400  }
0x4a: {  	[dreg:$0x17] =	wrdreg s16;
	s0 =	sadd.s32 s0, s19;
	[sflag:s13] =	ssyncset.done $0x0  }
0x4b: {  	s4 =	sadd.s32 s18, s21;
	[dreg:$0x6] =	wrdreg s0;
	[sflag:s13] =	ssyncadd.s32 $0xFFFFEC00  }
0x4c: {  	[spmem:s0] =	stream.linear.scatter [tilespmem:s10], [sflag:$0xB], $0x1400, $0x38;
	[tilespmem:$0x1BA80] =	vst v63  }
0x4d: {  	s21 =	sadd.s32 $0x78, s17;
	s7 =	simm.s32 $0x5;
	_ =	swait.ge [sflag:s13], $0x1400  }
0x4e: {  	s8 =	simm.s32 $0x0;
	s9 =	simm.s32 $0x7;
	[sflag:s13] =	ssyncset.done $0x0  }
0x4f: {  	s15 =	simm.s32 $0x100;
	s16 =	simm.s32 $0x5280;
	[sflag:s13] =	ssyncadd.s32 $0xFFFFEC00  }
0x50: {  	s0 =	simm.s32 $0x28;
	s13 =	sadd.s32 s12, s22;
	[bflag:$0x0] =	sbarrier.arrive $0xFFFF  }
0x51: {  	[tilespmem:s2], [sflag:$0x1] =	stream.linear.gather [hbm4b:s4+s2], $0x28, $0x38;
	[tilespmem:$0x1BA80] =	vst v63  }
0x52: {  	s12 =	simm.s32 $0x1680;
	s22 =	sadd.s32 $0xA0, s17;
	[dreg:$0x16] =	wrdreg s4  }
0x53: {  	[tilespmem:s10], [sflag:$0x1] =	stream.linear.gather [hbm4b:s13+s2], $0x1400, $0x38;
	[tilespmem:$0x1BA80] =	vst v63  }
0x54: {  	s4 =	sadd.s32 s18, s24;
	[dreg:$0x1c] =	wrdreg s29;
	s24 =	sadd.s32 $0xF0, s17  }
0x55: {  	[tilespmem:s14], [sflag:$0x2] =	stream.linear.gather [hbm4b:s4+s2], $0x28, $0x38;
	[tilespmem:$0x1BA80] =	vst v63  }
0x56: {  	[dreg:$0x1a] =	wrdreg s26;
	s17 =	simm.s32 $0x1;
	s26 =	simm.s32 $0x2  }
0x57: {  	[tilespmem:s12], [sflag:$0x2] =	stream.linear.gather [hbm4b:s1+s2], $0x1400, $0x38;
	[tilespmem:$0x1BA80] =	vst v63  }
0x58: {  	[dreg:$0x18] =	wrdreg s4;
	s4 =	simm.s32 $0x3;
	s1 =	simm.s32 $0x200  }
.LBB2_1:
0x59: {  	p0 =	seq.s32 s8, $0x0  }
0x5a: {  	s6 =	simm.s32 @!p0 $0x8  }
0x5b: {  	_ =	swait.ge @!p0 [sflag:s6], $0x1400  }
0x5c: {  	[sflag:s6] =	ssyncset.done @!p0 $0x0  }
0x5d: {  	s29 =	sadd.s32 $0xFFFFFFEC, s11;
	[sflag:s6] =	ssyncadd.s32 @!p0 $0xFFFFEC00;
	s6 =	sadd.s32 s8, s13  }
0x5e: {  	[tilespmem:s15], [sflag:$0x3] =	stream.linear.gather [hbm4b:s29+s2], $0x28, $0x38;
	[tilespmem:$0x1BA80] =	vst v63  }
0x5f: {  	s29 =	sadd.s32 $0x500, s6  }
0x60: {  	[tilespmem:s25], [sflag:$0x3] =	stream.linear.gather [hbm4b:s29+s2], $0x1400, $0x38;
	[tilespmem:$0x1BA80] =	vst v63  }
0x61: {  	s29 =	simm.s32 @!p0 $0x9  }
0x62: {  	_ =	swait.ge @!p0 [sflag:s29], $0x1400  }
0x63: {  	[sflag:s29] =	ssyncset.done @!p0 $0x0  }
0x64: {  	[sflag:s29] =	ssyncadd.s32 @!p0 $0xFFFFEC00;
	s29 =	sadd.s32 $0xFFFFFFF1, s11  }
0x65: {  	[tilespmem:s30], [sflag:$0x4] =	stream.linear.gather [hbm4b:s29+s2], $0x28, $0x38;
	[tilespmem:$0x1BA80] =	vst v63  }
0x66: {  	s29 =	sadd.s32 $0x780, s6  }
0x67: {  	[tilespmem:s28], [sflag:$0x4] =	stream.linear.gather [hbm4b:s29+s2], $0x1400, $0x38;
	[tilespmem:$0x1BA80] =	vst v63  }
0x68: {  	s29 =	simm.s32 @!p0 $0xA  }
0x69: {  	_ =	swait.ge @!p0 [sflag:s29], $0x1400  }
0x6a: {  	[sflag:s29] =	ssyncset.done @!p0 $0x0  }
0x6b: {  	[sflag:s29] =	ssyncadd.s32 @!p0 $0xFFFFEC00;
	s29 =	sadd.s32 $0xFFFFFFF6, s11  }
0x6c: {  	[tilespmem:s1], [sflag:$0x5] =	stream.linear.gather [hbm4b:s29+s2], $0x28, $0x38;
	[tilespmem:$0x1BA80] =	vst v63  }
0x6d: {  	s29 =	sadd.s32 $0xA00, s6  }
0x6e: {  	[tilespmem:s16], [sflag:$0x5] =	stream.linear.gather [hbm4b:s29+s2], $0x1400, $0x38;
	[tilespmem:$0x1BA80] =	vst v63  }
0x6f: {  	_ =	swait.ge [sflag:s17], $0x28  }
0x70: {  	[sflag:s17] =	ssyncset.done $0x0  }
0x71: {  	[sflag:s17] =	ssyncadd.s32 $0xFFFFFFD8  }
0x72: {  	_ =	swait.ge [sflag:s17], $0x1400  }
0x73: {  	[sflag:s17] =	ssyncset.done $0x0  }
0x74: {  	[sflag:s17] =	ssyncadd.s32 $0xFFFFEC00  }
0x75: {  	[spmem:s19] =	stream.indirect.scatter.add.f32 [tilespmem:s10], [sflag:$0x6], $0x80, s2, s0, $0xb8;
	[tilespmem:$0x1BA80] =	vst v63  }
0x76: {  	_ =	swait.ge [sflag:s26], $0x28  }
0x77: {  	[sflag:s26] =	ssyncset.done $0x0  }
0x78: {  	[sflag:s26] =	ssyncadd.s32 $0xFFFFFFD8  }
0x79: {  	_ =	swait.ge [sflag:s26], $0x1400  }
0x7a: {  	[sflag:s26] =	ssyncset.done $0x0  }
0x7b: {  	[sflag:s26] =	ssyncadd.s32 $0xFFFFEC00  }
0x7c: {  	[spmem:s19] =	stream.indirect.scatter.add.f32 [tilespmem:s12], [sflag:$0x7], $0x80, s14, s0, $0xb8;
	[tilespmem:$0x1BA80] =	vst v63  }
0x7d: {  	_ =	swait.ge [sflag:s4], $0x28  }
0x7e: {  	[sflag:s4] =	ssyncset.done $0x0  }
0x7f: {  	[sflag:s4] =	ssyncadd.s32 $0xFFFFFFD8  }
0x80: {  	_ =	swait.ge [sflag:s4], $0x1400  }
0x81: {  	[sflag:s4] =	ssyncset.done $0x0  }
0x82: {  	[sflag:s4] =	ssyncadd.s32 $0xFFFFEC00  }
0x83: {  	[spmem:s19] =	stream.indirect.scatter.add.f32 [tilespmem:s25], [sflag:$0x8], $0x80, s15, s0, $0xb8;
	[tilespmem:$0x1BA80] =	vst v63  }
0x84: {  	_ =	swait.ge [sflag:s5], $0x28  }
0x85: {  	[sflag:s5] =	ssyncset.done $0x0  }
0x86: {  	[sflag:s5] =	ssyncadd.s32 $0xFFFFFFD8  }
0x87: {  	_ =	swait.ge [sflag:s5], $0x1400  }
0x88: {  	[sflag:s5] =	ssyncset.done $0x0  }
0x89: {  	[sflag:s5] =	ssyncadd.s32 $0xFFFFEC00  }
0x8a: {  	[spmem:s19] =	stream.indirect.scatter.add.f32 [tilespmem:s28], [sflag:$0x9], $0x80, s30, s0, $0xb8;
	[tilespmem:$0x1BA80] =	vst v63  }
0x8b: {  	_ =	swait.ge [sflag:s7], $0x28  }
0x8c: {  	p0 =	seq.s32 s8, $0x4D580;
	[sflag:s7] =	ssyncset.done $0x0  }
.Ltmp0:
0x8d: {  	[sflag:s7] =	ssyncadd.s32 $0xFFFFFFD8;
	(pc) =	sbr.rel @p0 .LBB2_3-.Ltmp0, $4  }
0x8e: {  	_ =	swait.ge [sflag:s7], $0x1400  }
0x8f: {  	[sflag:s7] =	ssyncset.done $0x0  }
0x90: {  	[sflag:s7] =	ssyncadd.s32 $0xFFFFEC00  }
0x91: {  	[spmem:s19] =	stream.indirect.scatter.add.f32 [tilespmem:s16], [sflag:$0xA], $0x80, s1, s0, $0xb8;
	[tilespmem:$0x1BA80] =	vst v63  }
0x92: {  	_ =	swait.ge [sflag:s31], $0x1400  }
0x93: {  	[sflag:s31] =	ssyncset.done $0x0  }
0x94: {  	s29 =	sadd.s32 $0xFFFFFFFB, s11;
	[sflag:s31] =	ssyncadd.s32 $0xFFFFEC00  }
0x95: {  	[tilespmem:s2], [sflag:$0x1] =	stream.linear.gather [hbm4b:s29+s2], $0x28, $0x38;
	[tilespmem:$0x1BA80] =	vst v63  }
0x96: {  	s29 =	sadd.s32 $0xC80, s6  }
0x97: {  	[tilespmem:s10], [sflag:$0x1] =	stream.linear.gather [hbm4b:s29+s2], $0x1400, $0x38;
	[tilespmem:$0x1BA80] =	vst v63  }
0x98: {  	_ =	swait.ge [sflag:s9], $0x1400  }
.Ltmp1:
0x99: {  	[sflag:s9] =	ssyncset.done $0x0;
	(pc) =	sbr.rel .LBB2_1-.Ltmp1, $4  }
0x9a: {  	[sflag:s9] =	ssyncadd.s32 $0xFFFFEC00  }
0x9b: {  	[tilespmem:s14], [sflag:$0x2] =	stream.linear.gather [hbm4b:s11+s2], $0x28, $0x38;
	[tilespmem:$0x1BA80] =	vst v63  }
0x9c: {  	s8 =	sadd.s32 $0xC80, s8;
	s29 =	sadd.s32 $0xF00, s6;
	s11 =	sadd.s32 $0x19, s11  }
0x9d: {  	[tilespmem:s12], [sflag:$0x2] =	stream.linear.gather [hbm4b:s29+s2], $0x1400, $0x38;
	[tilespmem:$0x1BA80] =	vst v63  }
.LBB2_3:
0x9e: {  	s25 =	simm.s32 $0x6  }
0x9f: {  	_ =	swait.ge [sflag:s25], $0x1400  }
0xa0: {  	[sflag:s25] =	ssyncset.done $0x0  }
0xa1: {  	s2 =	simm.s32 $0x7;
	[sflag:s25] =	ssyncadd.s32 $0xFFFFEC00  }
0xa2: {  	_ =	swait.ge [sflag:s2], $0x1400  }
0xa3: {  	[sflag:s2] =	ssyncset.done $0x0  }
0xa4: {  	s0 =	simm.s32 $0x8;
	[sflag:s2] =	ssyncadd.s32 $0xFFFFEC00  }
0xa5: {  	_ =	swait.ge [sflag:s0], $0x1400  }
0xa6: {  	[sflag:s0] =	ssyncset.done $0x0  }
0xa7: {  	s26 =	simm.s32 $0x9;
	[sflag:s0] =	ssyncadd.s32 $0xFFFFEC00  }
0xa8: {  	_ =	swait.ge [sflag:s26], $0x1400  }
0xa9: {  	[sflag:s26] =	ssyncset.done $0x0  }
0xaa: {  	s1 =	simm.s32 $0xA;
	[sflag:s26] =	ssyncadd.s32 $0xFFFFEC00  }
0xab: {  	_ =	swait.ge [sflag:s1], $0x1400  }
0xac: {  	[sflag:s1] =	ssyncset.done $0x0  }
0xad: {  	[sflag:s1] =	ssyncadd.s32 $0xFFFFEC00  }
0xae: {  	s30 =	simm.s32 $0x0;
	[bflag:$0x0] =	sbarrier.arrive $0xFFFF  }
0xaf: {  	s14 =	simm.s32 $0x1680;
	s13 =	simm.s32 $0xB;
	s4 =	rddreg [dreg:$0x2]  }
0xb0: {  	[tilespmem:s14], [sflag:$0xB] =	stream.linear.gather [hbm4b:s4+s30], $0x1400, $0x38;
	[tilespmem:$0x1BA80] =	vst v63  }
0xb1: {  	_ =	swait.ge [sflag:s13], $0x1400  }
0xb2: {  	s5 =	stileid.u32;
	s15 =	simm.s32 $0x280;
	[sflag:s13] =	ssyncset.done $0x0  }
0xb3: {  	s0 =	smul.u32 $0x14000, s5;
	s1 =	rddreg [dreg:$0x15];
	[sflag:s13] =	ssyncadd.s32 $0xFFFFEC00  }
0xb4: {  	[tilespmem:s15], [sflag:$0xB] =	stream.linear.gather [spmem:s1], $0x1400, $0x38;
	[tilespmem:$0x1BA80] =	vst v63  }
0xb5: {  	_ =	swait.ge [sflag:s13], $0x1400  }
0xb6: {  	s0 =	sshrl.u32 s0, $0x3;
	[sflag:s13] =	ssyncset.done $0x0  }
0xb7: {  	[smem:$0x7EA] =	sst s0;
	s0 =	sadd.s32 s20, s0;
	[sflag:s13] =	ssyncadd.s32 $0xFFFFEC00  }
0xb8: {  	[hbm4b:s0+s30] =	stream.linear.scatter [tilespmem:s15], [sflag:$0xB], $0x1400, $0x38;
	[tilespmem:$0x1BA80] =	vst v63  }
0xb9: {  	_ =	swait.ge [sflag:s13], $0x1400  }
0xba: {  	[sflag:s13] =	ssyncset.done $0x0  }
0xbb: {  	[sflag:s13] =	ssyncadd.s32 $0xFFFFEC00  }
0xbc: {  	[spmem:s1] =	stream.linear.scatter [tilespmem:s14], [sflag:$0xB], $0x1400, $0x38;
	[tilespmem:$0x1BA80] =	vst v63  }
0xbd: {  	_ =	swait.ge [sflag:s13], $0x1400  }
0xbe: {  	[sflag:s13] =	ssyncset.done $0x0  }
0xbf: {  	s6 =	rddreg [dreg:$0x14];
	[sflag:s13] =	ssyncadd.s32 $0xFFFFEC00  }
0xc0: {  	[tilespmem:s15], [sflag:$0xB] =	stream.linear.gather [spmem:s6], $0x1400, $0x38;
	[tilespmem:$0x1BA80] =	vst v63  }
0xc1: {  	_ =	swait.ge [sflag:s13], $0x1400  }
0xc2: {  	s7 =	sshll.u32 s3, $0x4;
	[sflag:s13] =	ssyncset.done $0x0  }
0xc3: {  	s0 =	sadd.s32 s20, s7;
	[smem:$0x7EB] =	sst s7;
	[sflag:s13] =	ssyncadd.s32 $0xFFFFEC00  }
0xc4: {  	[hbm4b:s0+s30] =	stream.linear.scatter [tilespmem:s15], [sflag:$0xB], $0x1400, $0x38;
	[tilespmem:$0x1BA80] =	vst v63  }
0xc5: {  	_ =	swait.ge [sflag:s13], $0x1400  }
0xc6: {  	[sflag:s13] =	ssyncset.done $0x0  }
0xc7: {  	[sflag:s13] =	ssyncadd.s32 $0xFFFFEC00  }
0xc8: {  	[spmem:s6] =	stream.linear.scatter [tilespmem:s14], [sflag:$0xB], $0x1400, $0x38;
	[tilespmem:$0x1BA80] =	vst v63  }
0xc9: {  	_ =	swait.ge [sflag:s13], $0x1400  }
0xca: {  	[sflag:s13] =	ssyncset.done $0x0  }
0xcb: {  	s8 =	rddreg [dreg:$0x13];
	[sflag:s13] =	ssyncadd.s32 $0xFFFFEC00  }
0xcc: {  	[tilespmem:s15], [sflag:$0xB] =	stream.linear.gather [spmem:s8], $0x1400, $0x38;
	[tilespmem:$0x1BA80] =	vst v63  }
0xcd: {  	_ =	swait.ge [sflag:s13], $0x1400  }
0xce: {  	s9 =	sld [smem:$0x7F6];
	_ =	sdelay $0x2  }
0xcf: {  	[sflag:s13] =	ssyncset.done $0x0;
	s0 =	sshll.u32 s9, $0x4  }
0xd0: {  	[sflag:s13] =	ssyncadd.s32 $0xFFFFEC00;
	[smem:$0x7EC] =	sst s0;
	s0 =	sadd.s32 s20, s0  }
0xd1: {  	[hbm4b:s0+s30] =	stream.linear.scatter [tilespmem:s15], [sflag:$0xB], $0x1400, $0x38;
	[tilespmem:$0x1BA80] =	vst v63  }
0xd2: {  	_ =	swait.ge [sflag:s13], $0x1400  }
0xd3: {  	[sflag:s13] =	ssyncset.done $0x0  }
0xd4: {  	[sflag:s13] =	ssyncadd.s32 $0xFFFFEC00  }
0xd5: {  	[spmem:s8] =	stream.linear.scatter [tilespmem:s14], [sflag:$0xB], $0x1400, $0x38;
	[tilespmem:$0x1BA80] =	vst v63  }
0xd6: {  	_ =	swait.ge [sflag:s13], $0x1400  }
0xd7: {  	[sflag:s13] =	ssyncset.done $0x0  }
0xd8: {  	s10 =	rddreg [dreg:$0x12];
	[sflag:s13] =	ssyncadd.s32 $0xFFFFEC00  }
0xd9: {  	[tilespmem:s15], [sflag:$0xB] =	stream.linear.gather [spmem:s10], $0x1400, $0x38;
	[tilespmem:$0x1BA80] =	vst v63  }
0xda: {  	_ =	swait.ge [sflag:s13], $0x1400  }
0xdb: {  	s11 =	sld [smem:$0x7F7];
	_ =	sdelay $0x2  }
0xdc: {  	[sflag:s13] =	ssyncset.done $0x0;
	s0 =	sshll.u32 s11, $0x4  }
0xdd: {  	[sflag:s13] =	ssyncadd.s32 $0xFFFFEC00;
	[smem:$0x7ED] =	sst s0;
	s0 =	sadd.s32 s20, s0  }
0xde: {  	[hbm4b:s0+s30] =	stream.linear.scatter [tilespmem:s15], [sflag:$0xB], $0x1400, $0x38;
	[tilespmem:$0x1BA80] =	vst v63  }
0xdf: {  	_ =	swait.ge [sflag:s13], $0x1400  }
0xe0: {  	[sflag:s13] =	ssyncset.done $0x0  }
0xe1: {  	[sflag:s13] =	ssyncadd.s32 $0xFFFFEC00  }
0xe2: {  	[spmem:s10] =	stream.linear.scatter [tilespmem:s14], [sflag:$0xB], $0x1400, $0x38;
	[tilespmem:$0x1BA80] =	vst v63  }
0xe3: {  	_ =	swait.ge [sflag:s13], $0x1400  }
0xe4: {  	[sflag:s13] =	ssyncset.done $0x0  }
0xe5: {  	s12 =	rddreg [dreg:$0x11];
	[sflag:s13] =	ssyncadd.s32 $0xFFFFEC00  }
0xe6: {  	[tilespmem:s15], [sflag:$0xB] =	stream.linear.gather [spmem:s12], $0x1400, $0x38;
	[tilespmem:$0x1BA80] =	vst v63  }
0xe7: {  	_ =	swait.ge [sflag:s13], $0x1400  }
0xe8: {  	s16 =	sld [smem:$0x7F8];
	_ =	sdelay $0x2  }
0xe9: {  	[sflag:s13] =	ssyncset.done $0x0;
	s0 =	sshll.u32 s16, $0x4  }
0xea: {  	[sflag:s13] =	ssyncadd.s32 $0xFFFFEC00;
	[smem:$0x7EE] =	sst s0;
	s0 =	sadd.s32 s20, s0  }
0xeb: {  	[hbm4b:s0+s30] =	stream.linear.scatter [tilespmem:s15], [sflag:$0xB], $0x1400, $0x38;
	[tilespmem:$0x1BA80] =	vst v63  }
0xec: {  	_ =	swait.ge [sflag:s13], $0x1400  }
0xed: {  	[sflag:s13] =	ssyncset.done $0x0  }
0xee: {  	[sflag:s13] =	ssyncadd.s32 $0xFFFFEC00  }
0xef: {  	[spmem:s12] =	stream.linear.scatter [tilespmem:s14], [sflag:$0xB], $0x1400, $0x38;
	[tilespmem:$0x1BA80] =	vst v63  }
0xf0: {  	_ =	swait.ge [sflag:s13], $0x1400  }
0xf1: {  	[sflag:s13] =	ssyncset.done $0x0  }
0xf2: {  	s17 =	rddreg [dreg:$0x10];
	[sflag:s13] =	ssyncadd.s32 $0xFFFFEC00  }
0xf3: {  	[tilespmem:s15], [sflag:$0xB] =	stream.linear.gather [spmem:s17], $0x1400, $0x38;
	[tilespmem:$0x1BA80] =	vst v63  }
0xf4: {  	_ =	swait.ge [sflag:s13], $0x1400  }
0xf5: {  	s26 =	sld [smem:$0x7F9];
	_ =	sdelay $0x2  }
0xf6: {  	[sflag:s13] =	ssyncset.done $0x0;
	s0 =	sshll.u32 s26, $0x4  }
0xf7: {  	[sflag:s13] =	ssyncadd.s32 $0xFFFFEC00;
	[smem:$0x7EF] =	sst s0;
	s0 =	sadd.s32 s20, s0  }
0xf8: {  	[hbm4b:s0+s30] =	stream.linear.scatter [tilespmem:s15], [sflag:$0xB], $0x1400, $0x38;
	[tilespmem:$0x1BA80] =	vst v63  }
0xf9: {  	_ =	swait.ge [sflag:s13], $0x1400  }
0xfa: {  	[sflag:s13] =	ssyncset.done $0x0  }
0xfb: {  	[sflag:s13] =	ssyncadd.s32 $0xFFFFEC00  }
0xfc: {  	[spmem:s17] =	stream.linear.scatter [tilespmem:s14], [sflag:$0xB], $0x1400, $0x38;
	[tilespmem:$0x1BA80] =	vst v63  }
0xfd: {  	_ =	swait.ge [sflag:s13], $0x1400  }
0xfe: {  	[sflag:s13] =	ssyncset.done $0x0  }
0xff: {  	s3 =	rddreg [dreg:$0xf];
	[sflag:s13] =	ssyncadd.s32 $0xFFFFEC00  }
0x100: {  	[tilespmem:s15], [sflag:$0xB] =	stream.linear.gather [spmem:s3], $0x1400, $0x38;
	[tilespmem:$0x1BA80] =	vst v63  }
0x101: {  	_ =	swait.ge [sflag:s13], $0x1400  }
0x102: {  	s4 =	sld [smem:$0x7FA];
	_ =	sdelay $0x2  }
0x103: {  	[sflag:s13] =	ssyncset.done $0x0;
	s0 =	sshll.u32 s4, $0x4  }
0x104: {  	[sflag:s13] =	ssyncadd.s32 $0xFFFFEC00;
	[smem:$0x7F0] =	sst s0;
	s0 =	sadd.s32 s20, s0  }
0x105: {  	[hbm4b:s0+s30] =	stream.linear.scatter [tilespmem:s15], [sflag:$0xB], $0x1400, $0x38;
	[tilespmem:$0x1BA80] =	vst v63  }
0x106: {  	_ =	swait.ge [sflag:s13], $0x1400  }
0x107: {  	[sflag:s13] =	ssyncset.done $0x0  }
0x108: {  	[sflag:s13] =	ssyncadd.s32 $0xFFFFEC00  }
0x109: {  	[spmem:s3] =	stream.linear.scatter [tilespmem:s14], [sflag:$0xB], $0x1400, $0x38;
	[tilespmem:$0x1BA80] =	vst v63  }
0x10a: {  	_ =	swait.ge [sflag:s13], $0x1400  }
0x10b: {  	[sflag:s13] =	ssyncset.done $0x0  }
0x10c: {  	s5 =	rddreg [dreg:$0xe];
	[sflag:s13] =	ssyncadd.s32 $0xFFFFEC00  }
0x10d: {  	[tilespmem:s15], [sflag:$0xB] =	stream.linear.gather [spmem:s5], $0x1400, $0x38;
	[tilespmem:$0x1BA80] =	vst v63  }
0x10e: {  	_ =	swait.ge [sflag:s13], $0x1400  }
0x10f: {  	s6 =	sld [smem:$0x7FB];
	_ =	sdelay $0x2  }
0x110: {  	[sflag:s13] =	ssyncset.done $0x0;
	s0 =	sshll.u32 s6, $0x4  }
0x111: {  	[sflag:s13] =	ssyncadd.s32 $0xFFFFEC00;
	[smem:$0x7F1] =	sst s0;
	s0 =	sadd.s32 s20, s0  }
0x112: {  	[hbm4b:s0+s30] =	stream.linear.scatter [tilespmem:s15], [sflag:$0xB], $0x1400, $0x38;
	[tilespmem:$0x1BA80] =	vst v63  }
0x113: {  	_ =	swait.ge [sflag:s13], $0x1400  }
0x114: {  	[sflag:s13] =	ssyncset.done $0x0  }
0x115: {  	[sflag:s13] =	ssyncadd.s32 $0xFFFFEC00  }
0x116: {  	[spmem:s5] =	stream.linear.scatter [tilespmem:s14], [sflag:$0xB], $0x1400, $0x38;
	[tilespmem:$0x1BA80] =	vst v63  }
0x117: {  	_ =	swait.ge [sflag:s13], $0x1400  }
0x118: {  	[sflag:s13] =	ssyncset.done $0x0  }
0x119: {  	s7 =	rddreg [dreg:$0xd];
	[sflag:s13] =	ssyncadd.s32 $0xFFFFEC00  }
0x11a: {  	[tilespmem:s15], [sflag:$0xB] =	stream.linear.gather [spmem:s7], $0x1400, $0x38;
	[tilespmem:$0x1BA80] =	vst v63  }
0x11b: {  	_ =	swait.ge [sflag:s13], $0x1400  }
0x11c: {  	s8 =	sld [smem:$0x7FC];
	_ =	sdelay $0x2  }
0x11d: {  	[sflag:s13] =	ssyncset.done $0x0;
	s0 =	sshll.u32 s8, $0x4  }
0x11e: {  	[sflag:s13] =	ssyncadd.s32 $0xFFFFEC00;
	[smem:$0x7F2] =	sst s0;
	s0 =	sadd.s32 s20, s0  }
0x11f: {  	[hbm4b:s0+s30] =	stream.linear.scatter [tilespmem:s15], [sflag:$0xB], $0x1400, $0x38;
	[tilespmem:$0x1BA80] =	vst v63  }
0x120: {  	_ =	swait.ge [sflag:s13], $0x1400  }
0x121: {  	[sflag:s13] =	ssyncset.done $0x0  }
0x122: {  	[sflag:s13] =	ssyncadd.s32 $0xFFFFEC00  }
0x123: {  	[spmem:s7] =	stream.linear.scatter [tilespmem:s14], [sflag:$0xB], $0x1400, $0x38;
	[tilespmem:$0x1BA80] =	vst v63  }
0x124: {  	_ =	swait.ge [sflag:s13], $0x1400  }
0x125: {  	[sflag:s13] =	ssyncset.done $0x0  }
0x126: {  	s9 =	rddreg [dreg:$0xc];
	[sflag:s13] =	ssyncadd.s32 $0xFFFFEC00  }
0x127: {  	[tilespmem:s15], [sflag:$0xB] =	stream.linear.gather [spmem:s9], $0x1400, $0x38;
	[tilespmem:$0x1BA80] =	vst v63  }
0x128: {  	_ =	swait.ge [sflag:s13], $0x1400  }
0x129: {  	s10 =	sld [smem:$0x7FD];
	_ =	sdelay $0x2  }
0x12a: {  	[sflag:s13] =	ssyncset.done $0x0;
	s0 =	sshll.u32 s10, $0x4  }
0x12b: {  	[sflag:s13] =	ssyncadd.s32 $0xFFFFEC00;
	[smem:$0x7F3] =	sst s0;
	s0 =	sadd.s32 s20, s0  }
0x12c: {  	[hbm4b:s0+s30] =	stream.linear.scatter [tilespmem:s15], [sflag:$0xB], $0x1400, $0x38;
	[tilespmem:$0x1BA80] =	vst v63  }
0x12d: {  	_ =	swait.ge [sflag:s13], $0x1400  }
0x12e: {  	[sflag:s13] =	ssyncset.done $0x0  }
0x12f: {  	[sflag:s13] =	ssyncadd.s32 $0xFFFFEC00  }
0x130: {  	[spmem:s9] =	stream.linear.scatter [tilespmem:s14], [sflag:$0xB], $0x1400, $0x38;
	[tilespmem:$0x1BA80] =	vst v63  }
0x131: {  	_ =	swait.ge [sflag:s13], $0x1400  }
0x132: {  	[sflag:s13] =	ssyncset.done $0x0  }
0x133: {  	s11 =	rddreg [dreg:$0xb];
	[sflag:s13] =	ssyncadd.s32 $0xFFFFEC00  }
0x134: {  	[tilespmem:s15], [sflag:$0xB] =	stream.linear.gather [spmem:s11], $0x1400, $0x38;
	[tilespmem:$0x1BA80] =	vst v63  }
0x135: {  	_ =	swait.ge [sflag:s13], $0x1400  }
0x136: {  	s12 =	rddreg [dreg:$0x1f]  }
0x137: {  	[sflag:s13] =	ssyncset.done $0x0;
	s0 =	sshll.u32 s12, $0x4  }
0x138: {  	[sflag:s13] =	ssyncadd.s32 $0xFFFFEC00;
	[smem:$0x7F4] =	sst s0;
	s0 =	sadd.s32 s20, s0  }
0x139: {  	[hbm4b:s0+s30] =	stream.linear.scatter [tilespmem:s15], [sflag:$0xB], $0x1400, $0x38;
	[tilespmem:$0x1BA80] =	vst v63  }
0x13a: {  	_ =	swait.ge [sflag:s13], $0x1400  }
0x13b: {  	[sflag:s13] =	ssyncset.done $0x0  }
0x13c: {  	[sflag:s13] =	ssyncadd.s32 $0xFFFFEC00  }
0x13d: {  	[spmem:s11] =	stream.linear.scatter [tilespmem:s14], [sflag:$0xB], $0x1400, $0x38;
	[tilespmem:$0x1BA80] =	vst v63  }
0x13e: {  	_ =	swait.ge [sflag:s13], $0x1400  }
0x13f: {  	[sflag:s13] =	ssyncset.done $0x0  }
0x140: {  	s16 =	rddreg [dreg:$0xa];
	[sflag:s13] =	ssyncadd.s32 $0xFFFFEC00  }
0x141: {  	[tilespmem:s15], [sflag:$0xB] =	stream.linear.gather [spmem:s16], $0x1400, $0x38;
	[tilespmem:$0x1BA80] =	vst v63  }
0x142: {  	_ =	swait.ge [sflag:s13], $0x1400  }
0x143: {  	s17 =	rddreg [dreg:$0x1e]  }
0x144: {  	[sflag:s13] =	ssyncset.done $0x0;
	s1 =	sshll.u32 s17, $0x4  }
0x145: {  	[sflag:s13] =	ssyncadd.s32 $0xFFFFEC00;
	[smem:$0x7F5] =	sst s1;
	s1 =	sadd.s32 s20, s1  }
0x146: {  	[hbm4b:s1+s30] =	stream.linear.scatter [tilespmem:s15], [sflag:$0xB], $0x1400, $0x38;
	[tilespmem:$0x1BA80] =	vst v63  }
0x147: {  	_ =	swait.ge [sflag:s13], $0x1400  }
0x148: {  	[sflag:s13] =	ssyncset.done $0x0  }
0x149: {  	[sflag:s13] =	ssyncadd.s32 $0xFFFFEC00  }
0x14a: {  	[spmem:s16] =	stream.linear.scatter [tilespmem:s14], [sflag:$0xB], $0x1400, $0x38;
	[tilespmem:$0x1BA80] =	vst v63  }
0x14b: {  	_ =	swait.ge [sflag:s13], $0x1400  }
0x14c: {  	[sflag:s13] =	ssyncset.done $0x0  }
0x14d: {  	s26 =	rddreg [dreg:$0x9];
	[sflag:s13] =	ssyncadd.s32 $0xFFFFEC00  }
0x14e: {  	[tilespmem:s15], [sflag:$0xB] =	stream.linear.gather [spmem:s26], $0x1400, $0x38;
	[tilespmem:$0x1BA80] =	vst v63  }
0x14f: {  	_ =	swait.ge [sflag:s13], $0x1400  }
0x150: {  	s3 =	rddreg [dreg:$0x1d]  }
0x151: {  	[sflag:s13] =	ssyncset.done $0x0;
	s1 =	sshll.u32 s3, $0x4  }
0x152: {  	[sflag:s13] =	ssyncadd.s32 $0xFFFFEC00;
	s4 =	sadd.s32 s20, s1  }
0x153: {  	[hbm4b:s4+s30] =	stream.linear.scatter [tilespmem:s15], [sflag:$0xB], $0x1400, $0x38;
	[tilespmem:$0x1BA80] =	vst v63  }
0x154: {  	_ =	swait.ge [sflag:s13], $0x1400  }
0x155: {  	[sflag:s13] =	ssyncset.done $0x0  }
0x156: {  	[sflag:s13] =	ssyncadd.s32 $0xFFFFEC00  }
0x157: {  	[spmem:s26] =	stream.linear.scatter [tilespmem:s14], [sflag:$0xB], $0x1400, $0x38;
	[tilespmem:$0x1BA80] =	vst v63  }
0x158: {  	_ =	swait.ge [sflag:s13], $0x1400  }
0x159: {  	[sflag:s13] =	ssyncset.done $0x0  }
0x15a: {  	s5 =	rddreg [dreg:$0x8];
	[sflag:s13] =	ssyncadd.s32 $0xFFFFEC00  }
0x15b: {  	[tilespmem:s15], [sflag:$0xB] =	stream.linear.gather [spmem:s5], $0x1400, $0x38;
	[tilespmem:$0x1BA80] =	vst v63  }
0x15c: {  	_ =	swait.ge [sflag:s13], $0x1400  }
0x15d: {  	s6 =	rddreg [dreg:$0x1b]  }
0x15e: {  	[sflag:s13] =	ssyncset.done $0x0;
	s10 =	sshll.u32 s6, $0x4  }
0x15f: {  	[sflag:s13] =	ssyncadd.s32 $0xFFFFEC00;
	s3 =	sadd.s32 s20, s10  }
0x160: {  	[hbm4b:s3+s30] =	stream.linear.scatter [tilespmem:s15], [sflag:$0xB], $0x1400, $0x38;
	[tilespmem:$0x1BA80] =	vst v63  }
0x161: {  	_ =	swait.ge [sflag:s13], $0x1400  }
0x162: {  	[sflag:s13] =	ssyncset.done $0x0  }
0x163: {  	[sflag:s13] =	ssyncadd.s32 $0xFFFFEC00  }
0x164: {  	[spmem:s5] =	stream.linear.scatter [tilespmem:s14], [sflag:$0xB], $0x1400, $0x38;
	[tilespmem:$0x1BA80] =	vst v63  }
0x165: {  	_ =	swait.ge [sflag:s13], $0x1400  }
0x166: {  	[sflag:s13] =	ssyncset.done $0x0  }
0x167: {  	s7 =	rddreg [dreg:$0x7];
	[sflag:s13] =	ssyncadd.s32 $0xFFFFEC00  }
0x168: {  	[tilespmem:s15], [sflag:$0xB] =	stream.linear.gather [spmem:s7], $0x1400, $0x38;
	[tilespmem:$0x1BA80] =	vst v63  }
0x169: {  	_ =	swait.ge [sflag:s13], $0x1400  }
0x16a: {  	s8 =	rddreg [dreg:$0x19]  }
0x16b: {  	[sflag:s13] =	ssyncset.done $0x0;
	s11 =	sshll.u32 s8, $0x4  }
0x16c: {  	[sflag:s13] =	ssyncadd.s32 $0xFFFFEC00;
	s3 =	sadd.s32 s20, s11  }
0x16d: {  	[hbm4b:s3+s30] =	stream.linear.scatter [tilespmem:s15], [sflag:$0xB], $0x1400, $0x38;
	[tilespmem:$0x1BA80] =	vst v63  }
0x16e: {  	_ =	swait.ge [sflag:s13], $0x1400  }
0x16f: {  	[sflag:s13] =	ssyncset.done $0x0  }
0x170: {  	[sflag:s13] =	ssyncadd.s32 $0xFFFFEC00  }
0x171: {  	[spmem:s7] =	stream.linear.scatter [tilespmem:s14], [sflag:$0xB], $0x1400, $0x38;
	[tilespmem:$0x1BA80] =	vst v63  }
0x172: {  	_ =	swait.ge [sflag:s13], $0x1400  }
0x173: {  	[sflag:s13] =	ssyncset.done $0x0  }
0x174: {  	s9 =	rddreg [dreg:$0x6];
	[sflag:s13] =	ssyncadd.s32 $0xFFFFEC00  }
0x175: {  	[tilespmem:s15], [sflag:$0xB] =	stream.linear.gather [spmem:s9], $0x1400, $0x38;
	[tilespmem:$0x1BA80] =	vst v63  }
0x176: {  	_ =	swait.ge [sflag:s13], $0x1400  }
0x177: {  	s12 =	rddreg [dreg:$0x17]  }
0x178: {  	[sflag:s13] =	ssyncset.done $0x0;
	s12 =	sshll.u32 s12, $0x4  }
0x179: {  	[sflag:s13] =	ssyncadd.s32 $0xFFFFEC00;
	s3 =	sadd.s32 s20, s12  }
0x17a: {  	[hbm4b:s3+s30] =	stream.linear.scatter [tilespmem:s15], [sflag:$0xB], $0x1400, $0x38;
	[tilespmem:$0x1BA80] =	vst v63  }
0x17b: {  	_ =	swait.ge [sflag:s13], $0x1400  }
0x17c: {  	[sflag:s13] =	ssyncset.done $0x0  }
0x17d: {  	[sflag:s13] =	ssyncadd.s32 $0xFFFFEC00  }
0x17e: {  	[spmem:s9] =	stream.linear.scatter [tilespmem:s14], [sflag:$0xB], $0x1400, $0x38;
	[tilespmem:$0x1BA80] =	vst v63  }
0x17f: {  	s28 =	simm.s32 $0x1;
	_ =	swait.ge [sflag:s13], $0x1400  }
0x180: {  	s29 =	simm.s32 $0x6680;
	s31 =	simm.s32 $0x4;
	[sflag:s13] =	ssyncset.done $0x0  }
0x181: {  	s4 =	simm.s32 $0x0;
	s6 =	simm.s32 $0x2;
	[sflag:s13] =	ssyncadd.s32 $0xFFFFEC00  }
0x182: {  	s8 =	simm.s32 $0x3;
	s14 =	rddreg [dreg:$0x1c];
	[bflag:$0x0] =	sbarrier.arrive $0xFFFF  }
0x183: {  	s7 =	simm.s32 $0x5;
	s3 =	simm.s32 $0x28;
	s16 =	rddreg [dreg:$0x16]  }
0x184: {  	s9 =	simm.s32 $0x100;
	s15 =	sshrl.u32 s14, $0x3;
	s17 =	rddreg [dreg:$0x18]  }
0x185: {  	[tilespmem:s30], [sflag:$0x1] =	stream.linear.gather [hbm4b:s16+s30], $0x28, $0x38;
	[tilespmem:$0x1BA80] =	vst v63  }
0x186: {  	s14 =	simm.s32 $0x80;
	s13 =	sadd.s32 s18, s15;
	s26 =	rddreg [dreg:$0x1a]  }
0x187: {  	[tilespmem:s14], [sflag:$0x2] =	stream.linear.gather [hbm4b:s17+s30], $0x28, $0x38;
	[tilespmem:$0x1BA80] =	vst v63  }
0x188: {  	s15 =	sadd.s32 $0xA, s26;
	s16 =	simm.s32 $0x180;
	s17 =	simm.s32 $0x200  }
.LBB2_4:
0x189: {  	p0 =	seq.s32 s4, $0x0  }
0x18a: {  	s5 =	simm.s32 @p0 $0x0;
	s26 =	simm.s32 @p0 $0x100  }
0x18b: {  	[tilespmem:s26], [sflag:$0x3] =	stream.linear.gather @p0 [hbm4b:s13+s5], $0x28, $0x38;
	[tilespmem:$0x1BA80] =	vst v63  }
0x18c: {  	s5 =	simm.s32 @!p0 $0x8  }
0x18d: {  	_ =	swait.ge @!p0 [sflag:s5], $0x1400  }
0x18e: {  	[sflag:s5] =	ssyncset.done @!p0 $0x0  }
0x18f: {  	s26 =	simm.s32 @!p0 $0x100;
	[sflag:s5] =	ssyncadd.s32 @!p0 $0xFFFFEC00;
	s5 =	simm.s32 @!p0 $0x0  }
0x190: {  	[tilespmem:s26], [sflag:$0x3] =	stream.linear.gather @!p0 [hbm4b:s15+s5], $0x28, $0x38;
	[tilespmem:$0x1BA80] =	vst v63  }
0x191: {  	s5 =	smov.u32 s4  }
0x192: {  	s26 =	simm.s32 @!p0 $0x9;
	s5 =	simm.s32 @p0 $0x0  }
0x193: {  	_ =	swait.ge @!p0 [sflag:s26], $0x1400;
	s0 =	sadd.s32 s5, s21  }
0x194: {  	[sflag:s26] =	ssyncset.done @!p0 $0x0;
	s0 =	sshrl.u32 s0, $0x3  }
0x195: {  	[sflag:s26] =	ssyncadd.s32 @!p0 $0xFFFFEC00;
	s0 =	sadd.s32 s18, s0  }
0x196: {  	[tilespmem:s16], [sflag:$0x4] =	stream.linear.gather [hbm4b:s0+s30], $0x28, $0x38;
	[tilespmem:$0x1BA80] =	vst v63  }
0x197: {  	s0 =	simm.s32 @!p0 $0xA  }
0x198: {  	s26 =	sadd.s32 s5, s22;
	_ =	swait.ge @!p0 [sflag:s0], $0x1400  }
0x199: {  	s26 =	sshrl.u32 s26, $0x3;
	[sflag:s0] =	ssyncset.done @!p0 $0x0  }
0x19a: {  	s26 =	sadd.s32 s18, s26;
	[sflag:s0] =	ssyncadd.s32 @!p0 $0xFFFFEC00  }
0x19b: {  	[tilespmem:s17], [sflag:$0x5] =	stream.linear.gather [hbm4b:s26+s30], $0x28, $0x38;
	[tilespmem:$0x1BA80] =	vst v63  }
0x19c: {  	_ =	swait.ge [sflag:s28], $0x28  }
0x19d: {  	[sflag:s28] =	ssyncset.done $0x0  }
0x19e: {  	[sflag:s28] =	ssyncadd.s32 $0xFFFFFFD8  }
0x19f: {  	[spmem:s19] =	stream.indirect.scatter.add.f32 [tilespmem:s29], [sflag:$0x6], $0x80, s30, s3, $0xb8;
	[tilespmem:$0x1BA80] =	vst v63  }
0x1a0: {  	_ =	swait.ge [sflag:s6], $0x28  }
0x1a1: {  	[sflag:s6] =	ssyncset.done $0x0  }
0x1a2: {  	[sflag:s6] =	ssyncadd.s32 $0xFFFFFFD8  }
0x1a3: {  	[spmem:s19] =	stream.indirect.scatter.add.f32 [tilespmem:s29], [sflag:$0x7], $0x80, s14, s3, $0xb8;
	[tilespmem:$0x1BA80] =	vst v63  }
0x1a4: {  	_ =	swait.ge [sflag:s8], $0x28  }
0x1a5: {  	[sflag:s8] =	ssyncset.done $0x0  }
0x1a6: {  	[sflag:s8] =	ssyncadd.s32 $0xFFFFFFD8  }
0x1a7: {  	[spmem:s19] =	stream.indirect.scatter.add.f32 [tilespmem:s29], [sflag:$0x8], $0x80, s9, s3, $0xb8;
	[tilespmem:$0x1BA80] =	vst v63  }
0x1a8: {  	_ =	swait.ge [sflag:s31], $0x28  }
0x1a9: {  	[sflag:s31] =	ssyncset.done $0x0  }
0x1aa: {  	p0 =	seq.s32 s4, $0x4D58;
	[sflag:s31] =	ssyncadd.s32 $0xFFFFFFD8  }
0x1ab: {  	[spmem:s19] =	stream.indirect.scatter.add.f32 [tilespmem:s29], [sflag:$0x9], $0x80, s16, s3, $0xb8;
	[tilespmem:$0x1BA80] =	vst v63  }
.Ltmp2:
0x1ac: {  	_ = 	snop;
	(pc) =	sbr.rel @p0 .LBB2_6-.Ltmp2, $4  }
0x1ad: {  	_ =	swait.ge [sflag:s7], $0x28  }
0x1ae: {  	[sflag:s7] =	ssyncset.done $0x0  }
0x1af: {  	[sflag:s7] =	ssyncadd.s32 $0xFFFFFFD8  }
0x1b0: {  	[spmem:s19] =	stream.indirect.scatter.add.f32 [tilespmem:s29], [sflag:$0xA], $0x80, s17, s3, $0xb8;
	[tilespmem:$0x1BA80] =	vst v63  }
0x1b1: {  	_ =	swait.ge [sflag:s25], $0x1400;
	s0 =	sadd.s32 s5, s23  }
0x1b2: {  	[sflag:s25] =	ssyncset.done $0x0;
	s0 =	sshrl.u32 s0, $0x3  }
0x1b3: {  	[sflag:s25] =	ssyncadd.s32 $0xFFFFEC00;
	s0 =	sadd.s32 s18, s0  }
0x1b4: {  	[tilespmem:s30], [sflag:$0x1] =	stream.linear.gather [hbm4b:s0+s30], $0x28, $0x38;
	[tilespmem:$0x1BA80] =	vst v63  }
.Ltmp3:
0x1b5: {  	_ = 	snop;
	(pc) =	sbr.rel .LBB2_4-.Ltmp3, $4  }
0x1b6: {  	s26 =	sadd.s32 s5, s24;
	_ =	swait.ge [sflag:s2], $0x1400  }
0x1b7: {  	s4 =	sadd.s32 $0xC8, s4;
	s0 =	sshrl.u32 s26, $0x3;
	[sflag:s2] =	ssyncset.done $0x0  }
0x1b8: {  	s15 =	sadd.s32 $0x19, s15;
	s0 =	sadd.s32 s18, s0;
	[sflag:s2] =	ssyncadd.s32 $0xFFFFEC00  }
0x1b9: {  	[tilespmem:s14], [sflag:$0x2] =	stream.linear.gather [hbm4b:s0+s30], $0x28, $0x38;
	[tilespmem:$0x1BA80] =	vst v63  }
.LBB2_6:
0x1ba: {  	s0 =	simm.s32 $0x6  }
0x1bb: {  	_ =	swait.ge [sflag:s0], $0x1400  }
0x1bc: {  	[sflag:s0] =	ssyncset.done $0x0  }
0x1bd: {  	s15 =	simm.s32 $0x7;
	[sflag:s0] =	ssyncadd.s32 $0xFFFFEC00  }
0x1be: {  	_ =	swait.ge [sflag:s15], $0x1400  }
0x1bf: {  	[sflag:s15] =	ssyncset.done $0x0  }
0x1c0: {  	s16 =	simm.s32 $0x8;
	[sflag:s15] =	ssyncadd.s32 $0xFFFFEC00  }
0x1c1: {  	_ =	swait.ge [sflag:s16], $0x1400  }
0x1c2: {  	[sflag:s16] =	ssyncset.done $0x0  }
0x1c3: {  	s17 =	simm.s32 $0x9;
	[sflag:s16] =	ssyncadd.s32 $0xFFFFEC00  }
0x1c4: {  	_ =	swait.ge [sflag:s17], $0x1400  }
0x1c5: {  	[sflag:s17] =	ssyncset.done $0x0  }
0x1c6: {  	s18 =	simm.s32 $0xA;
	[sflag:s17] =	ssyncadd.s32 $0xFFFFEC00  }
0x1c7: {  	_ =	swait.ge [sflag:s18], $0x1400  }
0x1c8: {  	[sflag:s18] =	ssyncset.done $0x0  }
0x1c9: {  	[sflag:s18] =	ssyncadd.s32 $0xFFFFEC00  }
0x1ca: {  	[bflag:$0x0] =	sbarrier.arrive $0xFFFF  }
0x1cb: {  	s13 =	simm.s32 $0x280;
	s2 =	simm.s32 $0xB;
	s19 =	rddreg [dreg:$0x15]  }
0x1cc: {  	[tilespmem:s13], [sflag:$0xB] =	stream.linear.gather [spmem:s19], $0x1400, $0x38;
	[tilespmem:$0x1BA80] =	vst v63  }
0x1cd: {  	_ =	swait.ge [sflag:s2], $0x1400  }
0x1ce: {  	s21 =	sld [smem:$0x7EA];
	_ =	sdelay $0x1  }
0x1cf: {  	s14 =	sadd.s32 $0x28000, s20;
	[sflag:s2] =	ssyncset.done $0x0  }
0x1d0: {  	s15 =	simm.s32 $0x0;
	[sflag:s2] =	ssyncadd.s32 $0xFFFFEC00;
	s0 =	sadd.s32 s21, s14  }
0x1d1: {  	[hbm4b:s0+s15] =	stream.linear.scatter [tilespmem:s13], [sflag:$0xB], $0x1400, $0x38;
	[tilespmem:$0x1BA80] =	vst v63  }
0x1d2: {  	_ =	swait.ge [sflag:s2], $0x1400  }
0x1d3: {  	[sflag:s2] =	ssyncset.done $0x0  }
0x1d4: {  	s22 =	rddreg [dreg:$0x14];
	[sflag:s2] =	ssyncadd.s32 $0xFFFFEC00  }
0x1d5: {  	[tilespmem:s13], [sflag:$0xB] =	stream.linear.gather [spmem:s22], $0x1400, $0x38;
	[tilespmem:$0x1BA80] =	vst v63  }
0x1d6: {  	_ =	swait.ge [sflag:s2], $0x1400  }
0x1d7: {  	s23 =	sld [smem:$0x7EB];
	_ =	sdelay $0x1  }
0x1d8: {  	[sflag:s2] =	ssyncset.done $0x0  }
0x1d9: {  	[sflag:s2] =	ssyncadd.s32 $0xFFFFEC00;
	s0 =	sadd.s32 s23, s14  }
0x1da: {  	[hbm4b:s0+s15] =	stream.linear.scatter [tilespmem:s13], [sflag:$0xB], $0x1400, $0x38;
	[tilespmem:$0x1BA80] =	vst v63  }
0x1db: {  	_ =	swait.ge [sflag:s2], $0x1400  }
0x1dc: {  	[sflag:s2] =	ssyncset.done $0x0  }
0x1dd: {  	s24 =	rddreg [dreg:$0x13];
	[sflag:s2] =	ssyncadd.s32 $0xFFFFEC00  }
0x1de: {  	[tilespmem:s13], [sflag:$0xB] =	stream.linear.gather [spmem:s24], $0x1400, $0x38;
	[tilespmem:$0x1BA80] =	vst v63  }
0x1df: {  	_ =	swait.ge [sflag:s2], $0x1400  }
0x1e0: {  	s25 =	sld [smem:$0x7EC];
	_ =	sdelay $0x1  }
0x1e1: {  	[sflag:s2] =	ssyncset.done $0x0  }
0x1e2: {  	[sflag:s2] =	ssyncadd.s32 $0xFFFFEC00;
	s0 =	sadd.s32 s25, s14  }
0x1e3: {  	[hbm4b:s0+s15] =	stream.linear.scatter [tilespmem:s13], [sflag:$0xB], $0x1400, $0x38;
	[tilespmem:$0x1BA80] =	vst v63  }
0x1e4: {  	_ =	swait.ge [sflag:s2], $0x1400  }
0x1e5: {  	[sflag:s2] =	ssyncset.done $0x0  }
0x1e6: {  	s26 =	rddreg [dreg:$0x12];
	[sflag:s2] =	ssyncadd.s32 $0xFFFFEC00  }
0x1e7: {  	[tilespmem:s13], [sflag:$0xB] =	stream.linear.gather [spmem:s26], $0x1400, $0x38;
	[tilespmem:$0x1BA80] =	vst v63  }
0x1e8: {  	_ =	swait.ge [sflag:s2], $0x1400  }
0x1e9: {  	s28 =	sld [smem:$0x7ED];
	_ =	sdelay $0x1  }
0x1ea: {  	[sflag:s2] =	ssyncset.done $0x0  }
0x1eb: {  	[sflag:s2] =	ssyncadd.s32 $0xFFFFEC00;
	s0 =	sadd.s32 s28, s14  }
0x1ec: {  	[hbm4b:s0+s15] =	stream.linear.scatter [tilespmem:s13], [sflag:$0xB], $0x1400, $0x38;
	[tilespmem:$0x1BA80] =	vst v63  }
0x1ed: {  	_ =	swait.ge [sflag:s2], $0x1400  }
0x1ee: {  	[sflag:s2] =	ssyncset.done $0x0  }
0x1ef: {  	s29 =	rddreg [dreg:$0x11];
	[sflag:s2] =	ssyncadd.s32 $0xFFFFEC00  }
0x1f0: {  	[tilespmem:s13], [sflag:$0xB] =	stream.linear.gather [spmem:s29], $0x1400, $0x38;
	[tilespmem:$0x1BA80] =	vst v63  }
0x1f1: {  	_ =	swait.ge [sflag:s2], $0x1400  }
0x1f2: {  	s30 =	sld [smem:$0x7EE];
	_ =	sdelay $0x1  }
0x1f3: {  	[sflag:s2] =	ssyncset.done $0x0  }
0x1f4: {  	[sflag:s2] =	ssyncadd.s32 $0xFFFFEC00;
	s0 =	sadd.s32 s30, s14  }
0x1f5: {  	[hbm4b:s0+s15] =	stream.linear.scatter [tilespmem:s13], [sflag:$0xB], $0x1400, $0x38;
	[tilespmem:$0x1BA80] =	vst v63  }
0x1f6: {  	_ =	swait.ge [sflag:s2], $0x1400  }
0x1f7: {  	[sflag:s2] =	ssyncset.done $0x0  }
0x1f8: {  	s31 =	rddreg [dreg:$0x10];
	[sflag:s2] =	ssyncadd.s32 $0xFFFFEC00  }
0x1f9: {  	[tilespmem:s13], [sflag:$0xB] =	stream.linear.gather [spmem:s31], $0x1400, $0x38;
	[tilespmem:$0x1BA80] =	vst v63  }
0x1fa: {  	_ =	swait.ge [sflag:s2], $0x1400  }
0x1fb: {  	s3 =	sld [smem:$0x7EF];
	_ =	sdelay $0x1  }
0x1fc: {  	[sflag:s2] =	ssyncset.done $0x0  }
0x1fd: {  	[sflag:s2] =	ssyncadd.s32 $0xFFFFEC00;
	s0 =	sadd.s32 s3, s14  }
0x1fe: {  	[hbm4b:s0+s15] =	stream.linear.scatter [tilespmem:s13], [sflag:$0xB], $0x1400, $0x38;
	[tilespmem:$0x1BA80] =	vst v63  }
0x1ff: {  	_ =	swait.ge [sflag:s2], $0x1400  }
0x200: {  	[sflag:s2] =	ssyncset.done $0x0  }
0x201: {  	s4 =	rddreg [dreg:$0xf];
	[sflag:s2] =	ssyncadd.s32 $0xFFFFEC00  }
0x202: {  	[tilespmem:s13], [sflag:$0xB] =	stream.linear.gather [spmem:s4], $0x1400, $0x38;
	[tilespmem:$0x1BA80] =	vst v63  }
0x203: {  	_ =	swait.ge [sflag:s2], $0x1400  }
0x204: {  	s5 =	sld [smem:$0x7F0];
	_ =	sdelay $0x1  }
0x205: {  	[sflag:s2] =	ssyncset.done $0x0  }
0x206: {  	[sflag:s2] =	ssyncadd.s32 $0xFFFFEC00;
	s0 =	sadd.s32 s5, s14  }
0x207: {  	[hbm4b:s0+s15] =	stream.linear.scatter [tilespmem:s13], [sflag:$0xB], $0x1400, $0x38;
	[tilespmem:$0x1BA80] =	vst v63  }
0x208: {  	_ =	swait.ge [sflag:s2], $0x1400  }
0x209: {  	[sflag:s2] =	ssyncset.done $0x0  }
0x20a: {  	s6 =	rddreg [dreg:$0xe];
	[sflag:s2] =	ssyncadd.s32 $0xFFFFEC00  }
0x20b: {  	[tilespmem:s13], [sflag:$0xB] =	stream.linear.gather [spmem:s6], $0x1400, $0x38;
	[tilespmem:$0x1BA80] =	vst v63  }
0x20c: {  	_ =	swait.ge [sflag:s2], $0x1400  }
0x20d: {  	s7 =	sld [smem:$0x7F1];
	_ =	sdelay $0x1  }
0x20e: {  	[sflag:s2] =	ssyncset.done $0x0  }
0x20f: {  	[sflag:s2] =	ssyncadd.s32 $0xFFFFEC00;
	s0 =	sadd.s32 s7, s14  }
0x210: {  	[hbm4b:s0+s15] =	stream.linear.scatter [tilespmem:s13], [sflag:$0xB], $0x1400, $0x38;
	[tilespmem:$0x1BA80] =	vst v63  }
0x211: {  	_ =	swait.ge [sflag:s2], $0x1400  }
0x212: {  	[sflag:s2] =	ssyncset.done $0x0  }
0x213: {  	s8 =	rddreg [dreg:$0xd];
	[sflag:s2] =	ssyncadd.s32 $0xFFFFEC00  }
0x214: {  	[tilespmem:s13], [sflag:$0xB] =	stream.linear.gather [spmem:s8], $0x1400, $0x38;
	[tilespmem:$0x1BA80] =	vst v63  }
0x215: {  	_ =	swait.ge [sflag:s2], $0x1400  }
0x216: {  	s9 =	sld [smem:$0x7F2];
	_ =	sdelay $0x1  }
0x217: {  	[sflag:s2] =	ssyncset.done $0x0  }
0x218: {  	[sflag:s2] =	ssyncadd.s32 $0xFFFFEC00;
	s0 =	sadd.s32 s9, s14  }
0x219: {  	[hbm4b:s0+s15] =	stream.linear.scatter [tilespmem:s13], [sflag:$0xB], $0x1400, $0x38;
	[tilespmem:$0x1BA80] =	vst v63  }
0x21a: {  	_ =	swait.ge [sflag:s2], $0x1400  }
0x21b: {  	[sflag:s2] =	ssyncset.done $0x0  }
0x21c: {  	s16 =	rddreg [dreg:$0xc];
	[sflag:s2] =	ssyncadd.s32 $0xFFFFEC00  }
0x21d: {  	[tilespmem:s13], [sflag:$0xB] =	stream.linear.gather [spmem:s16], $0x1400, $0x38;
	[tilespmem:$0x1BA80] =	vst v63  }
0x21e: {  	_ =	swait.ge [sflag:s2], $0x1400  }
0x21f: {  	s17 =	sld [smem:$0x7F3];
	_ =	sdelay $0x1  }
0x220: {  	[sflag:s2] =	ssyncset.done $0x0  }
0x221: {  	[sflag:s2] =	ssyncadd.s32 $0xFFFFEC00;
	s0 =	sadd.s32 s17, s14  }
0x222: {  	[hbm4b:s0+s15] =	stream.linear.scatter [tilespmem:s13], [sflag:$0xB], $0x1400, $0x38;
	[tilespmem:$0x1BA80] =	vst v63  }
0x223: {  	_ =	swait.ge [sflag:s2], $0x1400  }
0x224: {  	[sflag:s2] =	ssyncset.done $0x0  }
0x225: {  	s18 =	rddreg [dreg:$0xb];
	[sflag:s2] =	ssyncadd.s32 $0xFFFFEC00  }
0x226: {  	[tilespmem:s13], [sflag:$0xB] =	stream.linear.gather [spmem:s18], $0x1400, $0x38;
	[tilespmem:$0x1BA80] =	vst v63  }
0x227: {  	_ =	swait.ge [sflag:s2], $0x1400  }
0x228: {  	s19 =	sld [smem:$0x7F4];
	_ =	sdelay $0x1  }
0x229: {  	[sflag:s2] =	ssyncset.done $0x0  }
0x22a: {  	[sflag:s2] =	ssyncadd.s32 $0xFFFFEC00;
	s0 =	sadd.s32 s19, s14  }
0x22b: {  	[hbm4b:s0+s15] =	stream.linear.scatter [tilespmem:s13], [sflag:$0xB], $0x1400, $0x38;
	[tilespmem:$0x1BA80] =	vst v63  }
0x22c: {  	_ =	swait.ge [sflag:s2], $0x1400  }
0x22d: {  	[sflag:s2] =	ssyncset.done $0x0  }
0x22e: {  	s20 =	rddreg [dreg:$0xa];
	[sflag:s2] =	ssyncadd.s32 $0xFFFFEC00  }
0x22f: {  	[tilespmem:s13], [sflag:$0xB] =	stream.linear.gather [spmem:s20], $0x1400, $0x38;
	[tilespmem:$0x1BA80] =	vst v63  }
0x230: {  	_ =	swait.ge [sflag:s2], $0x1400  }
0x231: {  	s21 =	sld [smem:$0x7F5];
	_ =	sdelay $0x1  }
0x232: {  	[sflag:s2] =	ssyncset.done $0x0  }
0x233: {  	[sflag:s2] =	ssyncadd.s32 $0xFFFFEC00;
	s0 =	sadd.s32 s21, s14  }
0x234: {  	[hbm4b:s0+s15] =	stream.linear.scatter [tilespmem:s13], [sflag:$0xB], $0x1400, $0x38;
	[tilespmem:$0x1BA80] =	vst v63  }
0x235: {  	_ =	swait.ge [sflag:s2], $0x1400  }
0x236: {  	[sflag:s2] =	ssyncset.done $0x0  }
0x237: {  	s22 =	rddreg [dreg:$0x9];
	[sflag:s2] =	ssyncadd.s32 $0xFFFFEC00  }
0x238: {  	[tilespmem:s13], [sflag:$0xB] =	stream.linear.gather [spmem:s22], $0x1400, $0x38;
	[tilespmem:$0x1BA80] =	vst v63  }
0x239: {  	_ =	swait.ge [sflag:s2], $0x1400  }
0x23a: {  	[sflag:s2] =	ssyncset.done $0x0  }
0x23b: {  	s23 =	sadd.s32 s1, s14;
	[sflag:s2] =	ssyncadd.s32 $0xFFFFEC00  }
0x23c: {  	[hbm4b:s23+s15] =	stream.linear.scatter [tilespmem:s13], [sflag:$0xB], $0x1400, $0x38;
	[tilespmem:$0x1BA80] =	vst v63  }
0x23d: {  	_ =	swait.ge [sflag:s2], $0x1400  }
0x23e: {  	[sflag:s2] =	ssyncset.done $0x0  }
0x23f: {  	s24 =	rddreg [dreg:$0x8];
	[sflag:s2] =	ssyncadd.s32 $0xFFFFEC00  }
0x240: {  	[tilespmem:s13], [sflag:$0xB] =	stream.linear.gather [spmem:s24], $0x1400, $0x38;
	[tilespmem:$0x1BA80] =	vst v63  }
0x241: {  	_ =	swait.ge [sflag:s2], $0x1400  }
0x242: {  	[sflag:s2] =	ssyncset.done $0x0  }
0x243: {  	s25 =	sadd.s32 s10, s14;
	[sflag:s2] =	ssyncadd.s32 $0xFFFFEC00  }
0x244: {  	[hbm4b:s25+s15] =	stream.linear.scatter [tilespmem:s13], [sflag:$0xB], $0x1400, $0x38;
	[tilespmem:$0x1BA80] =	vst v63  }
0x245: {  	_ =	swait.ge [sflag:s2], $0x1400  }
0x246: {  	[sflag:s2] =	ssyncset.done $0x0  }
0x247: {  	s26 =	rddreg [dreg:$0x7];
	[sflag:s2] =	ssyncadd.s32 $0xFFFFEC00  }
0x248: {  	[tilespmem:s13], [sflag:$0xB] =	stream.linear.gather [spmem:s26], $0x1400, $0x38;
	[tilespmem:$0x1BA80] =	vst v63  }
0x249: {  	_ =	swait.ge [sflag:s2], $0x1400  }
0x24a: {  	[sflag:s2] =	ssyncset.done $0x0  }
0x24b: {  	s28 =	sadd.s32 s11, s14;
	[sflag:s2] =	ssyncadd.s32 $0xFFFFEC00  }
0x24c: {  	[hbm4b:s28+s15] =	stream.linear.scatter [tilespmem:s13], [sflag:$0xB], $0x1400, $0x38;
	[tilespmem:$0x1BA80] =	vst v63  }
0x24d: {  	_ =	swait.ge [sflag:s2], $0x1400  }
0x24e: {  	[sflag:s2] =	ssyncset.done $0x0  }
0x24f: {  	s29 =	rddreg [dreg:$0x6];
	[sflag:s2] =	ssyncadd.s32 $0xFFFFEC00  }
0x250: {  	[tilespmem:s13], [sflag:$0xB] =	stream.linear.gather [spmem:s29], $0x1400, $0x38;
	[tilespmem:$0x1BA80] =	vst v63  }
0x251: {  	_ =	swait.ge [sflag:s2], $0x1400  }
0x252: {  	[sflag:s2] =	ssyncset.done $0x0  }
0x253: {  	s30 =	sadd.s32 s12, s14;
	[sflag:s2] =	ssyncadd.s32 $0xFFFFEC00  }
0x254: {  	[hbm4b:s30+s15] =	stream.linear.scatter [tilespmem:s13], [sflag:$0xB], $0x1400, $0x38;
	[tilespmem:$0x1BA80] =	vst v63  }
0x255: {  	_ =	swait.ge [sflag:s2], $0x1400  }
0x256: {  	[sflag:s2] =	ssyncset.done $0x0  }
0x257: {  	[sflag:s2] =	ssyncadd.s32 $0xFFFFEC00  }
0x258: {  	_ =	sfence.sel $0x180000  }
0x259: {  	[bflag:$0x0] =	sbarrier.arrive $0xFFFF  }
0x25a: {  	_ =	strace $0x90000047  }
0x25b: {  	s31 =	stileid.u32;
	[bflag:$0x2] =	sbarrier.arrive $0xFFFF  }
0x25c: {  	p0 =	sne.s32 s31, $0x0;
	s0 =	rddreg [dreg:$0x5]  }
0x25d: {  	s0 =	sadd.s32 @!p0 $0x100000, s0  }
0x25e: {  	[sflag:s0] =	ssyncadd.tile.s32 @!p0 $0x1;
	_ =	shalt  }
.Lfunc_end2:
_tile_overlayer_lowered:
.L_overlay_start_2:
0x25f: {  	(tag) =	ssettag $0x2  }
0x260: {  	s0 =	rddreg [dreg:$0x0];
	s2 =	stileid.u32  }
0x261: {  	s1 =	rddreg [dreg:$0x1];
	p0 =	sne.s32 s2, $0x0  }
0x262: {  	s3 =	rddreg [dreg:$0x2];
	[bflag:$0x3] =	sbarrier.arrive $0xFFFF;
	s2 =	simm.s32 @!p0 $0x1C0B  }
0x263: {  	[timem:s3], [sflag:s2] =	dma.local @!p0 [hbm:s0], s1  }
0x264: {  	s0 =	simm.s32 @!p0 $0xB  }
0x265: {  	_ =	swait.ge @!p0 [sflag:s0], s1  }
0x266: {  	s1 =	ssub.s32 @!p0 $0x0, s1;
	[sflag:s0] =	ssyncset.done @!p0 $0x0  }
0x267: {  	[sflag:s0] =	ssyncadd.s32 @!p0 s1  }
0x268: {  	[bflag:$0x3] =	sbarrier.arrive $0xFFFF  }
0x269: {  	_ =	shalt  }

</sc_bundles>
